<compile_context>
chip_gen: v7x
topology: tpu7x:2x2x1
jax: 0.10.2.dev20260603
libtpu: 0.0.44.dev20260713+nightly
codegen_flags: <defaults>
</compile_context>

<pallas_src>
import functools

import jax
import jax.numpy as jnp
from jax import lax
from jax.experimental import pallas as pl
from jax.experimental.pallas import tpu as pltpu
from jax.experimental.pallas import tpu_sc as plsc

N = 10000
NP = 10240
E = 160000
EP = 163840
CIN = 256
CHID = 512
COUT = 40
COP = 64
NC = 2
NS = 16
CH = 128
STRIPE = NP // NS
MB = 256

_mesh = plsc.VectorSubcoreMesh(
    core_axis_name="c", subcore_axis_name="s", num_cores=NC, num_subcores=NS)


@functools.partial(
    pl.kernel,
    out_type=(jax.ShapeDtypeStruct((NP, 16), jnp.float32),
              jax.ShapeDtypeStruct((NP, 16), jnp.float32)),
    mesh=_mesh,
    compiler_params=pltpu.CompilerParams(use_tc_tiling_on_sc=False),
    scratch_types=[
        pltpu.VMEM((4, CH), jnp.int32),
        pltpu.VMEM((CH, 16), jnp.float32),
        pltpu.VMEM((CH, 16), jnp.float32),
        pltpu.VMEM_SHARED((NP, 16), jnp.float32),
        [pltpu.SemaphoreType.DMA for _ in range(4)],
    ],
)
def _sc_count(dst2_hbm, ones_hbm, zeros_hbm, cnt0_hbm, cnt1_hbm,
              idx_v, ones_v, z_v, slab, sems):
    c = lax.axis_index("c")
    s = lax.axis_index("s")
    pltpu.sync_copy(ones_hbm, ones_v)
    pltpu.sync_copy(zeros_hbm, z_v)
    for k in range(STRIPE // CH):
        pltpu.sync_copy(z_v, slab.at[pl.ds(s * STRIPE + k * CH, CH)])
    plsc.subcore_barrier()

    nrow = EP // (NC * NS) // CH
    base = (c * NS + s) * nrow

    def body(t, carry):
        pltpu.sync_copy(dst2_hbm.at[pl.ds(base + t * 4, 4)], idx_v)
        ds = [pltpu.async_copy(ones_v, slab.at[idx_v.at[j]], sems[j],
                               add=True) for j in range(4)]
        for d in ds:
            d.wait()
        return carry

    lax.fori_loop(0, nrow // 4, body, 0)
    plsc.subcore_barrier()
    st = pl.ds(s * STRIPE, STRIPE)

    @pl.when(c == 0)
    def _():
        pltpu.sync_copy(slab.at[st], cnt0_hbm.at[st])

    @pl.when(c == 1)
    def _():
        pltpu.sync_copy(slab.at[st], cnt1_hbm.at[st])


NB = 4
NB2 = 2


@functools.partial(
    pl.kernel,
    out_type=(jax.ShapeDtypeStruct((NP, 128), jnp.float32),
              jax.ShapeDtypeStruct((NP, 128), jnp.float32),
              jax.ShapeDtypeStruct((NP, 16), jnp.float32)),
    mesh=_mesh,
    compiler_params=pltpu.CompilerParams(use_tc_tiling_on_sc=False),
    scratch_types=[
        pltpu.VMEM((NB2, CH), jnp.int32),
        pltpu.VMEM((NB2, CH), jnp.int32),
        [pltpu.VMEM((CH, 128), jnp.float32) for _ in range(NB2)],
        [pltpu.VMEM((CH, 16), jnp.float32) for _ in range(NB2)],
        pltpu.VMEM_SHARED((NP, 128), jnp.float32),
        pltpu.VMEM_SHARED((NP, 16), jnp.float32),
        [pltpu.SemaphoreType.DMA for _ in range(NB2)],
        [pltpu.SemaphoreType.DMA for _ in range(NB2)],
        pltpu.SemaphoreType.DMA,
    ],
)
def _sc_edge256(xs_lo_hbm, xs_hi_hbm, dinv16_hbm, src2_hbm, dst2_hbm,
                zeros128_hbm, zeros16_hbm,
                px_lo_hbm, px_hi_hbm, pd_hbm,
                src_v, dst_v, rows_v, pd_v, slab, pdslab,
                gsem, ssem, psem):
    c = lax.axis_index("c")
    s = lax.axis_index("s")
    pltpu.sync_copy(zeros128_hbm, rows_v[0])
    for k in range(STRIPE // CH):
        pltpu.sync_copy(rows_v[0], slab.at[pl.ds(s * STRIPE + k * CH, CH)])

    @pl.when(c == 0)
    def _():
        pltpu.sync_copy(zeros16_hbm, pd_v[0])
        for k in range(STRIPE // CH):
            pltpu.sync_copy(pd_v[0], pdslab.at[pl.ds(s * STRIPE + k * CH, CH)])

    plsc.subcore_barrier()

    nrow = EP // NS // CH
    base = s * nrow

    def outer0(t, carry):
        r0 = base + t * NB2
        pltpu.sync_copy(src2_hbm.at[pl.ds(r0, NB2)], src_v)
        pltpu.sync_copy(dst2_hbm.at[pl.ds(r0, NB2)], dst_v)
        gd, pdd = [], []
        for j in range(NB2):
            gd.append(pltpu.async_copy(
                xs_lo_hbm.at[src_v.at[j]], rows_v[j], gsem[j]))
            pdd.append(pltpu.async_copy(
                dinv16_hbm.at[src_v.at[j]], pd_v[j], ssem[j]))
        sc = []
        for j in range(NB2):
            gd[j].wait()
            sc.append(pltpu.async_copy(
                rows_v[j], slab.at[dst_v.at[j]], gsem[j], add=True))
            pdd[j].wait()
            sc.append(pltpu.async_copy(
                pd_v[j], pdslab.at[dst_v.at[j]], ssem[j], add=True))
        for d in sc:
            d.wait()
        return carry

    def outer1(t, carry):
        r0 = base + t * NB2
        pltpu.sync_copy(src2_hbm.at[pl.ds(r0, NB2)], src_v)
        pltpu.sync_copy(dst2_hbm.at[pl.ds(r0, NB2)], dst_v)
        gd = []
        for j in range(NB2):
            gd.append(pltpu.async_copy(
                xs_hi_hbm.at[src_v.at[j]], rows_v[j], gsem[j]))
        sc = []
        for j in range(NB2):
            gd[j].wait()
            sc.append(pltpu.async_copy(
                rows_v[j], slab.at[dst_v.at[j]], gsem[j], add=True))
        for d in sc:
            d.wait()
        return carry

    @pl.when(c == 0)
    def _():
        lax.fori_loop(0, nrow // NB2, outer0, 0)

    @pl.when(c == 1)
    def _():
        lax.fori_loop(0, nrow // NB2, outer1, 0)

    plsc.subcore_barrier()
    st = pl.ds(s * STRIPE, STRIPE)

    @pl.when(c == 0)
    def _():
        pltpu.sync_copy(slab.at[st], px_lo_hbm.at[st])
        pltpu.sync_copy(pdslab.at[st], pd_hbm.at[st])

    @pl.when(c == 1)
    def _():
        pltpu.sync_copy(slab.at[st], px_hi_hbm.at[st])


@functools.partial(
    pl.kernel,
    out_type=(jax.ShapeDtypeStruct((NP, COP), jnp.float32),
              jax.ShapeDtypeStruct((NP, COP), jnp.float32)),
    mesh=_mesh,
    compiler_params=pltpu.CompilerParams(use_tc_tiling_on_sc=False),
    scratch_types=[
        pltpu.VMEM((NB, CH), jnp.int32),
        pltpu.VMEM((NB, CH), jnp.int32),
        [pltpu.VMEM((CH, COP), jnp.float32) for _ in range(NB)],
        pltpu.VMEM_SHARED((NP, COP), jnp.float32),
        [pltpu.SemaphoreType.DMA for _ in range(NB)],
    ],
)
def _sc_edge64(gs_hbm, src2_hbm, dst2_hbm, zeros64_hbm,
               pg0_hbm, pg1_hbm,
               src_v, dst_v, rows_v, slab, gsem):
    c = lax.axis_index("c")
    s = lax.axis_index("s")
    pltpu.sync_copy(zeros64_hbm, rows_v[0])
    for k in range(STRIPE // CH):
        pltpu.sync_copy(rows_v[0], slab.at[pl.ds(s * STRIPE + k * CH, CH)])
    plsc.subcore_barrier()

    nrow = EP // (NC * NS) // CH
    base = (c * NS + s) * nrow

    def body(t, carry):
        r0 = base + t * NB
        pltpu.sync_copy(src2_hbm.at[pl.ds(r0, NB)], src_v)
        pltpu.sync_copy(dst2_hbm.at[pl.ds(r0, NB)], dst_v)
        gd = [pltpu.async_copy(gs_hbm.at[src_v.at[j]], rows_v[j], gsem[j])
              for j in range(NB)]
        sc = []
        for j in range(NB):
            gd[j].wait()
            sc.append(pltpu.async_copy(
                rows_v[j], slab.at[dst_v.at[j]], gsem[j], add=True))
        for d in sc:
            d.wait()
        return carry

    lax.fori_loop(0, nrow // NB, body, 0)
    plsc.subcore_barrier()
    st = pl.ds(s * STRIPE, STRIPE)

    @pl.when(c == 0)
    def _():
        pltpu.sync_copy(slab.at[st], pg0_hbm.at[st])

    @pl.when(c == 1)
    def _():
        pltpu.sync_copy(slab.at[st], pg1_hbm.at[st])


def _tc_pre_body(cnt0_ref, cnt1_ref, x_ref, dinv_ref, dinv16_ref,
                 xs_lo_ref, xs_hi_ref):
    cnt = cnt0_ref[:, :1] + cnt1_ref[:, :1] + 1.0
    dinv = lax.rsqrt(cnt)
    dinv_ref[...] = dinv
    dinv16_ref[...] = jnp.pad(dinv, ((0, 0), (0, 15)))
    xs = x_ref[...] * dinv
    xs_lo_ref[...] = xs[:, :128]
    xs_hi_ref[...] = xs[:, 128:]


def _tc_pre(cnt0, cnt1, xp):
    nb = NP // MB
    return pl.pallas_call(
        _tc_pre_body,
        grid=(nb,),
        in_specs=[
            pl.BlockSpec((MB, 16), lambda i: (i, 0)),
            pl.BlockSpec((MB, 16), lambda i: (i, 0)),
            pl.BlockSpec((MB, CIN), lambda i: (i, 0)),
        ],
        out_specs=[
            pl.BlockSpec((MB, 1), lambda i: (i, 0)),
            pl.BlockSpec((MB, 16), lambda i: (i, 0)),
            pl.BlockSpec((MB, 128), lambda i: (i, 0)),
            pl.BlockSpec((MB, 128), lambda i: (i, 0)),
        ],
        out_shape=[
            jax.ShapeDtypeStruct((NP, 1), jnp.float32),
            jax.ShapeDtypeStruct((NP, 16), jnp.float32),
            jax.ShapeDtypeStruct((NP, 128), jnp.float32),
            jax.ShapeDtypeStruct((NP, 128), jnp.float32),
        ],
    )(cnt0, cnt1, xp)


def _tc_mlp_body(pxlo_ref, pxhi_ref, x_ref, dinv_ref, pd_ref,
                 w1_ref, b1_ref, w2_ref, b2_ref, gs_ref, t2_ref):
    dinv = dinv_ref[...]
    dinv2 = dinv * dinv
    px = jnp.concatenate([pxlo_ref[...], pxhi_ref[...]], axis=1)
    a = px * dinv + x_ref[...] * dinv2
    s = dinv * pd_ref[:, :1] + dinv2
    h = jnp.dot(a, w1_ref[...], preferred_element_type=jnp.float32)
    h = jnp.maximum(h + s * b1_ref[...], 0.0)
    g = jnp.dot(h, w2_ref[...], preferred_element_type=jnp.float32)
    gs_ref[...] = g * dinv
    t2_ref[...] = g * dinv2 + s * b2_ref[...]


def _tc_mlp(pxlo, pxhi, xp, dinv, pd, w1, b1r, w2p, b2r):
    nb = NP // MB
    return pl.pallas_call(
        _tc_mlp_body,
        grid=(nb,),
        in_specs=[
            pl.BlockSpec((MB, 128), lambda i: (i, 0)),
            pl.BlockSpec((MB, 128), lambda i: (i, 0)),
            pl.BlockSpec((MB, CIN), lambda i: (i, 0)),
            pl.BlockSpec((MB, 1), lambda i: (i, 0)),
            pl.BlockSpec((MB, 16), lambda i: (i, 0)),
            pl.BlockSpec((CIN, CHID), lambda i: (0, 0)),
            pl.BlockSpec((1, CHID), lambda i: (0, 0)),
            pl.BlockSpec((CHID, COP), lambda i: (0, 0)),
            pl.BlockSpec((1, COP), lambda i: (0, 0)),
        ],
        out_specs=[
            pl.BlockSpec((MB, COP), lambda i: (i, 0)),
            pl.BlockSpec((MB, COP), lambda i: (i, 0)),
        ],
        out_shape=[
            jax.ShapeDtypeStruct((NP, COP), jnp.float32),
            jax.ShapeDtypeStruct((NP, COP), jnp.float32),
        ],
    )(pxlo, pxhi, xp, dinv, pd, w1, b1r, w2p, b2r)


def _tc_post_body(pg0_ref, pg1_ref, t2_ref, dinv_ref, o_ref):
    o_ref[...] = (pg0_ref[...] + pg1_ref[...]) * dinv_ref[...] + t2_ref[...]


def _tc_post(pg0, pg1, t2, dinv):
    nb = NP // MB
    return pl.pallas_call(
        _tc_post_body,
        grid=(nb,),
        in_specs=[
            pl.BlockSpec((MB, COP), lambda i: (i, 0)),
            pl.BlockSpec((MB, COP), lambda i: (i, 0)),
            pl.BlockSpec((MB, COP), lambda i: (i, 0)),
            pl.BlockSpec((MB, 1), lambda i: (i, 0)),
        ],
        out_specs=pl.BlockSpec((MB, COP), lambda i: (i, 0)),
        out_shape=jax.ShapeDtypeStruct((NP, COP), jnp.float32),
    )(pg0, pg1, t2, dinv)


def kernel(X, edge_index, W1, b1, W2, b2):
    src = edge_index[0]
    dst = edge_index[1]
    pad = EP - E
    srcp = jnp.concatenate([src, jnp.zeros((pad,), jnp.int32)])
    dstp = jnp.concatenate([dst, jnp.full((pad,), N, jnp.int32)])
    srcp = srcp.reshape(EP // CH, CH)
    dstp = dstp.reshape(EP // CH, CH)
    xp = jnp.pad(X, ((0, NP - N), (0, 0)))
    w2p = jnp.pad(W2, ((0, 0), (0, COP - COUT)))
    b1r = b1.reshape(1, CHID)
    b2r = jnp.pad(b2, (0, COP - COUT)).reshape(1, COP)

    ones16 = jnp.zeros((CH, 16), jnp.float32).at[:, 0].set(1.0)
    zeros16 = jnp.zeros((CH, 16), jnp.float32)
    zeros64 = jnp.zeros((CH, COP), jnp.float32)
    zeros128 = jnp.zeros((CH, 128), jnp.float32)

    cnt0, cnt1 = _sc_count(dstp, ones16, zeros16)
    dinv, dinv16, xs_lo, xs_hi = _tc_pre(cnt0, cnt1, xp)
    px_lo, px_hi, pd = _sc_edge256(xs_lo, xs_hi, dinv16, srcp, dstp,
                                   zeros128, zeros16)
    gs, t2 = _tc_mlp(px_lo, px_hi, xp, dinv, pd, W1, b1r, w2p, b2r)
    pg0, pg1 = _sc_edge64(gs, srcp, dstp, zeros64)
    outp = _tc_post(pg0, pg1, t2, dinv)
    return outp[:N, :COUT]

# --- scband reference (transcript-rebuilt; emitter-appended) ---
"""Pipeline reference for scband-gcn-69123203662131 (READ-ONLY COPY).

The authoritative reference and input builder live on the scoring server;
editing this copy changes nothing except your own understanding.
"""

import jax, jax.numpy as jnp
import numpy as np

N = 10000
E = 160000
C_IN = 256
C_HID = 512
C_OUT = 40


def setup_inputs(seed: int = 0) -> dict:
    key = jax.random.key(seed)
    k1, k2, k3, k4, k5, k6 = jax.random.split(key, 6)
    X = jax.random.normal(k1, (N, C_IN), dtype=jnp.float32)
    edge_index = jax.random.randint(k2, (2, E), 0, N, dtype=jnp.int32)
    s1 = 1.0 / np.sqrt(C_IN)
    s2 = 1.0 / np.sqrt(C_HID)
    W1 = jax.random.uniform(k3, (C_IN, C_HID), dtype=jnp.float32, minval=-s1, maxval=s1)
    b1 = jax.random.uniform(k4, (C_HID,), dtype=jnp.float32, minval=-s1, maxval=s1)
    W2 = jax.random.uniform(k5, (C_HID, C_OUT), dtype=jnp.float32, minval=-s2, maxval=s2)
    b2 = jax.random.uniform(k6, (C_OUT,), dtype=jnp.float32, minval=-s2, maxval=s2)
    return {"X": X, "edge_index": edge_index, "W1": W1, "b1": b1, "W2": W2, "b2": b2}


def _gcn_smooth(H, src, dst):
    # \hat{A} H with \hat{A} = D^{-1/2} (A + I) D^{-1/2}
    deg = jnp.ones((N,), dtype=jnp.float32).at[dst].add(1.0)  # in-degree + self loop
    dinv = jax.lax.rsqrt(deg)
    w = dinv[src] * dinv[dst]
    agg = jnp.zeros_like(H).at[dst].add(H[src] * w[:, None])
    agg = agg + H * (dinv * dinv)[:, None]  # self-loop term
    return agg


def _gcn_conv(X, W, b, src, dst, is_last):
    H = X @ W + b  # theta(X)
    H = _gcn_smooth(H, src, dst)
    if not is_last:
        H = jax.nn.relu(H)  # dropout inactive in eval
    return H


def reference(X, edge_index, W1, b1, W2, b2):
    src = edge_index[0]
    dst = edge_index[1]
    H = _gcn_conv(X, W1, b1, src, dst, False)
    out = _gcn_conv(H, W2, b2, src, dst, True)
    return out

if __name__ == "__main__":
    import jax
    _d = setup_inputs()
    print(jax.jit(kernel)(*tuple(_d.values())))

</pallas_src>

<mosaic_0001>
#map = affine_map<(d0, d1) -> (0, 0)>
module attributes {stable_mosaic.version = 14 : i64} {
  func.func @_sc_edge256(%arg0: i32, %arg1: i32, %arg2: memref<10240x128xf32, #tpu.memory_space<hbm>>, %arg3: memref<10240x128xf32, #tpu.memory_space<hbm>>, %arg4: memref<10240x16xf32, #tpu.memory_space<hbm>>, %arg5: memref<1280x128xi32, #tpu.memory_space<hbm>>, %arg6: memref<1280x128xi32, #tpu.memory_space<hbm>>, %arg7: memref<128x128xf32, #tpu.memory_space<hbm>>, %arg8: memref<128x16xf32, #tpu.memory_space<hbm>>, %arg9: memref<10240x128xf32, #tpu.memory_space<hbm>>, %arg10: memref<10240x128xf32, #tpu.memory_space<hbm>>, %arg11: memref<10240x16xf32, #tpu.memory_space<hbm>>, %arg12: memref<2x128xi32, #tpu.memory_space<vmem>>, %arg13: memref<2x128xi32, #tpu.memory_space<vmem>>, %arg14: memref<128x128xf32, #tpu.memory_space<vmem>>, %arg15: memref<128x128xf32, #tpu.memory_space<vmem>>, %arg16: memref<128x16xf32, #tpu.memory_space<vmem>>, %arg17: memref<128x16xf32, #tpu.memory_space<vmem>>, %arg18: memref<10240x128xf32, #tpu.memory_space<vmem_shared>>, %arg19: memref<10240x16xf32, #tpu.memory_space<vmem_shared>>, %arg20: memref<!tpu.dma_semaphore, #tpu.memory_space<semaphore_mem>>, %arg21: memref<!tpu.dma_semaphore, #tpu.memory_space<semaphore_mem>>, %arg22: memref<!tpu.dma_semaphore, #tpu.memory_space<semaphore_mem>>, %arg23: memref<!tpu.dma_semaphore, #tpu.memory_space<semaphore_mem>>, %arg24: memref<!tpu.dma_semaphore, #tpu.memory_space<semaphore_mem>>) attributes {dimension_semantics = [#tpu.dimension_semantics<core_parallel>, #tpu.dimension_semantics<subcore_parallel>], iteration_bounds = array<i64: 2, 16>, scalar_prefetch = 0 : i64, scratch_operands = 13 : i64, tpu.core_type = #tpu.core_type<sc_vector_subcore>, window_params = [{transform_indices = #map}, {transform_indices = #map}, {transform_indices = #map}, {transform_indices = #map}, {transform_indices = #map}, {transform_indices = #map}, {transform_indices = #map}, {transform_indices = #map}, {transform_indices = #map}, {transform_indices = #map}]} {
    "tpu.region"() ({
      %run_scoped3A = tpu.sem_alloc : memref<!tpu.dma_semaphore, #tpu.memory_space<semaphore_mem>>
      tpu.enqueue_dma source(%arg7 : memref<128x128xf32, #tpu.memory_space<hbm>>) target(%arg14 : memref<128x128xf32, #tpu.memory_space<vmem>>) target_semaphore(%run_scoped3A : memref<!tpu.dma_semaphore, #tpu.memory_space<semaphore_mem>>)
      tpu.wait_dma2 semaphore(%run_scoped3A : memref<!tpu.dma_semaphore, #tpu.memory_space<semaphore_mem>>) src(%arg7 : memref<128x128xf32, #tpu.memory_space<hbm>>) dst(%arg14 : memref<128x128xf32, #tpu.memory_space<vmem>>)
      tpu.yield
    }) : () -> ()
    %mul3A = arith.constant 640 : i32
    %mul3A_0 = arith.muli %arg1, %mul3A : i32
    %add3A = arith.constant 0 : i32
    %add3A_1 = arith.addi %mul3A_0, %add3A : i32
    "tpu.region"() ({
      %run_scoped3A = tpu.sem_alloc : memref<!tpu.dma_semaphore, #tpu.memory_space<semaphore_mem>>
      %dma_start3A = arith.constant 0 : i32
      %dma_start3A_45 = tpu.memref_slice %arg18[%add3A_1, %dma_start3A] : memref<10240x128xf32, #tpu.memory_space<vmem_shared>> -> memref<128x128xf32, #tpu.memory_space<vmem_shared>>
      %dma_start3A_46 = arith.constant 0 : i32
      %dma_start3A_47 = tpu.memref_slice %arg18[%add3A_1, %dma_start3A_46] : memref<10240x128xf32, #tpu.memory_space<vmem_shared>> -> memref<128x128xf32, #tpu.memory_space<vmem_shared>>
      tpu.enqueue_dma source(%arg14 : memref<128x128xf32, #tpu.memory_space<vmem>>) target(%dma_start3A_47 : memref<128x128xf32, #tpu.memory_space<vmem_shared>>) target_semaphore(%run_scoped3A : memref<!tpu.dma_semaphore, #tpu.memory_space<semaphore_mem>>)
      %dma_wait3A = arith.constant 0 : i32
      %dma_wait3A_48 = tpu.memref_slice %arg18[%add3A_1, %dma_wait3A] : memref<10240x128xf32, #tpu.memory_space<vmem_shared>> -> memref<128x128xf32, #tpu.memory_space<vmem_shared>>
      %dma_wait3A_49 = arith.constant 0 : i32
      %dma_wait3A_50 = tpu.memref_slice %arg18[%add3A_1, %dma_wait3A_49] : memref<10240x128xf32, #tpu.memory_space<vmem_shared>> -> memref<128x128xf32, #tpu.memory_space<vmem_shared>>
      tpu.wait_dma2 semaphore(%run_scoped3A : memref<!tpu.dma_semaphore, #tpu.memory_space<semaphore_mem>>) src(%arg14 : memref<128x128xf32, #tpu.memory_space<vmem>>) dst(%dma_wait3A_50 : memref<128x128xf32, #tpu.memory_space<vmem_shared>>)
      tpu.yield
    }) : () -> ()
    %mul3A_2 = arith.constant 640 : i32
    %mul3A_3 = arith.muli %arg1, %mul3A_2 : i32
    %add3A_4 = arith.constant 128 : i32
    %add3A_5 = arith.addi %mul3A_3, %add3A_4 : i32
    "tpu.region"() ({
      %run_scoped3A = tpu.sem_alloc : memref<!tpu.dma_semaphore, #tpu.memory_space<semaphore_mem>>
      %dma_start3A = arith.constant 0 : i32
      %dma_start3A_45 = tpu.memref_slice %arg18[%add3A_5, %dma_start3A] : memref<10240x128xf32, #tpu.memory_space<vmem_shared>> -> memref<128x128xf32, #tpu.memory_space<vmem_shared>>
      %dma_start3A_46 = arith.constant 0 : i32
      %dma_start3A_47 = tpu.memref_slice %arg18[%add3A_5, %dma_start3A_46] : memref<10240x128xf32, #tpu.memory_space<vmem_shared>> -> memref<128x128xf32, #tpu.memory_space<vmem_shared>>
      tpu.enqueue_dma source(%arg14 : memref<128x128xf32, #tpu.memory_space<vmem>>) target(%dma_start3A_47 : memref<128x128xf32, #tpu.memory_space<vmem_shared>>) target_semaphore(%run_scoped3A : memref<!tpu.dma_semaphore, #tpu.memory_space<semaphore_mem>>)
      %dma_wait3A = arith.constant 0 : i32
      %dma_wait3A_48 = tpu.memref_slice %arg18[%add3A_5, %dma_wait3A] : memref<10240x128xf32, #tpu.memory_space<vmem_shared>> -> memref<128x128xf32, #tpu.memory_space<vmem_shared>>
      %dma_wait3A_49 = arith.constant 0 : i32
      %dma_wait3A_50 = tpu.memref_slice %arg18[%add3A_5, %dma_wait3A_49] : memref<10240x128xf32, #tpu.memory_space<vmem_shared>> -> memref<128x128xf32, #tpu.memory_space<vmem_shared>>
      tpu.wait_dma2 semaphore(%run_scoped3A : memref<!tpu.dma_semaphore, #tpu.memory_space<semaphore_mem>>) src(%arg14 : memref<128x128xf32, #tpu.memory_space<vmem>>) dst(%dma_wait3A_50 : memref<128x128xf32, #tpu.memory_space<vmem_shared>>)
      tpu.yield
    }) : () -> ()
    %mul3A_6 = arith.constant 640 : i32
    %mul3A_7 = arith.muli %arg1, %mul3A_6 : i32
    %add3A_8 = arith.constant 256 : i32
    %add3A_9 = arith.addi %mul3A_7, %add3A_8 : i32
    "tpu.region"() ({
      %run_scoped3A = tpu.sem_alloc : memref<!tpu.dma_semaphore, #tpu.memory_space<semaphore_mem>>
      %dma_start3A = arith.constant 0 : i32
      %dma_start3A_45 = tpu.memref_slice %arg18[%add3A_9, %dma_start3A] : memref<10240x128xf32, #tpu.memory_space<vmem_shared>> -> memref<128x128xf32, #tpu.memory_space<vmem_shared>>
      %dma_start3A_46 = arith.constant 0 : i32
      %dma_start3A_47 = tpu.memref_slice %arg18[%add3A_9, %dma_start3A_46] : memref<10240x128xf32, #tpu.memory_space<vmem_shared>> -> memref<128x128xf32, #tpu.memory_space<vmem_shared>>
      tpu.enqueue_dma source(%arg14 : memref<128x128xf32, #tpu.memory_space<vmem>>) target(%dma_start3A_47 : memref<128x128xf32, #tpu.memory_space<vmem_shared>>) target_semaphore(%run_scoped3A : memref<!tpu.dma_semaphore, #tpu.memory_space<semaphore_mem>>)
      %dma_wait3A = arith.constant 0 : i32
      %dma_wait3A_48 = tpu.memref_slice %arg18[%add3A_9, %dma_wait3A] : memref<10240x128xf32, #tpu.memory_space<vmem_shared>> -> memref<128x128xf32, #tpu.memory_space<vmem_shared>>
      %dma_wait3A_49 = arith.constant 0 : i32
      %dma_wait3A_50 = tpu.memref_slice %arg18[%add3A_9, %dma_wait3A_49] : memref<10240x128xf32, #tpu.memory_space<vmem_shared>> -> memref<128x128xf32, #tpu.memory_space<vmem_shared>>
      tpu.wait_dma2 semaphore(%run_scoped3A : memref<!tpu.dma_semaphore, #tpu.memory_space<semaphore_mem>>) src(%arg14 : memref<128x128xf32, #tpu.memory_space<vmem>>) dst(%dma_wait3A_50 : memref<128x128xf32, #tpu.memory_space<vmem_shared>>)
      tpu.yield
    }) : () -> ()
    %mul3A_10 = arith.constant 640 : i32
    %mul3A_11 = arith.muli %arg1, %mul3A_10 : i32
    %add3A_12 = arith.constant 384 : i32
    %add3A_13 = arith.addi %mul3A_11, %add3A_12 : i32
    "tpu.region"() ({
      %run_scoped3A = tpu.sem_alloc : memref<!tpu.dma_semaphore, #tpu.memory_space<semaphore_mem>>
      %dma_start3A = arith.constant 0 : i32
      %dma_start3A_45 = tpu.memref_slice %arg18[%add3A_13, %dma_start3A] : memref<10240x128xf32, #tpu.memory_space<vmem_shared>> -> memref<128x128xf32, #tpu.memory_space<vmem_shared>>
      %dma_start3A_46 = arith.constant 0 : i32
      %dma_start3A_47 = tpu.memref_slice %arg18[%add3A_13, %dma_start3A_46] : memref<10240x128xf32, #tpu.memory_space<vmem_shared>> -> memref<128x128xf32, #tpu.memory_space<vmem_shared>>
      tpu.enqueue_dma source(%arg14 : memref<128x128xf32, #tpu.memory_space<vmem>>) target(%dma_start3A_47 : memref<128x128xf32, #tpu.memory_space<vmem_shared>>) target_semaphore(%run_scoped3A : memref<!tpu.dma_semaphore, #tpu.memory_space<semaphore_mem>>)
      %dma_wait3A = arith.constant 0 : i32
      %dma_wait3A_48 = tpu.memref_slice %arg18[%add3A_13, %dma_wait3A] : memref<10240x128xf32, #tpu.memory_space<vmem_shared>> -> memref<128x128xf32, #tpu.memory_space<vmem_shared>>
      %dma_wait3A_49 = arith.constant 0 : i32
      %dma_wait3A_50 = tpu.memref_slice %arg18[%add3A_13, %dma_wait3A_49] : memref<10240x128xf32, #tpu.memory_space<vmem_shared>> -> memref<128x128xf32, #tpu.memory_space<vmem_shared>>
      tpu.wait_dma2 semaphore(%run_scoped3A : memref<!tpu.dma_semaphore, #tpu.memory_space<semaphore_mem>>) src(%arg14 : memref<128x128xf32, #tpu.memory_space<vmem>>) dst(%dma_wait3A_50 : memref<128x128xf32, #tpu.memory_space<vmem_shared>>)
      tpu.yield
    }) : () -> ()
    %mul3A_14 = arith.constant 640 : i32
    %mul3A_15 = arith.muli %arg1, %mul3A_14 : i32
    %add3A_16 = arith.constant 512 : i32
    %add3A_17 = arith.addi %mul3A_15, %add3A_16 : i32
    "tpu.region"() ({
      %run_scoped3A = tpu.sem_alloc : memref<!tpu.dma_semaphore, #tpu.memory_space<semaphore_mem>>
      %dma_start3A = arith.constant 0 : i32
      %dma_start3A_45 = tpu.memref_slice %arg18[%add3A_17, %dma_start3A] : memref<10240x128xf32, #tpu.memory_space<vmem_shared>> -> memref<128x128xf32, #tpu.memory_space<vmem_shared>>
      %dma_start3A_46 = arith.constant 0 : i32
      %dma_start3A_47 = tpu.memref_slice %arg18[%add3A_17, %dma_start3A_46] : memref<10240x128xf32, #tpu.memory_space<vmem_shared>> -> memref<128x128xf32, #tpu.memory_space<vmem_shared>>
      tpu.enqueue_dma source(%arg14 : memref<128x128xf32, #tpu.memory_space<vmem>>) target(%dma_start3A_47 : memref<128x128xf32, #tpu.memory_space<vmem_shared>>) target_semaphore(%run_scoped3A : memref<!tpu.dma_semaphore, #tpu.memory_space<semaphore_mem>>)
      %dma_wait3A = arith.constant 0 : i32
      %dma_wait3A_48 = tpu.memref_slice %arg18[%add3A_17, %dma_wait3A] : memref<10240x128xf32, #tpu.memory_space<vmem_shared>> -> memref<128x128xf32, #tpu.memory_space<vmem_shared>>
      %dma_wait3A_49 = arith.constant 0 : i32
      %dma_wait3A_50 = tpu.memref_slice %arg18[%add3A_17, %dma_wait3A_49] : memref<10240x128xf32, #tpu.memory_space<vmem_shared>> -> memref<128x128xf32, #tpu.memory_space<vmem_shared>>
      tpu.wait_dma2 semaphore(%run_scoped3A : memref<!tpu.dma_semaphore, #tpu.memory_space<semaphore_mem>>) src(%arg14 : memref<128x128xf32, #tpu.memory_space<vmem>>) dst(%dma_wait3A_50 : memref<128x128xf32, #tpu.memory_space<vmem_shared>>)
      tpu.yield
    }) : () -> ()
    %eq3A = arith.constant 0 : i32
    %eq3A_18 = arith.cmpi eq, %arg0, %eq3A : i32
    %convert_element_type3A = arith.extui %eq3A_18 : i1 to i32
    %cond3A = arith.constant 0 : i32
    %cond3A_19 = arith.cmpi ne, %convert_element_type3A, %cond3A : i32
    scf.if %cond3A_19 {
      "tpu.region"() ({
        %run_scoped3A = tpu.sem_alloc : memref<!tpu.dma_semaphore, #tpu.memory_space<semaphore_mem>>
        tpu.enqueue_dma source(%arg8 : memref<128x16xf32, #tpu.memory_space<hbm>>) target(%arg16 : memref<128x16xf32, #tpu.memory_space<vmem>>) target_semaphore(%run_scoped3A : memref<!tpu.dma_semaphore, #tpu.memory_space<semaphore_mem>>)
        tpu.wait_dma2 semaphore(%run_scoped3A : memref<!tpu.dma_semaphore, #tpu.memory_space<semaphore_mem>>) src(%arg8 : memref<128x16xf32, #tpu.memory_space<hbm>>) dst(%arg16 : memref<128x16xf32, #tpu.memory_space<vmem>>)
        tpu.yield
      }) : () -> ()
      %mul3A_45 = arith.constant 640 : i32
      %mul3A_46 = arith.muli %arg1, %mul3A_45 : i32
      %add3A_47 = arith.constant 0 : i32
      %add3A_48 = arith.addi %mul3A_46, %add3A_47 : i32
      "tpu.region"() ({
        %run_scoped3A = tpu.sem_alloc : memref<!tpu.dma_semaphore, #tpu.memory_space<semaphore_mem>>
        %dma_start3A = arith.constant 0 : i32
        %dma_start3A_65 = tpu.memref_slice %arg19[%add3A_48, %dma_start3A] : memref<10240x16xf32, #tpu.memory_space<vmem_shared>> -> memref<128x16xf32, #tpu.memory_space<vmem_shared>>
        %dma_start3A_66 = arith.constant 0 : i32
        %dma_start3A_67 = tpu.memref_slice %arg19[%add3A_48, %dma_start3A_66] : memref<10240x16xf32, #tpu.memory_space<vmem_shared>> -> memref<128x16xf32, #tpu.memory_space<vmem_shared>>
        tpu.enqueue_dma source(%arg16 : memref<128x16xf32, #tpu.memory_space<vmem>>) target(%dma_start3A_67 : memref<128x16xf32, #tpu.memory_space<vmem_shared>>) target_semaphore(%run_scoped3A : memref<!tpu.dma_semaphore, #tpu.memory_space<semaphore_mem>>)
        %dma_wait3A = arith.constant 0 : i32
        %dma_wait3A_68 = tpu.memref_slice %arg19[%add3A_48, %dma_wait3A] : memref<10240x16xf32, #tpu.memory_space<vmem_shared>> -> memref<128x16xf32, #tpu.memory_space<vmem_shared>>
        %dma_wait3A_69 = arith.constant 0 : i32
        %dma_wait3A_70 = tpu.memref_slice %arg19[%add3A_48, %dma_wait3A_69] : memref<10240x16xf32, #tpu.memory_space<vmem_shared>> -> memref<128x16xf32, #tpu.memory_space<vmem_shared>>
        tpu.wait_dma2 semaphore(%run_scoped3A : memref<!tpu.dma_semaphore, #tpu.memory_space<semaphore_mem>>) src(%arg16 : memref<128x16xf32, #tpu.memory_space<vmem>>) dst(%dma_wait3A_70 : memref<128x16xf32, #tpu.memory_space<vmem_shared>>)
        tpu.yield
      }) : () -> ()
      %mul3A_49 = arith.constant 640 : i32
      %mul3A_50 = arith.muli %arg1, %mul3A_49 : i32
      %add3A_51 = arith.constant 128 : i32
      %add3A_52 = arith.addi %mul3A_50, %add3A_51 : i32
      "tpu.region"() ({
        %run_scoped3A = tpu.sem_alloc : memref<!tpu.dma_semaphore, #tpu.memory_space<semaphore_mem>>
        %dma_start3A = arith.constant 0 : i32
        %dma_start3A_65 = tpu.memref_slice %arg19[%add3A_52, %dma_start3A] : memref<10240x16xf32, #tpu.memory_space<vmem_shared>> -> memref<128x16xf32, #tpu.memory_space<vmem_shared>>
        %dma_start3A_66 = arith.constant 0 : i32
        %dma_start3A_67 = tpu.memref_slice %arg19[%add3A_52, %dma_start3A_66] : memref<10240x16xf32, #tpu.memory_space<vmem_shared>> -> memref<128x16xf32, #tpu.memory_space<vmem_shared>>
        tpu.enqueue_dma source(%arg16 : memref<128x16xf32, #tpu.memory_space<vmem>>) target(%dma_start3A_67 : memref<128x16xf32, #tpu.memory_space<vmem_shared>>) target_semaphore(%run_scoped3A : memref<!tpu.dma_semaphore, #tpu.memory_space<semaphore_mem>>)
        %dma_wait3A = arith.constant 0 : i32
        %dma_wait3A_68 = tpu.memref_slice %arg19[%add3A_52, %dma_wait3A] : memref<10240x16xf32, #tpu.memory_space<vmem_shared>> -> memref<128x16xf32, #tpu.memory_space<vmem_shared>>
        %dma_wait3A_69 = arith.constant 0 : i32
        %dma_wait3A_70 = tpu.memref_slice %arg19[%add3A_52, %dma_wait3A_69] : memref<10240x16xf32, #tpu.memory_space<vmem_shared>> -> memref<128x16xf32, #tpu.memory_space<vmem_shared>>
        tpu.wait_dma2 semaphore(%run_scoped3A : memref<!tpu.dma_semaphore, #tpu.memory_space<semaphore_mem>>) src(%arg16 : memref<128x16xf32, #tpu.memory_space<vmem>>) dst(%dma_wait3A_70 : memref<128x16xf32, #tpu.memory_space<vmem_shared>>)
        tpu.yield
      }) : () -> ()
      %mul3A_53 = arith.constant 640 : i32
      %mul3A_54 = arith.muli %arg1, %mul3A_53 : i32
      %add3A_55 = arith.constant 256 : i32
      %add3A_56 = arith.addi %mul3A_54, %add3A_55 : i32
      "tpu.region"() ({
        %run_scoped3A = tpu.sem_alloc : memref<!tpu.dma_semaphore, #tpu.memory_space<semaphore_mem>>
        %dma_start3A = arith.constant 0 : i32
        %dma_start3A_65 = tpu.memref_slice %arg19[%add3A_56, %dma_start3A] : memref<10240x16xf32, #tpu.memory_space<vmem_shared>> -> memref<128x16xf32, #tpu.memory_space<vmem_shared>>
        %dma_start3A_66 = arith.constant 0 : i32
        %dma_start3A_67 = tpu.memref_slice %arg19[%add3A_56, %dma_start3A_66] : memref<10240x16xf32, #tpu.memory_space<vmem_shared>> -> memref<128x16xf32, #tpu.memory_space<vmem_shared>>
        tpu.enqueue_dma source(%arg16 : memref<128x16xf32, #tpu.memory_space<vmem>>) target(%dma_start3A_67 : memref<128x16xf32, #tpu.memory_space<vmem_shared>>) target_semaphore(%run_scoped3A : memref<!tpu.dma_semaphore, #tpu.memory_space<semaphore_mem>>)
        %dma_wait3A = arith.constant 0 : i32
        %dma_wait3A_68 = tpu.memref_slice %arg19[%add3A_56, %dma_wait3A] : memref<10240x16xf32, #tpu.memory_space<vmem_shared>> -> memref<128x16xf32, #tpu.memory_space<vmem_shared>>
        %dma_wait3A_69 = arith.constant 0 : i32
        %dma_wait3A_70 = tpu.memref_slice %arg19[%add3A_56, %dma_wait3A_69] : memref<10240x16xf32, #tpu.memory_space<vmem_shared>> -> memref<128x16xf32, #tpu.memory_space<vmem_shared>>
        tpu.wait_dma2 semaphore(%run_scoped3A : memref<!tpu.dma_semaphore, #tpu.memory_space<semaphore_mem>>) src(%arg16 : memref<128x16xf32, #tpu.memory_space<vmem>>) dst(%dma_wait3A_70 : memref<128x16xf32, #tpu.memory_space<vmem_shared>>)
        tpu.yield
      }) : () -> ()
      %mul3A_57 = arith.constant 640 : i32
      %mul3A_58 = arith.muli %arg1, %mul3A_57 : i32
      %add3A_59 = arith.constant 384 : i32
      %add3A_60 = arith.addi %mul3A_58, %add3A_59 : i32
      "tpu.region"() ({
        %run_scoped3A = tpu.sem_alloc : memref<!tpu.dma_semaphore, #tpu.memory_space<semaphore_mem>>
        %dma_start3A = arith.constant 0 : i32
        %dma_start3A_65 = tpu.memref_slice %arg19[%add3A_60, %dma_start3A] : memref<10240x16xf32, #tpu.memory_space<vmem_shared>> -> memref<128x16xf32, #tpu.memory_space<vmem_shared>>
        %dma_start3A_66 = arith.constant 0 : i32
        %dma_start3A_67 = tpu.memref_slice %arg19[%add3A_60, %dma_start3A_66] : memref<10240x16xf32, #tpu.memory_space<vmem_shared>> -> memref<128x16xf32, #tpu.memory_space<vmem_shared>>
        tpu.enqueue_dma source(%arg16 : memref<128x16xf32, #tpu.memory_space<vmem>>) target(%dma_start3A_67 : memref<128x16xf32, #tpu.memory_space<vmem_shared>>) target_semaphore(%run_scoped3A : memref<!tpu.dma_semaphore, #tpu.memory_space<semaphore_mem>>)
        %dma_wait3A = arith.constant 0 : i32
        %dma_wait3A_68 = tpu.memref_slice %arg19[%add3A_60, %dma_wait3A] : memref<10240x16xf32, #tpu.memory_space<vmem_shared>> -> memref<128x16xf32, #tpu.memory_space<vmem_shared>>
        %dma_wait3A_69 = arith.constant 0 : i32
        %dma_wait3A_70 = tpu.memref_slice %arg19[%add3A_60, %dma_wait3A_69] : memref<10240x16xf32, #tpu.memory_space<vmem_shared>> -> memref<128x16xf32, #tpu.memory_space<vmem_shared>>
        tpu.wait_dma2 semaphore(%run_scoped3A : memref<!tpu.dma_semaphore, #tpu.memory_space<semaphore_mem>>) src(%arg16 : memref<128x16xf32, #tpu.memory_space<vmem>>) dst(%dma_wait3A_70 : memref<128x16xf32, #tpu.memory_space<vmem_shared>>)
        tpu.yield
      }) : () -> ()
      %mul3A_61 = arith.constant 640 : i32
      %mul3A_62 = arith.muli %arg1, %mul3A_61 : i32
      %add3A_63 = arith.constant 512 : i32
      %add3A_64 = arith.addi %mul3A_62, %add3A_63 : i32
      "tpu.region"() ({
        %run_scoped3A = tpu.sem_alloc : memref<!tpu.dma_semaphore, #tpu.memory_space<semaphore_mem>>
        %dma_start3A = arith.constant 0 : i32
        %dma_start3A_65 = tpu.memref_slice %arg19[%add3A_64, %dma_start3A] : memref<10240x16xf32, #tpu.memory_space<vmem_shared>> -> memref<128x16xf32, #tpu.memory_space<vmem_shared>>
        %dma_start3A_66 = arith.constant 0 : i32
        %dma_start3A_67 = tpu.memref_slice %arg19[%add3A_64, %dma_start3A_66] : memref<10240x16xf32, #tpu.memory_space<vmem_shared>> -> memref<128x16xf32, #tpu.memory_space<vmem_shared>>
        tpu.enqueue_dma source(%arg16 : memref<128x16xf32, #tpu.memory_space<vmem>>) target(%dma_start3A_67 : memref<128x16xf32, #tpu.memory_space<vmem_shared>>) target_semaphore(%run_scoped3A : memref<!tpu.dma_semaphore, #tpu.memory_space<semaphore_mem>>)
        %dma_wait3A = arith.constant 0 : i32
        %dma_wait3A_68 = tpu.memref_slice %arg19[%add3A_64, %dma_wait3A] : memref<10240x16xf32, #tpu.memory_space<vmem_shared>> -> memref<128x16xf32, #tpu.memory_space<vmem_shared>>
        %dma_wait3A_69 = arith.constant 0 : i32
        %dma_wait3A_70 = tpu.memref_slice %arg19[%add3A_64, %dma_wait3A_69] : memref<10240x16xf32, #tpu.memory_space<vmem_shared>> -> memref<128x16xf32, #tpu.memory_space<vmem_shared>>
        tpu.wait_dma2 semaphore(%run_scoped3A : memref<!tpu.dma_semaphore, #tpu.memory_space<semaphore_mem>>) src(%arg16 : memref<128x16xf32, #tpu.memory_space<vmem>>) dst(%dma_wait3A_70 : memref<128x16xf32, #tpu.memory_space<vmem_shared>>)
        tpu.yield
      }) : () -> ()
    } else {
    }
    %barrier3A = arith.constant 0 : index
    tpu.barrier barrier_id(%barrier3A)
    %mul3A_20 = arith.constant 80 : i32
    %mul3A_21 = arith.muli %arg1, %mul3A_20 : i32
    %eq3A_22 = arith.constant 0 : i32
    %eq3A_23 = arith.cmpi eq, %arg0, %eq3A_22 : i32
    %convert_element_type3A_24 = arith.extui %eq3A_23 : i1 to i32
    %cond3A_25 = arith.constant 0 : i32
    %cond3A_26 = arith.cmpi ne, %convert_element_type3A_24, %cond3A_25 : i32
    scf.if %cond3A_26 {
      %scan3A = arith.constant 0 : i32
      %scan3A_45 = arith.constant 0 : i32
      %scan3A_46 = arith.constant 40 : i32
      %scan3A_47 = arith.addi %scan3A_45, %scan3A_46 : i32
      %scan3A_48 = arith.constant 1 : i32
      scf.for %scan3A_50 = %scan3A_45 to %scan3A_47 step %scan3A_48  : i32 {
        %mul3A_51 = arith.constant 2 : i32
        %mul3A_52 = arith.muli %scan3A_50, %mul3A_51 : i32
        %add3A_53 = arith.addi %mul3A_21, %mul3A_52 : i32
        "tpu.region"() ({
          %run_scoped3A = tpu.sem_alloc : memref<!tpu.dma_semaphore, #tpu.memory_space<semaphore_mem>>
          %dma_start3A_164 = arith.constant 0 : i32
          %dma_start3A_165 = tpu.memref_slice %arg5[%add3A_53, %dma_start3A_164] : memref<1280x128xi32, #tpu.memory_space<hbm>> -> memref<2x128xi32, #tpu.memory_space<hbm>>
          %dma_start3A_166 = arith.constant 0 : i32
          %dma_start3A_167 = tpu.memref_slice %arg5[%add3A_53, %dma_start3A_166] : memref<1280x128xi32, #tpu.memory_space<hbm>> -> memref<2x128xi32, #tpu.memory_space<hbm>>
          tpu.enqueue_dma source(%dma_start3A_167 : memref<2x128xi32, #tpu.memory_space<hbm>>) target(%arg12 : memref<2x128xi32, #tpu.memory_space<vmem>>) target_semaphore(%run_scoped3A : memref<!tpu.dma_semaphore, #tpu.memory_space<semaphore_mem>>)
          %dma_wait3A_168 = arith.constant 0 : i32
          %dma_wait3A_169 = tpu.memref_slice %arg5[%add3A_53, %dma_wait3A_168] : memref<1280x128xi32, #tpu.memory_space<hbm>> -> memref<2x128xi32, #tpu.memory_space<hbm>>
          %dma_wait3A_170 = arith.constant 0 : i32
          %dma_wait3A_171 = tpu.memref_slice %arg5[%add3A_53, %dma_wait3A_170] : memref<1280x128xi32, #tpu.memory_space<hbm>> -> memref<2x128xi32, #tpu.memory_space<hbm>>
          tpu.wait_dma2 semaphore(%run_scoped3A : memref<!tpu.dma_semaphore, #tpu.memory_space<semaphore_mem>>) src(%dma_wait3A_171 : memref<2x128xi32, #tpu.memory_space<hbm>>) dst(%arg12 : memref<2x128xi32, #tpu.memory_space<vmem>>)
          tpu.yield
        }) : () -> ()
        "tpu.region"() ({
          %run_scoped3A = tpu.sem_alloc : memref<!tpu.dma_semaphore, #tpu.memory_space<semaphore_mem>>
          %dma_start3A_164 = arith.constant 0 : i32
          %dma_start3A_165 = tpu.memref_slice %arg6[%add3A_53, %dma_start3A_164] : memref<1280x128xi32, #tpu.memory_space<hbm>> -> memref<2x128xi32, #tpu.memory_space<hbm>>
          %dma_start3A_166 = arith.constant 0 : i32
          %dma_start3A_167 = tpu.memref_slice %arg6[%add3A_53, %dma_start3A_166] : memref<1280x128xi32, #tpu.memory_space<hbm>> -> memref<2x128xi32, #tpu.memory_space<hbm>>
          tpu.enqueue_dma source(%dma_start3A_167 : memref<2x128xi32, #tpu.memory_space<hbm>>) target(%arg13 : memref<2x128xi32, #tpu.memory_space<vmem>>) target_semaphore(%run_scoped3A : memref<!tpu.dma_semaphore, #tpu.memory_space<semaphore_mem>>)
          %dma_wait3A_168 = arith.constant 0 : i32
          %dma_wait3A_169 = tpu.memref_slice %arg6[%add3A_53, %dma_wait3A_168] : memref<1280x128xi32, #tpu.memory_space<hbm>> -> memref<2x128xi32, #tpu.memory_space<hbm>>
          %dma_wait3A_170 = arith.constant 0 : i32
          %dma_wait3A_171 = tpu.memref_slice %arg6[%add3A_53, %dma_wait3A_170] : memref<1280x128xi32, #tpu.memory_space<hbm>> -> memref<2x128xi32, #tpu.memory_space<hbm>>
          tpu.wait_dma2 semaphore(%run_scoped3A : memref<!tpu.dma_semaphore, #tpu.memory_space<semaphore_mem>>) src(%dma_wait3A_171 : memref<2x128xi32, #tpu.memory_space<hbm>>) dst(%arg13 : memref<2x128xi32, #tpu.memory_space<vmem>>)
          tpu.yield
        }) : () -> ()
        %dma_start3A = arith.constant 0 : i32
        %dma_start3A_54 = arith.constant 0 : i32
        %dma_start3A_55 = tpu.memref_slice %arg12[%dma_start3A, %dma_start3A_54] : memref<2x128xi32, #tpu.memory_space<vmem>> -> memref<1x128xi32, #tpu.memory_space<vmem>>
        %dma_start3A_56 = tpu.memref_squeeze %dma_start3A_55 : memref<1x128xi32, #tpu.memory_space<vmem>> -> memref<128xi32, #tpu.memory_space<vmem>>
        %dma_start3A_57 = arith.constant 0 : i32
        %dma_start3A_58 = arith.constant 0 : i32
        %dma_start3A_59 = tpu.memref_slice %arg2[%dma_start3A_57, %dma_start3A_58] : memref<10240x128xf32, #tpu.memory_space<hbm>> -> memref<10240x128xf32, #tpu.memory_space<hbm>>
        tpu.enqueue_indirect_dma source(%dma_start3A_59 : memref<10240x128xf32, #tpu.memory_space<hbm>>) target(%arg14 : memref<128x128xf32, #tpu.memory_space<vmem>>) offsets(%dma_start3A_56 : memref<128xi32, #tpu.memory_space<vmem>>) semaphore(%arg20 : memref<!tpu.dma_semaphore, #tpu.memory_space<semaphore_mem>>)
        %dma_start3A_60 = arith.constant 0 : i32
        %dma_start3A_61 = arith.constant 0 : i32
        %dma_start3A_62 = tpu.memref_slice %arg12[%dma_start3A_60, %dma_start3A_61] : memref<2x128xi32, #tpu.memory_space<vmem>> -> memref<1x128xi32, #tpu.memory_space<vmem>>
        %dma_start3A_63 = tpu.memref_squeeze %dma_start3A_62 : memref<1x128xi32, #tpu.memory_space<vmem>> -> memref<128xi32, #tpu.memory_space<vmem>>
        %dma_start3A_64 = arith.constant 0 : i32
        %dma_start3A_65 = arith.constant 0 : i32
        %dma_start3A_66 = tpu.memref_slice %arg4[%dma_start3A_64, %dma_start3A_65] : memref<10240x16xf32, #tpu.memory_space<hbm>> -> memref<10240x16xf32, #tpu.memory_space<hbm>>
        tpu.enqueue_indirect_dma source(%dma_start3A_66 : memref<10240x16xf32, #tpu.memory_space<hbm>>) target(%arg16 : memref<128x16xf32, #tpu.memory_space<vmem>>) offsets(%dma_start3A_63 : memref<128xi32, #tpu.memory_space<vmem>>) semaphore(%arg22 : memref<!tpu.dma_semaphore, #tpu.memory_space<semaphore_mem>>)
        %dma_start3A_67 = arith.constant 1 : i32
        %dma_start3A_68 = arith.constant 0 : i32
        %dma_start3A_69 = tpu.memref_slice %arg12[%dma_start3A_67, %dma_start3A_68] : memref<2x128xi32, #tpu.memory_space<vmem>> -> memref<1x128xi32, #tpu.memory_space<vmem>>
        %dma_start3A_70 = tpu.memref_squeeze %dma_start3A_69 : memref<1x128xi32, #tpu.memory_space<vmem>> -> memref<128xi32, #tpu.memory_space<vmem>>
        %dma_start3A_71 = arith.constant 0 : i32
        %dma_start3A_72 = arith.constant 0 : i32
        %dma_start3A_73 = tpu.memref_slice %arg2[%dma_start3A_71, %dma_start3A_72] : memref<10240x128xf32, #tpu.memory_space<hbm>> -> memref<10240x128xf32, #tpu.memory_space<hbm>>
        tpu.enqueue_indirect_dma source(%dma_start3A_73 : memref<10240x128xf32, #tpu.memory_space<hbm>>) target(%arg15 : memref<128x128xf32, #tpu.memory_space<vmem>>) offsets(%dma_start3A_70 : memref<128xi32, #tpu.memory_space<vmem>>) semaphore(%arg21 : memref<!tpu.dma_semaphore, #tpu.memory_space<semaphore_mem>>)
        %dma_start3A_74 = arith.constant 1 : i32
        %dma_start3A_75 = arith.constant 0 : i32
        %dma_start3A_76 = tpu.memref_slice %arg12[%dma_start3A_74, %dma_start3A_75] : memref<2x128xi32, #tpu.memory_space<vmem>> -> memref<1x128xi32, #tpu.memory_space<vmem>>
        %dma_start3A_77 = tpu.memref_squeeze %dma_start3A_76 : memref<1x128xi32, #tpu.memory_space<vmem>> -> memref<128xi32, #tpu.memory_space<vmem>>
        %dma_start3A_78 = arith.constant 0 : i32
        %dma_start3A_79 = arith.constant 0 : i32
        %dma_start3A_80 = tpu.memref_slice %arg4[%dma_start3A_78, %dma_start3A_79] : memref<10240x16xf32, #tpu.memory_space<hbm>> -> memref<10240x16xf32, #tpu.memory_space<hbm>>
        tpu.enqueue_indirect_dma source(%dma_start3A_80 : memref<10240x16xf32, #tpu.memory_space<hbm>>) target(%arg17 : memref<128x16xf32, #tpu.memory_space<vmem>>) offsets(%dma_start3A_77 : memref<128xi32, #tpu.memory_space<vmem>>) semaphore(%arg23 : memref<!tpu.dma_semaphore, #tpu.memory_space<semaphore_mem>>)
        %dma_wait3A = arith.constant 0 : i32
        %dma_wait3A_81 = arith.constant 0 : i32
        %dma_wait3A_82 = tpu.memref_slice %arg12[%dma_wait3A, %dma_wait3A_81] : memref<2x128xi32, #tpu.memory_space<vmem>> -> memref<1x128xi32, #tpu.memory_space<vmem>>
        %dma_wait3A_83 = tpu.memref_squeeze %dma_wait3A_82 : memref<1x128xi32, #tpu.memory_space<vmem>> -> memref<128xi32, #tpu.memory_space<vmem>>
        %dma_wait3A_84 = arith.constant 0 : i32
        %dma_wait3A_85 = arith.constant 0 : i32
        %dma_wait3A_86 = tpu.memref_slice %arg2[%dma_wait3A_84, %dma_wait3A_85] : memref<10240x128xf32, #tpu.memory_space<hbm>> -> memref<10240x128xf32, #tpu.memory_space<hbm>>
        tpu.wait_indirect_dma semaphore(%arg20 : memref<!tpu.dma_semaphore, #tpu.memory_space<semaphore_mem>>) src(%dma_wait3A_86 : memref<10240x128xf32, #tpu.memory_space<hbm>>) dst(%arg14 : memref<128x128xf32, #tpu.memory_space<vmem>>)
        %dma_start3A_87 = arith.constant 0 : i32
        %dma_start3A_88 = arith.constant 0 : i32
        %dma_start3A_89 = tpu.memref_slice %arg13[%dma_start3A_87, %dma_start3A_88] : memref<2x128xi32, #tpu.memory_space<vmem>> -> memref<1x128xi32, #tpu.memory_space<vmem>>
        %dma_start3A_90 = tpu.memref_squeeze %dma_start3A_89 : memref<1x128xi32, #tpu.memory_space<vmem>> -> memref<128xi32, #tpu.memory_space<vmem>>
        %dma_start3A_91 = arith.constant 0 : i32
        %dma_start3A_92 = arith.constant 0 : i32
        %dma_start3A_93 = tpu.memref_slice %arg18[%dma_start3A_91, %dma_start3A_92] : memref<10240x128xf32, #tpu.memory_space<vmem_shared>> -> memref<10240x128xf32, #tpu.memory_space<vmem_shared>>
        tpu.enqueue_indirect_dma source(%arg14 : memref<128x128xf32, #tpu.memory_space<vmem>>) target(%dma_start3A_93 : memref<10240x128xf32, #tpu.memory_space<vmem_shared>>) offsets(%dma_start3A_90 : memref<128xi32, #tpu.memory_space<vmem>>) semaphore(%arg20 : memref<!tpu.dma_semaphore, #tpu.memory_space<semaphore_mem>>) {add = true}
        %dma_wait3A_94 = arith.constant 0 : i32
        %dma_wait3A_95 = arith.constant 0 : i32
        %dma_wait3A_96 = tpu.memref_slice %arg12[%dma_wait3A_94, %dma_wait3A_95] : memref<2x128xi32, #tpu.memory_space<vmem>> -> memref<1x128xi32, #tpu.memory_space<vmem>>
        %dma_wait3A_97 = tpu.memref_squeeze %dma_wait3A_96 : memref<1x128xi32, #tpu.memory_space<vmem>> -> memref<128xi32, #tpu.memory_space<vmem>>
        %dma_wait3A_98 = arith.constant 0 : i32
        %dma_wait3A_99 = arith.constant 0 : i32
        %dma_wait3A_100 = tpu.memref_slice %arg4[%dma_wait3A_98, %dma_wait3A_99] : memref<10240x16xf32, #tpu.memory_space<hbm>> -> memref<10240x16xf32, #tpu.memory_space<hbm>>
        tpu.wait_indirect_dma semaphore(%arg22 : memref<!tpu.dma_semaphore, #tpu.memory_space<semaphore_mem>>) src(%dma_wait3A_100 : memref<10240x16xf32, #tpu.memory_space<hbm>>) dst(%arg16 : memref<128x16xf32, #tpu.memory_space<vmem>>)
        %dma_start3A_101 = arith.constant 0 : i32
        %dma_start3A_102 = arith.constant 0 : i32
        %dma_start3A_103 = tpu.memref_slice %arg13[%dma_start3A_101, %dma_start3A_102] : memref<2x128xi32, #tpu.memory_space<vmem>> -> memref<1x128xi32, #tpu.memory_space<vmem>>
        %dma_start3A_104 = tpu.memref_squeeze %dma_start3A_103 : memref<1x128xi32, #tpu.memory_space<vmem>> -> memref<128xi32, #tpu.memory_space<vmem>>
        %dma_start3A_105 = arith.constant 0 : i32
        %dma_start3A_106 = arith.constant 0 : i32
        %dma_start3A_107 = tpu.memref_slice %arg19[%dma_start3A_105, %dma_start3A_106] : memref<10240x16xf32, #tpu.memory_space<vmem_shared>> -> memref<10240x16xf32, #tpu.memory_space<vmem_shared>>
        tpu.enqueue_indirect_dma source(%arg16 : memref<128x16xf32, #tpu.memory_space<vmem>>) target(%dma_start3A_107 : memref<10240x16xf32, #tpu.memory_space<vmem_shared>>) offsets(%dma_start3A_104 : memref<128xi32, #tpu.memory_space<vmem>>) semaphore(%arg22 : memref<!tpu.dma_semaphore, #tpu.memory_space<semaphore_mem>>) {add = true}
        %dma_wait3A_108 = arith.constant 1 : i32
        %dma_wait3A_109 = arith.constant 0 : i32
        %dma_wait3A_110 = tpu.memref_slice %arg12[%dma_wait3A_108, %dma_wait3A_109] : memref<2x128xi32, #tpu.memory_space<vmem>> -> memref<1x128xi32, #tpu.memory_space<vmem>>
        %dma_wait3A_111 = tpu.memref_squeeze %dma_wait3A_110 : memref<1x128xi32, #tpu.memory_space<vmem>> -> memref<128xi32, #tpu.memory_space<vmem>>
        %dma_wait3A_112 = arith.constant 0 : i32
        %dma_wait3A_113 = arith.constant 0 : i32
        %dma_wait3A_114 = tpu.memref_slice %arg2[%dma_wait3A_112, %dma_wait3A_113] : memref<10240x128xf32, #tpu.memory_space<hbm>> -> memref<10240x128xf32, #tpu.memory_space<hbm>>
        tpu.wait_indirect_dma semaphore(%arg21 : memref<!tpu.dma_semaphore, #tpu.memory_space<semaphore_mem>>) src(%dma_wait3A_114 : memref<10240x128xf32, #tpu.memory_space<hbm>>) dst(%arg15 : memref<128x128xf32, #tpu.memory_space<vmem>>)
        %dma_start3A_115 = arith.constant 1 : i32
        %dma_start3A_116 = arith.constant 0 : i32
        %dma_start3A_117 = tpu.memref_slice %arg13[%dma_start3A_115, %dma_start3A_116] : memref<2x128xi32, #tpu.memory_space<vmem>> -> memref<1x128xi32, #tpu.memory_space<vmem>>
        %dma_start3A_118 = tpu.memref_squeeze %dma_start3A_117 : memref<1x128xi32, #tpu.memory_space<vmem>> -> memref<128xi32, #tpu.memory_space<vmem>>
        %dma_start3A_119 = arith.constant 0 : i32
        %dma_start3A_120 = arith.constant 0 : i32
        %dma_start3A_121 = tpu.memref_slice %arg18[%dma_start3A_119, %dma_start3A_120] : memref<10240x128xf32, #tpu.memory_space<vmem_shared>> -> memref<10240x128xf32, #tpu.memory_space<vmem_shared>>
        tpu.enqueue_indirect_dma source(%arg15 : memref<128x128xf32, #tpu.memory_space<vmem>>) target(%dma_start3A_121 : memref<10240x128xf32, #tpu.memory_space<vmem_shared>>) offsets(%dma_start3A_118 : memref<128xi32, #tpu.memory_space<vmem>>) semaphore(%arg21 : memref<!tpu.dma_semaphore, #tpu.memory_space<semaphore_mem>>) {add = true}
        %dma_wait3A_122 = arith.constant 1 : i32
        %dma_wait3A_123 = arith.constant 0 : i32
        %dma_wait3A_124 = tpu.memref_slice %arg12[%dma_wait3A_122, %dma_wait3A_123] : memref<2x128xi32, #tpu.memory_space<vmem>> -> memref<1x128xi32, #tpu.memory_space<vmem>>
        %dma_wait3A_125 = tpu.memref_squeeze %dma_wait3A_124 : memref<1x128xi32, #tpu.memory_space<vmem>> -> memref<128xi32, #tpu.memory_space<vmem>>
        %dma_wait3A_126 = arith.constant 0 : i32
        %dma_wait3A_127 = arith.constant 0 : i32
        %dma_wait3A_128 = tpu.memref_slice %arg4[%dma_wait3A_126, %dma_wait3A_127] : memref<10240x16xf32, #tpu.memory_space<hbm>> -> memref<10240x16xf32, #tpu.memory_space<hbm>>
        tpu.wait_indirect_dma semaphore(%arg23 : memref<!tpu.dma_semaphore, #tpu.memory_space<semaphore_mem>>) src(%dma_wait3A_128 : memref<10240x16xf32, #tpu.memory_space<hbm>>) dst(%arg17 : memref<128x16xf32, #tpu.memory_space<vmem>>)
        %dma_start3A_129 = arith.constant 1 : i32
        %dma_start3A_130 = arith.constant 0 : i32
        %dma_start3A_131 = tpu.memref_slice %arg13[%dma_start3A_129, %dma_start3A_130] : memref<2x128xi32, #tpu.memory_space<vmem>> -> memref<1x128xi32, #tpu.memory_space<vmem>>
        %dma_start3A_132 = tpu.memref_squeeze %dma_start3A_131 : memref<1x128xi32, #tpu.memory_space<vmem>> -> memref<128xi32, #tpu.memory_space<vmem>>
        %dma_start3A_133 = arith.constant 0 : i32
        %dma_start3A_134 = arith.constant 0 : i32
        %dma_start3A_135 = tpu.memref_slice %arg19[%dma_start3A_133, %dma_start3A_134] : memref<10240x16xf32, #tpu.memory_space<vmem_shared>> -> memref<10240x16xf32, #tpu.memory_space<vmem_shared>>
        tpu.enqueue_indirect_dma source(%arg17 : memref<128x16xf32, #tpu.memory_space<vmem>>) target(%dma_start3A_135 : memref<10240x16xf32, #tpu.memory_space<vmem_shared>>) offsets(%dma_start3A_132 : memref<128xi32, #tpu.memory_space<vmem>>) semaphore(%arg23 : memref<!tpu.dma_semaphore, #tpu.memory_space<semaphore_mem>>) {add = true}
        %dma_wait3A_136 = arith.constant 0 : i32
        %dma_wait3A_137 = arith.constant 0 : i32
        %dma_wait3A_138 = tpu.memref_slice %arg13[%dma_wait3A_136, %dma_wait3A_137] : memref<2x128xi32, #tpu.memory_space<vmem>> -> memref<1x128xi32, #tpu.memory_space<vmem>>
        %dma_wait3A_139 = tpu.memref_squeeze %dma_wait3A_138 : memref<1x128xi32, #tpu.memory_space<vmem>> -> memref<128xi32, #tpu.memory_space<vmem>>
        %dma_wait3A_140 = arith.constant 0 : i32
        %dma_wait3A_141 = arith.constant 0 : i32
        %dma_wait3A_142 = tpu.memref_slice %arg18[%dma_wait3A_140, %dma_wait3A_141] : memref<10240x128xf32, #tpu.memory_space<vmem_shared>> -> memref<10240x128xf32, #tpu.memory_space<vmem_shared>>
        tpu.wait_indirect_dma semaphore(%arg20 : memref<!tpu.dma_semaphore, #tpu.memory_space<semaphore_mem>>) src(%arg14 : memref<128x128xf32, #tpu.memory_space<vmem>>) dst(%dma_wait3A_142 : memref<10240x128xf32, #tpu.memory_space<vmem_shared>>)
        %dma_wait3A_143 = arith.constant 0 : i32
        %dma_wait3A_144 = arith.constant 0 : i32
        %dma_wait3A_145 = tpu.memref_slice %arg13[%dma_wait3A_143, %dma_wait3A_144] : memref<2x128xi32, #tpu.memory_space<vmem>> -> memref<1x128xi32, #tpu.memory_space<vmem>>
        %dma_wait3A_146 = tpu.memref_squeeze %dma_wait3A_145 : memref<1x128xi32, #tpu.memory_space<vmem>> -> memref<128xi32, #tpu.memory_space<vmem>>
        %dma_wait3A_147 = arith.constant 0 : i32
        %dma_wait3A_148 = arith.constant 0 : i32
        %dma_wait3A_149 = tpu.memref_slice %arg19[%dma_wait3A_147, %dma_wait3A_148] : memref<10240x16xf32, #tpu.memory_space<vmem_shared>> -> memref<10240x16xf32, #tpu.memory_space<vmem_shared>>
        tpu.wait_indirect_dma semaphore(%arg22 : memref<!tpu.dma_semaphore, #tpu.memory_space<semaphore_mem>>) src(%arg16 : memref<128x16xf32, #tpu.memory_space<vmem>>) dst(%dma_wait3A_149 : memref<10240x16xf32, #tpu.memory_space<vmem_shared>>)
        %dma_wait3A_150 = arith.constant 1 : i32
        %dma_wait3A_151 = arith.constant 0 : i32
        %dma_wait3A_152 = tpu.memref_slice %arg13[%dma_wait3A_150, %dma_wait3A_151] : memref<2x128xi32, #tpu.memory_space<vmem>> -> memref<1x128xi32, #tpu.memory_space<vmem>>
        %dma_wait3A_153 = tpu.memref_squeeze %dma_wait3A_152 : memref<1x128xi32, #tpu.memory_space<vmem>> -> memref<128xi32, #tpu.memory_space<vmem>>
        %dma_wait3A_154 = arith.constant 0 : i32
        %dma_wait3A_155 = arith.constant 0 : i32
        %dma_wait3A_156 = tpu.memref_slice %arg18[%dma_wait3A_154, %dma_wait3A_155] : memref<10240x128xf32, #tpu.memory_space<vmem_shared>> -> memref<10240x128xf32, #tpu.memory_space<vmem_shared>>
        tpu.wait_indirect_dma semaphore(%arg21 : memref<!tpu.dma_semaphore, #tpu.memory_space<semaphore_mem>>) src(%arg15 : memref<128x128xf32, #tpu.memory_space<vmem>>) dst(%dma_wait3A_156 : memref<10240x128xf32, #tpu.memory_space<vmem_shared>>)
        %dma_wait3A_157 = arith.constant 1 : i32
        %dma_wait3A_158 = arith.constant 0 : i32
        %dma_wait3A_159 = tpu.memref_slice %arg13[%dma_wait3A_157, %dma_wait3A_158] : memref<2x128xi32, #tpu.memory_space<vmem>> -> memref<1x128xi32, #tpu.memory_space<vmem>>
        %dma_wait3A_160 = tpu.memref_squeeze %dma_wait3A_159 : memref<1x128xi32, #tpu.memory_space<vmem>> -> memref<128xi32, #tpu.memory_space<vmem>>
        %dma_wait3A_161 = arith.constant 0 : i32
        %dma_wait3A_162 = arith.constant 0 : i32
        %dma_wait3A_163 = tpu.memref_slice %arg19[%dma_wait3A_161, %dma_wait3A_162] : memref<10240x16xf32, #tpu.memory_space<vmem_shared>> -> memref<10240x16xf32, #tpu.memory_space<vmem_shared>>
        tpu.wait_indirect_dma semaphore(%arg23 : memref<!tpu.dma_semaphore, #tpu.memory_space<semaphore_mem>>) src(%arg17 : memref<128x16xf32, #tpu.memory_space<vmem>>) dst(%dma_wait3A_163 : memref<10240x16xf32, #tpu.memory_space<vmem_shared>>)
      }
      %scan3A_49 = arith.constant 40 : i32
    } else {
    }
    %eq3A_27 = arith.constant 1 : i32
    %eq3A_28 = arith.cmpi eq, %arg0, %eq3A_27 : i32
    %convert_element_type3A_29 = arith.extui %eq3A_28 : i1 to i32
    %cond3A_30 = arith.constant 0 : i32
    %cond3A_31 = arith.cmpi ne, %convert_element_type3A_29, %cond3A_30 : i32
    scf.if %cond3A_31 {
      %scan3A = arith.constant 0 : i32
      %scan3A_45 = arith.constant 0 : i32
      %scan3A_46 = arith.constant 40 : i32
      %scan3A_47 = arith.addi %scan3A_45, %scan3A_46 : i32
      %scan3A_48 = arith.constant 1 : i32
      scf.for %scan3A_50 = %scan3A_45 to %scan3A_47 step %scan3A_48  : i32 {
        %mul3A_51 = arith.constant 2 : i32
        %mul3A_52 = arith.muli %scan3A_50, %mul3A_51 : i32
        %add3A_53 = arith.addi %mul3A_21, %mul3A_52 : i32
        "tpu.region"() ({
          %run_scoped3A = tpu.sem_alloc : memref<!tpu.dma_semaphore, #tpu.memory_space<semaphore_mem>>
          %dma_start3A_108 = arith.constant 0 : i32
          %dma_start3A_109 = tpu.memref_slice %arg5[%add3A_53, %dma_start3A_108] : memref<1280x128xi32, #tpu.memory_space<hbm>> -> memref<2x128xi32, #tpu.memory_space<hbm>>
          %dma_start3A_110 = arith.constant 0 : i32
          %dma_start3A_111 = tpu.memref_slice %arg5[%add3A_53, %dma_start3A_110] : memref<1280x128xi32, #tpu.memory_space<hbm>> -> memref<2x128xi32, #tpu.memory_space<hbm>>
          tpu.enqueue_dma source(%dma_start3A_111 : memref<2x128xi32, #tpu.memory_space<hbm>>) target(%arg12 : memref<2x128xi32, #tpu.memory_space<vmem>>) target_semaphore(%run_scoped3A : memref<!tpu.dma_semaphore, #tpu.memory_space<semaphore_mem>>)
          %dma_wait3A_112 = arith.constant 0 : i32
          %dma_wait3A_113 = tpu.memref_slice %arg5[%add3A_53, %dma_wait3A_112] : memref<1280x128xi32, #tpu.memory_space<hbm>> -> memref<2x128xi32, #tpu.memory_space<hbm>>
          %dma_wait3A_114 = arith.constant 0 : i32
          %dma_wait3A_115 = tpu.memref_slice %arg5[%add3A_53, %dma_wait3A_114] : memref<1280x128xi32, #tpu.memory_space<hbm>> -> memref<2x128xi32, #tpu.memory_space<hbm>>
          tpu.wait_dma2 semaphore(%run_scoped3A : memref<!tpu.dma_semaphore, #tpu.memory_space<semaphore_mem>>) src(%dma_wait3A_115 : memref<2x128xi32, #tpu.memory_space<hbm>>) dst(%arg12 : memref<2x128xi32, #tpu.memory_space<vmem>>)
          tpu.yield
        }) : () -> ()
        "tpu.region"() ({
          %run_scoped3A = tpu.sem_alloc : memref<!tpu.dma_semaphore, #tpu.memory_space<semaphore_mem>>
          %dma_start3A_108 = arith.constant 0 : i32
          %dma_start3A_109 = tpu.memref_slice %arg6[%add3A_53, %dma_start3A_108] : memref<1280x128xi32, #tpu.memory_space<hbm>> -> memref<2x128xi32, #tpu.memory_space<hbm>>
          %dma_start3A_110 = arith.constant 0 : i32
          %dma_start3A_111 = tpu.memref_slice %arg6[%add3A_53, %dma_start3A_110] : memref<1280x128xi32, #tpu.memory_space<hbm>> -> memref<2x128xi32, #tpu.memory_space<hbm>>
          tpu.enqueue_dma source(%dma_start3A_111 : memref<2x128xi32, #tpu.memory_space<hbm>>) target(%arg13 : memref<2x128xi32, #tpu.memory_space<vmem>>) target_semaphore(%run_scoped3A : memref<!tpu.dma_semaphore, #tpu.memory_space<semaphore_mem>>)
          %dma_wait3A_112 = arith.constant 0 : i32
          %dma_wait3A_113 = tpu.memref_slice %arg6[%add3A_53, %dma_wait3A_112] : memref<1280x128xi32, #tpu.memory_space<hbm>> -> memref<2x128xi32, #tpu.memory_space<hbm>>
          %dma_wait3A_114 = arith.constant 0 : i32
          %dma_wait3A_115 = tpu.memref_slice %arg6[%add3A_53, %dma_wait3A_114] : memref<1280x128xi32, #tpu.memory_space<hbm>> -> memref<2x128xi32, #tpu.memory_space<hbm>>
          tpu.wait_dma2 semaphore(%run_scoped3A : memref<!tpu.dma_semaphore, #tpu.memory_space<semaphore_mem>>) src(%dma_wait3A_115 : memref<2x128xi32, #tpu.memory_space<hbm>>) dst(%arg13 : memref<2x128xi32, #tpu.memory_space<vmem>>)
          tpu.yield
        }) : () -> ()
        %dma_start3A = arith.constant 0 : i32
        %dma_start3A_54 = arith.constant 0 : i32
        %dma_start3A_55 = tpu.memref_slice %arg12[%dma_start3A, %dma_start3A_54] : memref<2x128xi32, #tpu.memory_space<vmem>> -> memref<1x128xi32, #tpu.memory_space<vmem>>
        %dma_start3A_56 = tpu.memref_squeeze %dma_start3A_55 : memref<1x128xi32, #tpu.memory_space<vmem>> -> memref<128xi32, #tpu.memory_space<vmem>>
        %dma_start3A_57 = arith.constant 0 : i32
        %dma_start3A_58 = arith.constant 0 : i32
        %dma_start3A_59 = tpu.memref_slice %arg3[%dma_start3A_57, %dma_start3A_58] : memref<10240x128xf32, #tpu.memory_space<hbm>> -> memref<10240x128xf32, #tpu.memory_space<hbm>>
        tpu.enqueue_indirect_dma source(%dma_start3A_59 : memref<10240x128xf32, #tpu.memory_space<hbm>>) target(%arg14 : memref<128x128xf32, #tpu.memory_space<vmem>>) offsets(%dma_start3A_56 : memref<128xi32, #tpu.memory_space<vmem>>) semaphore(%arg20 : memref<!tpu.dma_semaphore, #tpu.memory_space<semaphore_mem>>)
        %dma_start3A_60 = arith.constant 1 : i32
        %dma_start3A_61 = arith.constant 0 : i32
        %dma_start3A_62 = tpu.memref_slice %arg12[%dma_start3A_60, %dma_start3A_61] : memref<2x128xi32, #tpu.memory_space<vmem>> -> memref<1x128xi32, #tpu.memory_space<vmem>>
        %dma_start3A_63 = tpu.memref_squeeze %dma_start3A_62 : memref<1x128xi32, #tpu.memory_space<vmem>> -> memref<128xi32, #tpu.memory_space<vmem>>
        %dma_start3A_64 = arith.constant 0 : i32
        %dma_start3A_65 = arith.constant 0 : i32
        %dma_start3A_66 = tpu.memref_slice %arg3[%dma_start3A_64, %dma_start3A_65] : memref<10240x128xf32, #tpu.memory_space<hbm>> -> memref<10240x128xf32, #tpu.memory_space<hbm>>
        tpu.enqueue_indirect_dma source(%dma_start3A_66 : memref<10240x128xf32, #tpu.memory_space<hbm>>) target(%arg15 : memref<128x128xf32, #tpu.memory_space<vmem>>) offsets(%dma_start3A_63 : memref<128xi32, #tpu.memory_space<vmem>>) semaphore(%arg21 : memref<!tpu.dma_semaphore, #tpu.memory_space<semaphore_mem>>)
        %dma_wait3A = arith.constant 0 : i32
        %dma_wait3A_67 = arith.constant 0 : i32
        %dma_wait3A_68 = tpu.memref_slice %arg12[%dma_wait3A, %dma_wait3A_67] : memref<2x128xi32, #tpu.memory_space<vmem>> -> memref<1x128xi32, #tpu.memory_space<vmem>>
        %dma_wait3A_69 = tpu.memref_squeeze %dma_wait3A_68 : memref<1x128xi32, #tpu.memory_space<vmem>> -> memref<128xi32, #tpu.memory_space<vmem>>
        %dma_wait3A_70 = arith.constant 0 : i32
        %dma_wait3A_71 = arith.constant 0 : i32
        %dma_wait3A_72 = tpu.memref_slice %arg3[%dma_wait3A_70, %dma_wait3A_71] : memref<10240x128xf32, #tpu.memory_space<hbm>> -> memref<10240x128xf32, #tpu.memory_space<hbm>>
        tpu.wait_indirect_dma semaphore(%arg20 : memref<!tpu.dma_semaphore, #tpu.memory_space<semaphore_mem>>) src(%dma_wait3A_72 : memref<10240x128xf32, #tpu.memory_space<hbm>>) dst(%arg14 : memref<128x128xf32, #tpu.memory_space<vmem>>)
        %dma_start3A_73 = arith.constant 0 : i32
        %dma_start3A_74 = arith.constant 0 : i32
        %dma_start3A_75 = tpu.memref_slice %arg13[%dma_start3A_73, %dma_start3A_74] : memref<2x128xi32, #tpu.memory_space<vmem>> -> memref<1x128xi32, #tpu.memory_space<vmem>>
        %dma_start3A_76 = tpu.memref_squeeze %dma_start3A_75 : memref<1x128xi32, #tpu.memory_space<vmem>> -> memref<128xi32, #tpu.memory_space<vmem>>
        %dma_start3A_77 = arith.constant 0 : i32
        %dma_start3A_78 = arith.constant 0 : i32
        %dma_start3A_79 = tpu.memref_slice %arg18[%dma_start3A_77, %dma_start3A_78] : memref<10240x128xf32, #tpu.memory_space<vmem_shared>> -> memref<10240x128xf32, #tpu.memory_space<vmem_shared>>
        tpu.enqueue_indirect_dma source(%arg14 : memref<128x128xf32, #tpu.memory_space<vmem>>) target(%dma_start3A_79 : memref<10240x128xf32, #tpu.memory_space<vmem_shared>>) offsets(%dma_start3A_76 : memref<128xi32, #tpu.memory_space<vmem>>) semaphore(%arg20 : memref<!tpu.dma_semaphore, #tpu.memory_space<semaphore_mem>>) {add = true}
        %dma_wait3A_80 = arith.constant 1 : i32
        %dma_wait3A_81 = arith.constant 0 : i32
        %dma_wait3A_82 = tpu.memref_slice %arg12[%dma_wait3A_80, %dma_wait3A_81] : memref<2x128xi32, #tpu.memory_space<vmem>> -> memref<1x128xi32, #tpu.memory_space<vmem>>
        %dma_wait3A_83 = tpu.memref_squeeze %dma_wait3A_82 : memref<1x128xi32, #tpu.memory_space<vmem>> -> memref<128xi32, #tpu.memory_space<vmem>>
        %dma_wait3A_84 = arith.constant 0 : i32
        %dma_wait3A_85 = arith.constant 0 : i32
        %dma_wait3A_86 = tpu.memref_slice %arg3[%dma_wait3A_84, %dma_wait3A_85] : memref<10240x128xf32, #tpu.memory_space<hbm>> -> memref<10240x128xf32, #tpu.memory_space<hbm>>
        tpu.wait_indirect_dma semaphore(%arg21 : memref<!tpu.dma_semaphore, #tpu.memory_space<semaphore_mem>>) src(%dma_wait3A_86 : memref<10240x128xf32, #tpu.memory_space<hbm>>) dst(%arg15 : memref<128x128xf32, #tpu.memory_space<vmem>>)
        %dma_start3A_87 = arith.constant 1 : i32
        %dma_start3A_88 = arith.constant 0 : i32
        %dma_start3A_89 = tpu.memref_slice %arg13[%dma_start3A_87, %dma_start3A_88] : memref<2x128xi32, #tpu.memory_space<vmem>> -> memref<1x128xi32, #tpu.memory_space<vmem>>
        %dma_start3A_90 = tpu.memref_squeeze %dma_start3A_89 : memref<1x128xi32, #tpu.memory_space<vmem>> -> memref<128xi32, #tpu.memory_space<vmem>>
        %dma_start3A_91 = arith.constant 0 : i32
        %dma_start3A_92 = arith.constant 0 : i32
        %dma_start3A_93 = tpu.memref_slice %arg18[%dma_start3A_91, %dma_start3A_92] : memref<10240x128xf32, #tpu.memory_space<vmem_shared>> -> memref<10240x128xf32, #tpu.memory_space<vmem_shared>>
        tpu.enqueue_indirect_dma source(%arg15 : memref<128x128xf32, #tpu.memory_space<vmem>>) target(%dma_start3A_93 : memref<10240x128xf32, #tpu.memory_space<vmem_shared>>) offsets(%dma_start3A_90 : memref<128xi32, #tpu.memory_space<vmem>>) semaphore(%arg21 : memref<!tpu.dma_semaphore, #tpu.memory_space<semaphore_mem>>) {add = true}
        %dma_wait3A_94 = arith.constant 0 : i32
        %dma_wait3A_95 = arith.constant 0 : i32
        %dma_wait3A_96 = tpu.memref_slice %arg13[%dma_wait3A_94, %dma_wait3A_95] : memref<2x128xi32, #tpu.memory_space<vmem>> -> memref<1x128xi32, #tpu.memory_space<vmem>>
        %dma_wait3A_97 = tpu.memref_squeeze %dma_wait3A_96 : memref<1x128xi32, #tpu.memory_space<vmem>> -> memref<128xi32, #tpu.memory_space<vmem>>
        %dma_wait3A_98 = arith.constant 0 : i32
        %dma_wait3A_99 = arith.constant 0 : i32
        %dma_wait3A_100 = tpu.memref_slice %arg18[%dma_wait3A_98, %dma_wait3A_99] : memref<10240x128xf32, #tpu.memory_space<vmem_shared>> -> memref<10240x128xf32, #tpu.memory_space<vmem_shared>>
        tpu.wait_indirect_dma semaphore(%arg20 : memref<!tpu.dma_semaphore, #tpu.memory_space<semaphore_mem>>) src(%arg14 : memref<128x128xf32, #tpu.memory_space<vmem>>) dst(%dma_wait3A_100 : memref<10240x128xf32, #tpu.memory_space<vmem_shared>>)
        %dma_wait3A_101 = arith.constant 1 : i32
        %dma_wait3A_102 = arith.constant 0 : i32
        %dma_wait3A_103 = tpu.memref_slice %arg13[%dma_wait3A_101, %dma_wait3A_102] : memref<2x128xi32, #tpu.memory_space<vmem>> -> memref<1x128xi32, #tpu.memory_space<vmem>>
        %dma_wait3A_104 = tpu.memref_squeeze %dma_wait3A_103 : memref<1x128xi32, #tpu.memory_space<vmem>> -> memref<128xi32, #tpu.memory_space<vmem>>
        %dma_wait3A_105 = arith.constant 0 : i32
        %dma_wait3A_106 = arith.constant 0 : i32
        %dma_wait3A_107 = tpu.memref_slice %arg18[%dma_wait3A_105, %dma_wait3A_106] : memref<10240x128xf32, #tpu.memory_space<vmem_shared>> -> memref<10240x128xf32, #tpu.memory_space<vmem_shared>>
        tpu.wait_indirect_dma semaphore(%arg21 : memref<!tpu.dma_semaphore, #tpu.memory_space<semaphore_mem>>) src(%arg15 : memref<128x128xf32, #tpu.memory_space<vmem>>) dst(%dma_wait3A_107 : memref<10240x128xf32, #tpu.memory_space<vmem_shared>>)
      }
      %scan3A_49 = arith.constant 40 : i32
    } else {
    }
    %barrier3A_32 = arith.constant 0 : index
    tpu.barrier barrier_id(%barrier3A_32)
    %mul3A_33 = arith.constant 640 : i32
    %mul3A_34 = arith.muli %arg1, %mul3A_33 : i32
    %eq3A_35 = arith.constant 0 : i32
    %eq3A_36 = arith.cmpi eq, %arg0, %eq3A_35 : i32
    %convert_element_type3A_37 = arith.extui %eq3A_36 : i1 to i32
    %cond3A_38 = arith.constant 0 : i32
    %cond3A_39 = arith.cmpi ne, %convert_element_type3A_37, %cond3A_38 : i32
    scf.if %cond3A_39 {
      "tpu.region"() ({
        %run_scoped3A = tpu.sem_alloc : memref<!tpu.dma_semaphore, #tpu.memory_space<semaphore_mem>>
        %dma_start3A = arith.constant 0 : i32
        %dma_start3A_45 = tpu.memref_slice %arg9[%mul3A_34, %dma_start3A] : memref<10240x128xf32, #tpu.memory_space<hbm>> -> memref<640x128xf32, #tpu.memory_space<hbm>>
        %dma_start3A_46 = arith.constant 0 : i32
        %dma_start3A_47 = tpu.memref_slice %arg18[%mul3A_34, %dma_start3A_46] : memref<10240x128xf32, #tpu.memory_space<vmem_shared>> -> memref<640x128xf32, #tpu.memory_space<vmem_shared>>
        tpu.enqueue_dma source(%dma_start3A_47 : memref<640x128xf32, #tpu.memory_space<vmem_shared>>) target(%dma_start3A_45 : memref<640x128xf32, #tpu.memory_space<hbm>>) target_semaphore(%run_scoped3A : memref<!tpu.dma_semaphore, #tpu.memory_space<semaphore_mem>>)
        %dma_wait3A = arith.constant 0 : i32
        %dma_wait3A_48 = tpu.memref_slice %arg9[%mul3A_34, %dma_wait3A] : memref<10240x128xf32, #tpu.memory_space<hbm>> -> memref<640x128xf32, #tpu.memory_space<hbm>>
        %dma_wait3A_49 = arith.constant 0 : i32
        %dma_wait3A_50 = tpu.memref_slice %arg18[%mul3A_34, %dma_wait3A_49] : memref<10240x128xf32, #tpu.memory_space<vmem_shared>> -> memref<640x128xf32, #tpu.memory_space<vmem_shared>>
        tpu.wait_dma2 semaphore(%run_scoped3A : memref<!tpu.dma_semaphore, #tpu.memory_space<semaphore_mem>>) src(%dma_wait3A_50 : memref<640x128xf32, #tpu.memory_space<vmem_shared>>) dst(%dma_wait3A_48 : memref<640x128xf32, #tpu.memory_space<hbm>>)
        tpu.yield
      }) : () -> ()
      "tpu.region"() ({
        %run_scoped3A = tpu.sem_alloc : memref<!tpu.dma_semaphore, #tpu.memory_space<semaphore_mem>>
        %dma_start3A = arith.constant 0 : i32
        %dma_start3A_45 = tpu.memref_slice %arg11[%mul3A_34, %dma_start3A] : memref<10240x16xf32, #tpu.memory_space<hbm>> -> memref<640x16xf32, #tpu.memory_space<hbm>>
        %dma_start3A_46 = arith.constant 0 : i32
        %dma_start3A_47 = tpu.memref_slice %arg19[%mul3A_34, %dma_start3A_46] : memref<10240x16xf32, #tpu.memory_space<vmem_shared>> -> memref<640x16xf32, #tpu.memory_space<vmem_shared>>
        tpu.enqueue_dma source(%dma_start3A_47 : memref<640x16xf32, #tpu.memory_space<vmem_shared>>) target(%dma_start3A_45 : memref<640x16xf32, #tpu.memory_space<hbm>>) target_semaphore(%run_scoped3A : memref<!tpu.dma_semaphore, #tpu.memory_space<semaphore_mem>>)
        %dma_wait3A = arith.constant 0 : i32
        %dma_wait3A_48 = tpu.memref_slice %arg11[%mul3A_34, %dma_wait3A] : memref<10240x16xf32, #tpu.memory_space<hbm>> -> memref<640x16xf32, #tpu.memory_space<hbm>>
        %dma_wait3A_49 = arith.constant 0 : i32
        %dma_wait3A_50 = tpu.memref_slice %arg19[%mul3A_34, %dma_wait3A_49] : memref<10240x16xf32, #tpu.memory_space<vmem_shared>> -> memref<640x16xf32, #tpu.memory_space<vmem_shared>>
        tpu.wait_dma2 semaphore(%run_scoped3A : memref<!tpu.dma_semaphore, #tpu.memory_space<semaphore_mem>>) src(%dma_wait3A_50 : memref<640x16xf32, #tpu.memory_space<vmem_shared>>) dst(%dma_wait3A_48 : memref<640x16xf32, #tpu.memory_space<hbm>>)
        tpu.yield
      }) : () -> ()
    } else {
    }
    %eq3A_40 = arith.constant 1 : i32
    %eq3A_41 = arith.cmpi eq, %arg0, %eq3A_40 : i32
    %convert_element_type3A_42 = arith.extui %eq3A_41 : i1 to i32
    %cond3A_43 = arith.constant 0 : i32
    %cond3A_44 = arith.cmpi ne, %convert_element_type3A_42, %cond3A_43 : i32
    scf.if %cond3A_44 {
      "tpu.region"() ({
        %run_scoped3A = tpu.sem_alloc : memref<!tpu.dma_semaphore, #tpu.memory_space<semaphore_mem>>
        %dma_start3A = arith.constant 0 : i32
        %dma_start3A_45 = tpu.memref_slice %arg10[%mul3A_34, %dma_start3A] : memref<10240x128xf32, #tpu.memory_space<hbm>> -> memref<640x128xf32, #tpu.memory_space<hbm>>
        %dma_start3A_46 = arith.constant 0 : i32
        %dma_start3A_47 = tpu.memref_slice %arg18[%mul3A_34, %dma_start3A_46] : memref<10240x128xf32, #tpu.memory_space<vmem_shared>> -> memref<640x128xf32, #tpu.memory_space<vmem_shared>>
        tpu.enqueue_dma source(%dma_start3A_47 : memref<640x128xf32, #tpu.memory_space<vmem_shared>>) target(%dma_start3A_45 : memref<640x128xf32, #tpu.memory_space<hbm>>) target_semaphore(%run_scoped3A : memref<!tpu.dma_semaphore, #tpu.memory_space<semaphore_mem>>)
        %dma_wait3A = arith.constant 0 : i32
        %dma_wait3A_48 = tpu.memref_slice %arg10[%mul3A_34, %dma_wait3A] : memref<10240x128xf32, #tpu.memory_space<hbm>> -> memref<640x128xf32, #tpu.memory_space<hbm>>
        %dma_wait3A_49 = arith.constant 0 : i32
        %dma_wait3A_50 = tpu.memref_slice %arg18[%mul3A_34, %dma_wait3A_49] : memref<10240x128xf32, #tpu.memory_space<vmem_shared>> -> memref<640x128xf32, #tpu.memory_space<vmem_shared>>
        tpu.wait_dma2 semaphore(%run_scoped3A : memref<!tpu.dma_semaphore, #tpu.memory_space<semaphore_mem>>) src(%dma_wait3A_50 : memref<640x128xf32, #tpu.memory_space<vmem_shared>>) dst(%dma_wait3A_48 : memref<640x128xf32, #tpu.memory_space<hbm>>)
        tpu.yield
      }) : () -> ()
    } else {
    }
    return
  }
}

#map = affine_map<(d0, d1) -> (0, 0)>
module attributes {stable_mosaic.version = 14 : i64} {
  func.func @_sc_count(%arg0: i32, %arg1: i32, %arg2: memref<1280x128xi32, #tpu.memory_space<hbm>>, %arg3: memref<128x16xf32, #tpu.memory_space<hbm>>, %arg4: memref<128x16xf32, #tpu.memory_space<hbm>>, %arg5: memref<10240x16xf32, #tpu.memory_space<hbm>>, %arg6: memref<10240x16xf32, #tpu.memory_space<hbm>>, %arg7: memref<4x128xi32, #tpu.memory_space<vmem>>, %arg8: memref<128x16xf32, #tpu.memory_space<vmem>>, %arg9: memref<128x16xf32, #tpu.memory_space<vmem>>, %arg10: memref<10240x16xf32, #tpu.memory_space<vmem_shared>>, %arg11: memref<!tpu.dma_semaphore, #tpu.memory_space<semaphore_mem>>, %arg12: memref<!tpu.dma_semaphore, #tpu.memory_space<semaphore_mem>>, %arg13: memref<!tpu.dma_semaphore, #tpu.memory_space<semaphore_mem>>, %arg14: memref<!tpu.dma_semaphore, #tpu.memory_space<semaphore_mem>>) attributes {dimension_semantics = [#tpu.dimension_semantics<core_parallel>, #tpu.dimension_semantics<subcore_parallel>], iteration_bounds = array<i64: 2, 16>, scalar_prefetch = 0 : i64, scratch_operands = 8 : i64, tpu.core_type = #tpu.core_type<sc_vector_subcore>, window_params = [{transform_indices = #map}, {transform_indices = #map}, {transform_indices = #map}, {transform_indices = #map}, {transform_indices = #map}]} {
    "tpu.region"() ({
      %run_scoped3A = tpu.sem_alloc : memref<!tpu.dma_semaphore, #tpu.memory_space<semaphore_mem>>
      tpu.enqueue_dma source(%arg3 : memref<128x16xf32, #tpu.memory_space<hbm>>) target(%arg8 : memref<128x16xf32, #tpu.memory_space<vmem>>) target_semaphore(%run_scoped3A : memref<!tpu.dma_semaphore, #tpu.memory_space<semaphore_mem>>)
      tpu.wait_dma2 semaphore(%run_scoped3A : memref<!tpu.dma_semaphore, #tpu.memory_space<semaphore_mem>>) src(%arg3 : memref<128x16xf32, #tpu.memory_space<hbm>>) dst(%arg8 : memref<128x16xf32, #tpu.memory_space<vmem>>)
      tpu.yield
    }) : () -> ()
    "tpu.region"() ({
      %run_scoped3A = tpu.sem_alloc : memref<!tpu.dma_semaphore, #tpu.memory_space<semaphore_mem>>
      tpu.enqueue_dma source(%arg4 : memref<128x16xf32, #tpu.memory_space<hbm>>) target(%arg9 : memref<128x16xf32, #tpu.memory_space<vmem>>) target_semaphore(%run_scoped3A : memref<!tpu.dma_semaphore, #tpu.memory_space<semaphore_mem>>)
      tpu.wait_dma2 semaphore(%run_scoped3A : memref<!tpu.dma_semaphore, #tpu.memory_space<semaphore_mem>>) src(%arg4 : memref<128x16xf32, #tpu.memory_space<hbm>>) dst(%arg9 : memref<128x16xf32, #tpu.memory_space<vmem>>)
      tpu.yield
    }) : () -> ()
    %mul3A = arith.constant 640 : i32
    %mul3A_0 = arith.muli %arg1, %mul3A : i32
    %add3A = arith.constant 0 : i32
    %add3A_1 = arith.addi %mul3A_0, %add3A : i32
    "tpu.region"() ({
      %run_scoped3A = tpu.sem_alloc : memref<!tpu.dma_semaphore, #tpu.memory_space<semaphore_mem>>
      %dma_start3A = arith.constant 0 : i32
      %dma_start3A_38 = tpu.memref_slice %arg10[%add3A_1, %dma_start3A] : memref<10240x16xf32, #tpu.memory_space<vmem_shared>> -> memref<128x16xf32, #tpu.memory_space<vmem_shared>>
      %dma_start3A_39 = arith.constant 0 : i32
      %dma_start3A_40 = tpu.memref_slice %arg10[%add3A_1, %dma_start3A_39] : memref<10240x16xf32, #tpu.memory_space<vmem_shared>> -> memref<128x16xf32, #tpu.memory_space<vmem_shared>>
      tpu.enqueue_dma source(%arg9 : memref<128x16xf32, #tpu.memory_space<vmem>>) target(%dma_start3A_40 : memref<128x16xf32, #tpu.memory_space<vmem_shared>>) target_semaphore(%run_scoped3A : memref<!tpu.dma_semaphore, #tpu.memory_space<semaphore_mem>>)
      %dma_wait3A = arith.constant 0 : i32
      %dma_wait3A_41 = tpu.memref_slice %arg10[%add3A_1, %dma_wait3A] : memref<10240x16xf32, #tpu.memory_space<vmem_shared>> -> memref<128x16xf32, #tpu.memory_space<vmem_shared>>
      %dma_wait3A_42 = arith.constant 0 : i32
      %dma_wait3A_43 = tpu.memref_slice %arg10[%add3A_1, %dma_wait3A_42] : memref<10240x16xf32, #tpu.memory_space<vmem_shared>> -> memref<128x16xf32, #tpu.memory_space<vmem_shared>>
      tpu.wait_dma2 semaphore(%run_scoped3A : memref<!tpu.dma_semaphore, #tpu.memory_space<semaphore_mem>>) src(%arg9 : memref<128x16xf32, #tpu.memory_space<vmem>>) dst(%dma_wait3A_43 : memref<128x16xf32, #tpu.memory_space<vmem_shared>>)
      tpu.yield
    }) : () -> ()
    %mul3A_2 = arith.constant 640 : i32
    %mul3A_3 = arith.muli %arg1, %mul3A_2 : i32
    %add3A_4 = arith.constant 128 : i32
    %add3A_5 = arith.addi %mul3A_3, %add3A_4 : i32
    "tpu.region"() ({
      %run_scoped3A = tpu.sem_alloc : memref<!tpu.dma_semaphore, #tpu.memory_space<semaphore_mem>>
      %dma_start3A = arith.constant 0 : i32
      %dma_start3A_38 = tpu.memref_slice %arg10[%add3A_5, %dma_start3A] : memref<10240x16xf32, #tpu.memory_space<vmem_shared>> -> memref<128x16xf32, #tpu.memory_space<vmem_shared>>
      %dma_start3A_39 = arith.constant 0 : i32
      %dma_start3A_40 = tpu.memref_slice %arg10[%add3A_5, %dma_start3A_39] : memref<10240x16xf32, #tpu.memory_space<vmem_shared>> -> memref<128x16xf32, #tpu.memory_space<vmem_shared>>
      tpu.enqueue_dma source(%arg9 : memref<128x16xf32, #tpu.memory_space<vmem>>) target(%dma_start3A_40 : memref<128x16xf32, #tpu.memory_space<vmem_shared>>) target_semaphore(%run_scoped3A : memref<!tpu.dma_semaphore, #tpu.memory_space<semaphore_mem>>)
      %dma_wait3A = arith.constant 0 : i32
      %dma_wait3A_41 = tpu.memref_slice %arg10[%add3A_5, %dma_wait3A] : memref<10240x16xf32, #tpu.memory_space<vmem_shared>> -> memref<128x16xf32, #tpu.memory_space<vmem_shared>>
      %dma_wait3A_42 = arith.constant 0 : i32
      %dma_wait3A_43 = tpu.memref_slice %arg10[%add3A_5, %dma_wait3A_42] : memref<10240x16xf32, #tpu.memory_space<vmem_shared>> -> memref<128x16xf32, #tpu.memory_space<vmem_shared>>
      tpu.wait_dma2 semaphore(%run_scoped3A : memref<!tpu.dma_semaphore, #tpu.memory_space<semaphore_mem>>) src(%arg9 : memref<128x16xf32, #tpu.memory_space<vmem>>) dst(%dma_wait3A_43 : memref<128x16xf32, #tpu.memory_space<vmem_shared>>)
      tpu.yield
    }) : () -> ()
    %mul3A_6 = arith.constant 640 : i32
    %mul3A_7 = arith.muli %arg1, %mul3A_6 : i32
    %add3A_8 = arith.constant 256 : i32
    %add3A_9 = arith.addi %mul3A_7, %add3A_8 : i32
    "tpu.region"() ({
      %run_scoped3A = tpu.sem_alloc : memref<!tpu.dma_semaphore, #tpu.memory_space<semaphore_mem>>
      %dma_start3A = arith.constant 0 : i32
      %dma_start3A_38 = tpu.memref_slice %arg10[%add3A_9, %dma_start3A] : memref<10240x16xf32, #tpu.memory_space<vmem_shared>> -> memref<128x16xf32, #tpu.memory_space<vmem_shared>>
      %dma_start3A_39 = arith.constant 0 : i32
      %dma_start3A_40 = tpu.memref_slice %arg10[%add3A_9, %dma_start3A_39] : memref<10240x16xf32, #tpu.memory_space<vmem_shared>> -> memref<128x16xf32, #tpu.memory_space<vmem_shared>>
      tpu.enqueue_dma source(%arg9 : memref<128x16xf32, #tpu.memory_space<vmem>>) target(%dma_start3A_40 : memref<128x16xf32, #tpu.memory_space<vmem_shared>>) target_semaphore(%run_scoped3A : memref<!tpu.dma_semaphore, #tpu.memory_space<semaphore_mem>>)
      %dma_wait3A = arith.constant 0 : i32
      %dma_wait3A_41 = tpu.memref_slice %arg10[%add3A_9, %dma_wait3A] : memref<10240x16xf32, #tpu.memory_space<vmem_shared>> -> memref<128x16xf32, #tpu.memory_space<vmem_shared>>
      %dma_wait3A_42 = arith.constant 0 : i32
      %dma_wait3A_43 = tpu.memref_slice %arg10[%add3A_9, %dma_wait3A_42] : memref<10240x16xf32, #tpu.memory_space<vmem_shared>> -> memref<128x16xf32, #tpu.memory_space<vmem_shared>>
      tpu.wait_dma2 semaphore(%run_scoped3A : memref<!tpu.dma_semaphore, #tpu.memory_space<semaphore_mem>>) src(%arg9 : memref<128x16xf32, #tpu.memory_space<vmem>>) dst(%dma_wait3A_43 : memref<128x16xf32, #tpu.memory_space<vmem_shared>>)
      tpu.yield
    }) : () -> ()
    %mul3A_10 = arith.constant 640 : i32
    %mul3A_11 = arith.muli %arg1, %mul3A_10 : i32
    %add3A_12 = arith.constant 384 : i32
    %add3A_13 = arith.addi %mul3A_11, %add3A_12 : i32
    "tpu.region"() ({
      %run_scoped3A = tpu.sem_alloc : memref<!tpu.dma_semaphore, #tpu.memory_space<semaphore_mem>>
      %dma_start3A = arith.constant 0 : i32
      %dma_start3A_38 = tpu.memref_slice %arg10[%add3A_13, %dma_start3A] : memref<10240x16xf32, #tpu.memory_space<vmem_shared>> -> memref<128x16xf32, #tpu.memory_space<vmem_shared>>
      %dma_start3A_39 = arith.constant 0 : i32
      %dma_start3A_40 = tpu.memref_slice %arg10[%add3A_13, %dma_start3A_39] : memref<10240x16xf32, #tpu.memory_space<vmem_shared>> -> memref<128x16xf32, #tpu.memory_space<vmem_shared>>
      tpu.enqueue_dma source(%arg9 : memref<128x16xf32, #tpu.memory_space<vmem>>) target(%dma_start3A_40 : memref<128x16xf32, #tpu.memory_space<vmem_shared>>) target_semaphore(%run_scoped3A : memref<!tpu.dma_semaphore, #tpu.memory_space<semaphore_mem>>)
      %dma_wait3A = arith.constant 0 : i32
      %dma_wait3A_41 = tpu.memref_slice %arg10[%add3A_13, %dma_wait3A] : memref<10240x16xf32, #tpu.memory_space<vmem_shared>> -> memref<128x16xf32, #tpu.memory_space<vmem_shared>>
      %dma_wait3A_42 = arith.constant 0 : i32
      %dma_wait3A_43 = tpu.memref_slice %arg10[%add3A_13, %dma_wait3A_42] : memref<10240x16xf32, #tpu.memory_space<vmem_shared>> -> memref<128x16xf32, #tpu.memory_space<vmem_shared>>
      tpu.wait_dma2 semaphore(%run_scoped3A : memref<!tpu.dma_semaphore, #tpu.memory_space<semaphore_mem>>) src(%arg9 : memref<128x16xf32, #tpu.memory_space<vmem>>) dst(%dma_wait3A_43 : memref<128x16xf32, #tpu.memory_space<vmem_shared>>)
      tpu.yield
    }) : () -> ()
    %mul3A_14 = arith.constant 640 : i32
    %mul3A_15 = arith.muli %arg1, %mul3A_14 : i32
    %add3A_16 = arith.constant 512 : i32
    %add3A_17 = arith.addi %mul3A_15, %add3A_16 : i32
    "tpu.region"() ({
      %run_scoped3A = tpu.sem_alloc : memref<!tpu.dma_semaphore, #tpu.memory_space<semaphore_mem>>
      %dma_start3A = arith.constant 0 : i32
      %dma_start3A_38 = tpu.memref_slice %arg10[%add3A_17, %dma_start3A] : memref<10240x16xf32, #tpu.memory_space<vmem_shared>> -> memref<128x16xf32, #tpu.memory_space<vmem_shared>>
      %dma_start3A_39 = arith.constant 0 : i32
      %dma_start3A_40 = tpu.memref_slice %arg10[%add3A_17, %dma_start3A_39] : memref<10240x16xf32, #tpu.memory_space<vmem_shared>> -> memref<128x16xf32, #tpu.memory_space<vmem_shared>>
      tpu.enqueue_dma source(%arg9 : memref<128x16xf32, #tpu.memory_space<vmem>>) target(%dma_start3A_40 : memref<128x16xf32, #tpu.memory_space<vmem_shared>>) target_semaphore(%run_scoped3A : memref<!tpu.dma_semaphore, #tpu.memory_space<semaphore_mem>>)
      %dma_wait3A = arith.constant 0 : i32
      %dma_wait3A_41 = tpu.memref_slice %arg10[%add3A_17, %dma_wait3A] : memref<10240x16xf32, #tpu.memory_space<vmem_shared>> -> memref<128x16xf32, #tpu.memory_space<vmem_shared>>
      %dma_wait3A_42 = arith.constant 0 : i32
      %dma_wait3A_43 = tpu.memref_slice %arg10[%add3A_17, %dma_wait3A_42] : memref<10240x16xf32, #tpu.memory_space<vmem_shared>> -> memref<128x16xf32, #tpu.memory_space<vmem_shared>>
      tpu.wait_dma2 semaphore(%run_scoped3A : memref<!tpu.dma_semaphore, #tpu.memory_space<semaphore_mem>>) src(%arg9 : memref<128x16xf32, #tpu.memory_space<vmem>>) dst(%dma_wait3A_43 : memref<128x16xf32, #tpu.memory_space<vmem_shared>>)
      tpu.yield
    }) : () -> ()
    %barrier3A = arith.constant 0 : index
    tpu.barrier barrier_id(%barrier3A)
    %mul3A_18 = arith.constant 16 : i32
    %mul3A_19 = arith.muli %arg0, %mul3A_18 : i32
    %add3A_20 = arith.addi %mul3A_19, %arg1 : i32
    %mul3A_21 = arith.constant 40 : i32
    %mul3A_22 = arith.muli %add3A_20, %mul3A_21 : i32
    %scan3A = arith.constant 0 : i32
    %scan3A_23 = arith.constant 0 : i32
    %scan3A_24 = arith.constant 10 : i32
    %scan3A_25 = arith.addi %scan3A_23, %scan3A_24 : i32
    %scan3A_26 = arith.constant 1 : i32
    scf.for %scan3A_38 = %scan3A_23 to %scan3A_25 step %scan3A_26  : i32 {
      %mul3A_39 = arith.constant 4 : i32
      %mul3A_40 = arith.muli %scan3A_38, %mul3A_39 : i32
      %add3A_41 = arith.addi %mul3A_22, %mul3A_40 : i32
      "tpu.region"() ({
        %run_scoped3A = tpu.sem_alloc : memref<!tpu.dma_semaphore, #tpu.memory_space<semaphore_mem>>
        %dma_start3A_96 = arith.constant 0 : i32
        %dma_start3A_97 = tpu.memref_slice %arg2[%add3A_41, %dma_start3A_96] : memref<1280x128xi32, #tpu.memory_space<hbm>> -> memref<4x128xi32, #tpu.memory_space<hbm>>
        %dma_start3A_98 = arith.constant 0 : i32
        %dma_start3A_99 = tpu.memref_slice %arg2[%add3A_41, %dma_start3A_98] : memref<1280x128xi32, #tpu.memory_space<hbm>> -> memref<4x128xi32, #tpu.memory_space<hbm>>
        tpu.enqueue_dma source(%dma_start3A_99 : memref<4x128xi32, #tpu.memory_space<hbm>>) target(%arg7 : memref<4x128xi32, #tpu.memory_space<vmem>>) target_semaphore(%run_scoped3A : memref<!tpu.dma_semaphore, #tpu.memory_space<semaphore_mem>>)
        %dma_wait3A_100 = arith.constant 0 : i32
        %dma_wait3A_101 = tpu.memref_slice %arg2[%add3A_41, %dma_wait3A_100] : memref<1280x128xi32, #tpu.memory_space<hbm>> -> memref<4x128xi32, #tpu.memory_space<hbm>>
        %dma_wait3A_102 = arith.constant 0 : i32
        %dma_wait3A_103 = tpu.memref_slice %arg2[%add3A_41, %dma_wait3A_102] : memref<1280x128xi32, #tpu.memory_space<hbm>> -> memref<4x128xi32, #tpu.memory_space<hbm>>
        tpu.wait_dma2 semaphore(%run_scoped3A : memref<!tpu.dma_semaphore, #tpu.memory_space<semaphore_mem>>) src(%dma_wait3A_103 : memref<4x128xi32, #tpu.memory_space<hbm>>) dst(%arg7 : memref<4x128xi32, #tpu.memory_space<vmem>>)
        tpu.yield
      }) : () -> ()
      %dma_start3A = arith.constant 0 : i32
      %dma_start3A_42 = arith.constant 0 : i32
      %dma_start3A_43 = tpu.memref_slice %arg7[%dma_start3A, %dma_start3A_42] : memref<4x128xi32, #tpu.memory_space<vmem>> -> memref<1x128xi32, #tpu.memory_space<vmem>>
      %dma_start3A_44 = tpu.memref_squeeze %dma_start3A_43 : memref<1x128xi32, #tpu.memory_space<vmem>> -> memref<128xi32, #tpu.memory_space<vmem>>
      %dma_start3A_45 = arith.constant 0 : i32
      %dma_start3A_46 = arith.constant 0 : i32
      %dma_start3A_47 = tpu.memref_slice %arg10[%dma_start3A_45, %dma_start3A_46] : memref<10240x16xf32, #tpu.memory_space<vmem_shared>> -> memref<10240x16xf32, #tpu.memory_space<vmem_shared>>
      tpu.enqueue_indirect_dma source(%arg8 : memref<128x16xf32, #tpu.memory_space<vmem>>) target(%dma_start3A_47 : memref<10240x16xf32, #tpu.memory_space<vmem_shared>>) offsets(%dma_start3A_44 : memref<128xi32, #tpu.memory_space<vmem>>) semaphore(%arg11 : memref<!tpu.dma_semaphore, #tpu.memory_space<semaphore_mem>>) {add = true}
      %dma_start3A_48 = arith.constant 1 : i32
      %dma_start3A_49 = arith.constant 0 : i32
      %dma_start3A_50 = tpu.memref_slice %arg7[%dma_start3A_48, %dma_start3A_49] : memref<4x128xi32, #tpu.memory_space<vmem>> -> memref<1x128xi32, #tpu.memory_space<vmem>>
      %dma_start3A_51 = tpu.memref_squeeze %dma_start3A_50 : memref<1x128xi32, #tpu.memory_space<vmem>> -> memref<128xi32, #tpu.memory_space<vmem>>
      %dma_start3A_52 = arith.constant 0 : i32
      %dma_start3A_53 = arith.constant 0 : i32
      %dma_start3A_54 = tpu.memref_slice %arg10[%dma_start3A_52, %dma_start3A_53] : memref<10240x16xf32, #tpu.memory_space<vmem_shared>> -> memref<10240x16xf32, #tpu.memory_space<vmem_shared>>
      tpu.enqueue_indirect_dma source(%arg8 : memref<128x16xf32, #tpu.memory_space<vmem>>) target(%dma_start3A_54 : memref<10240x16xf32, #tpu.memory_space<vmem_shared>>) offsets(%dma_start3A_51 : memref<128xi32, #tpu.memory_space<vmem>>) semaphore(%arg12 : memref<!tpu.dma_semaphore, #tpu.memory_space<semaphore_mem>>) {add = true}
      %dma_start3A_55 = arith.constant 2 : i32
      %dma_start3A_56 = arith.constant 0 : i32
      %dma_start3A_57 = tpu.memref_slice %arg7[%dma_start3A_55, %dma_start3A_56] : memref<4x128xi32, #tpu.memory_space<vmem>> -> memref<1x128xi32, #tpu.memory_space<vmem>>
      %dma_start3A_58 = tpu.memref_squeeze %dma_start3A_57 : memref<1x128xi32, #tpu.memory_space<vmem>> -> memref<128xi32, #tpu.memory_space<vmem>>
      %dma_start3A_59 = arith.constant 0 : i32
      %dma_start3A_60 = arith.constant 0 : i32
      %dma_start3A_61 = tpu.memref_slice %arg10[%dma_start3A_59, %dma_start3A_60] : memref<10240x16xf32, #tpu.memory_space<vmem_shared>> -> memref<10240x16xf32, #tpu.memory_space<vmem_shared>>
      tpu.enqueue_indirect_dma source(%arg8 : memref<128x16xf32, #tpu.memory_space<vmem>>) target(%dma_start3A_61 : memref<10240x16xf32, #tpu.memory_space<vmem_shared>>) offsets(%dma_start3A_58 : memref<128xi32, #tpu.memory_space<vmem>>) semaphore(%arg13 : memref<!tpu.dma_semaphore, #tpu.memory_space<semaphore_mem>>) {add = true}
      %dma_start3A_62 = arith.constant 3 : i32
      %dma_start3A_63 = arith.constant 0 : i32
      %dma_start3A_64 = tpu.memref_slice %arg7[%dma_start3A_62, %dma_start3A_63] : memref<4x128xi32, #tpu.memory_space<vmem>> -> memref<1x128xi32, #tpu.memory_space<vmem>>
      %dma_start3A_65 = tpu.memref_squeeze %dma_start3A_64 : memref<1x128xi32, #tpu.memory_space<vmem>> -> memref<128xi32, #tpu.memory_space<vmem>>
      %dma_start3A_66 = arith.constant 0 : i32
      %dma_start3A_67 = arith.constant 0 : i32
      %dma_start3A_68 = tpu.memref_slice %arg10[%dma_start3A_66, %dma_start3A_67] : memref<10240x16xf32, #tpu.memory_space<vmem_shared>> -> memref<10240x16xf32, #tpu.memory_space<vmem_shared>>
      tpu.enqueue_indirect_dma source(%arg8 : memref<128x16xf32, #tpu.memory_space<vmem>>) target(%dma_start3A_68 : memref<10240x16xf32, #tpu.memory_space<vmem_shared>>) offsets(%dma_start3A_65 : memref<128xi32, #tpu.memory_space<vmem>>) semaphore(%arg14 : memref<!tpu.dma_semaphore, #tpu.memory_space<semaphore_mem>>) {add = true}
      %dma_wait3A = arith.constant 0 : i32
      %dma_wait3A_69 = arith.constant 0 : i32
      %dma_wait3A_70 = tpu.memref_slice %arg7[%dma_wait3A, %dma_wait3A_69] : memref<4x128xi32, #tpu.memory_space<vmem>> -> memref<1x128xi32, #tpu.memory_space<vmem>>
      %dma_wait3A_71 = tpu.memref_squeeze %dma_wait3A_70 : memref<1x128xi32, #tpu.memory_space<vmem>> -> memref<128xi32, #tpu.memory_space<vmem>>
      %dma_wait3A_72 = arith.constant 0 : i32
      %dma_wait3A_73 = arith.constant 0 : i32
      %dma_wait3A_74 = tpu.memref_slice %arg10[%dma_wait3A_72, %dma_wait3A_73] : memref<10240x16xf32, #tpu.memory_space<vmem_shared>> -> memref<10240x16xf32, #tpu.memory_space<vmem_shared>>
      tpu.wait_indirect_dma semaphore(%arg11 : memref<!tpu.dma_semaphore, #tpu.memory_space<semaphore_mem>>) src(%arg8 : memref<128x16xf32, #tpu.memory_space<vmem>>) dst(%dma_wait3A_74 : memref<10240x16xf32, #tpu.memory_space<vmem_shared>>)
      %dma_wait3A_75 = arith.constant 1 : i32
      %dma_wait3A_76 = arith.constant 0 : i32
      %dma_wait3A_77 = tpu.memref_slice %arg7[%dma_wait3A_75, %dma_wait3A_76] : memref<4x128xi32, #tpu.memory_space<vmem>> -> memref<1x128xi32, #tpu.memory_space<vmem>>
      %dma_wait3A_78 = tpu.memref_squeeze %dma_wait3A_77 : memref<1x128xi32, #tpu.memory_space<vmem>> -> memref<128xi32, #tpu.memory_space<vmem>>
      %dma_wait3A_79 = arith.constant 0 : i32
      %dma_wait3A_80 = arith.constant 0 : i32
      %dma_wait3A_81 = tpu.memref_slice %arg10[%dma_wait3A_79, %dma_wait3A_80] : memref<10240x16xf32, #tpu.memory_space<vmem_shared>> -> memref<10240x16xf32, #tpu.memory_space<vmem_shared>>
      tpu.wait_indirect_dma semaphore(%arg12 : memref<!tpu.dma_semaphore, #tpu.memory_space<semaphore_mem>>) src(%arg8 : memref<128x16xf32, #tpu.memory_space<vmem>>) dst(%dma_wait3A_81 : memref<10240x16xf32, #tpu.memory_space<vmem_shared>>)
      %dma_wait3A_82 = arith.constant 2 : i32
      %dma_wait3A_83 = arith.constant 0 : i32
      %dma_wait3A_84 = tpu.memref_slice %arg7[%dma_wait3A_82, %dma_wait3A_83] : memref<4x128xi32, #tpu.memory_space<vmem>> -> memref<1x128xi32, #tpu.memory_space<vmem>>
      %dma_wait3A_85 = tpu.memref_squeeze %dma_wait3A_84 : memref<1x128xi32, #tpu.memory_space<vmem>> -> memref<128xi32, #tpu.memory_space<vmem>>
      %dma_wait3A_86 = arith.constant 0 : i32
      %dma_wait3A_87 = arith.constant 0 : i32
      %dma_wait3A_88 = tpu.memref_slice %arg10[%dma_wait3A_86, %dma_wait3A_87] : memref<10240x16xf32, #tpu.memory_space<vmem_shared>> -> memref<10240x16xf32, #tpu.memory_space<vmem_shared>>
      tpu.wait_indirect_dma semaphore(%arg13 : memref<!tpu.dma_semaphore, #tpu.memory_space<semaphore_mem>>) src(%arg8 : memref<128x16xf32, #tpu.memory_space<vmem>>) dst(%dma_wait3A_88 : memref<10240x16xf32, #tpu.memory_space<vmem_shared>>)
      %dma_wait3A_89 = arith.constant 3 : i32
      %dma_wait3A_90 = arith.constant 0 : i32
      %dma_wait3A_91 = tpu.memref_slice %arg7[%dma_wait3A_89, %dma_wait3A_90] : memref<4x128xi32, #tpu.memory_space<vmem>> -> memref<1x128xi32, #tpu.memory_space<vmem>>
      %dma_wait3A_92 = tpu.memref_squeeze %dma_wait3A_91 : memref<1x128xi32, #tpu.memory_space<vmem>> -> memref<128xi32, #tpu.memory_space<vmem>>
      %dma_wait3A_93 = arith.constant 0 : i32
      %dma_wait3A_94 = arith.constant 0 : i32
      %dma_wait3A_95 = tpu.memref_slice %arg10[%dma_wait3A_93, %dma_wait3A_94] : memref<10240x16xf32, #tpu.memory_space<vmem_shared>> -> memref<10240x16xf32, #tpu.memory_space<vmem_shared>>
      tpu.wait_indirect_dma semaphore(%arg14 : memref<!tpu.dma_semaphore, #tpu.memory_space<semaphore_mem>>) src(%arg8 : memref<128x16xf32, #tpu.memory_space<vmem>>) dst(%dma_wait3A_95 : memref<10240x16xf32, #tpu.memory_space<vmem_shared>>)
    }
    %scan3A_27 = arith.constant 10 : i32
    %barrier3A_28 = arith.constant 0 : index
    tpu.barrier barrier_id(%barrier3A_28)
    %mul3A_29 = arith.constant 640 : i32
    %mul3A_30 = arith.muli %arg1, %mul3A_29 : i32
    %eq3A = arith.constant 0 : i32
    %eq3A_31 = arith.cmpi eq, %arg0, %eq3A : i32
    %convert_element_type3A = arith.extui %eq3A_31 : i1 to i32
    %cond3A = arith.constant 0 : i32
    %cond3A_32 = arith.cmpi ne, %convert_element_type3A, %cond3A : i32
    scf.if %cond3A_32 {
      "tpu.region"() ({
        %run_scoped3A = tpu.sem_alloc : memref<!tpu.dma_semaphore, #tpu.memory_space<semaphore_mem>>
        %dma_start3A = arith.constant 0 : i32
        %dma_start3A_38 = tpu.memref_slice %arg5[%mul3A_30, %dma_start3A] : memref<10240x16xf32, #tpu.memory_space<hbm>> -> memref<640x16xf32, #tpu.memory_space<hbm>>
        %dma_start3A_39 = arith.constant 0 : i32
        %dma_start3A_40 = tpu.memref_slice %arg10[%mul3A_30, %dma_start3A_39] : memref<10240x16xf32, #tpu.memory_space<vmem_shared>> -> memref<640x16xf32, #tpu.memory_space<vmem_shared>>
        tpu.enqueue_dma source(%dma_start3A_40 : memref<640x16xf32, #tpu.memory_space<vmem_shared>>) target(%dma_start3A_38 : memref<640x16xf32, #tpu.memory_space<hbm>>) target_semaphore(%run_scoped3A : memref<!tpu.dma_semaphore, #tpu.memory_space<semaphore_mem>>)
        %dma_wait3A = arith.constant 0 : i32
        %dma_wait3A_41 = tpu.memref_slice %arg5[%mul3A_30, %dma_wait3A] : memref<10240x16xf32, #tpu.memory_space<hbm>> -> memref<640x16xf32, #tpu.memory_space<hbm>>
        %dma_wait3A_42 = arith.constant 0 : i32
        %dma_wait3A_43 = tpu.memref_slice %arg10[%mul3A_30, %dma_wait3A_42] : memref<10240x16xf32, #tpu.memory_space<vmem_shared>> -> memref<640x16xf32, #tpu.memory_space<vmem_shared>>
        tpu.wait_dma2 semaphore(%run_scoped3A : memref<!tpu.dma_semaphore, #tpu.memory_space<semaphore_mem>>) src(%dma_wait3A_43 : memref<640x16xf32, #tpu.memory_space<vmem_shared>>) dst(%dma_wait3A_41 : memref<640x16xf32, #tpu.memory_space<hbm>>)
        tpu.yield
      }) : () -> ()
    } else {
    }
    %eq3A_33 = arith.constant 1 : i32
    %eq3A_34 = arith.cmpi eq, %arg0, %eq3A_33 : i32
    %convert_element_type3A_35 = arith.extui %eq3A_34 : i1 to i32
    %cond3A_36 = arith.constant 0 : i32
    %cond3A_37 = arith.cmpi ne, %convert_element_type3A_35, %cond3A_36 : i32
    scf.if %cond3A_37 {
      "tpu.region"() ({
        %run_scoped3A = tpu.sem_alloc : memref<!tpu.dma_semaphore, #tpu.memory_space<semaphore_mem>>
        %dma_start3A = arith.constant 0 : i32
        %dma_start3A_38 = tpu.memref_slice %arg6[%mul3A_30, %dma_start3A] : memref<10240x16xf32, #tpu.memory_space<hbm>> -> memref<640x16xf32, #tpu.memory_space<hbm>>
        %dma_start3A_39 = arith.constant 0 : i32
        %dma_start3A_40 = tpu.memref_slice %arg10[%mul3A_30, %dma_start3A_39] : memref<10240x16xf32, #tpu.memory_space<vmem_shared>> -> memref<640x16xf32, #tpu.memory_space<vmem_shared>>
        tpu.enqueue_dma source(%dma_start3A_40 : memref<640x16xf32, #tpu.memory_space<vmem_shared>>) target(%dma_start3A_38 : memref<640x16xf32, #tpu.memory_space<hbm>>) target_semaphore(%run_scoped3A : memref<!tpu.dma_semaphore, #tpu.memory_space<semaphore_mem>>)
        %dma_wait3A = arith.constant 0 : i32
        %dma_wait3A_41 = tpu.memref_slice %arg6[%mul3A_30, %dma_wait3A] : memref<10240x16xf32, #tpu.memory_space<hbm>> -> memref<640x16xf32, #tpu.memory_space<hbm>>
        %dma_wait3A_42 = arith.constant 0 : i32
        %dma_wait3A_43 = tpu.memref_slice %arg10[%mul3A_30, %dma_wait3A_42] : memref<10240x16xf32, #tpu.memory_space<vmem_shared>> -> memref<640x16xf32, #tpu.memory_space<vmem_shared>>
        tpu.wait_dma2 semaphore(%run_scoped3A : memref<!tpu.dma_semaphore, #tpu.memory_space<semaphore_mem>>) src(%dma_wait3A_43 : memref<640x16xf32, #tpu.memory_space<vmem_shared>>) dst(%dma_wait3A_41 : memref<640x16xf32, #tpu.memory_space<hbm>>)
        tpu.yield
      }) : () -> ()
    } else {
    }
    return
  }
}

#map = affine_map<(d0, d1) -> (0, 0)>
module attributes {stable_mosaic.version = 14 : i64} {
  func.func @_sc_edge64(%arg0: i32, %arg1: i32, %arg2: memref<10240x64xf32, #tpu.memory_space<hbm>>, %arg3: memref<1280x128xi32, #tpu.memory_space<hbm>>, %arg4: memref<1280x128xi32, #tpu.memory_space<hbm>>, %arg5: memref<128x64xf32, #tpu.memory_space<hbm>>, %arg6: memref<10240x64xf32, #tpu.memory_space<hbm>>, %arg7: memref<10240x64xf32, #tpu.memory_space<hbm>>, %arg8: memref<4x128xi32, #tpu.memory_space<vmem>>, %arg9: memref<4x128xi32, #tpu.memory_space<vmem>>, %arg10: memref<128x64xf32, #tpu.memory_space<vmem>>, %arg11: memref<128x64xf32, #tpu.memory_space<vmem>>, %arg12: memref<128x64xf32, #tpu.memory_space<vmem>>, %arg13: memref<128x64xf32, #tpu.memory_space<vmem>>, %arg14: memref<10240x64xf32, #tpu.memory_space<vmem_shared>>, %arg15: memref<!tpu.dma_semaphore, #tpu.memory_space<semaphore_mem>>, %arg16: memref<!tpu.dma_semaphore, #tpu.memory_space<semaphore_mem>>, %arg17: memref<!tpu.dma_semaphore, #tpu.memory_space<semaphore_mem>>, %arg18: memref<!tpu.dma_semaphore, #tpu.memory_space<semaphore_mem>>) attributes {dimension_semantics = [#tpu.dimension_semantics<core_parallel>, #tpu.dimension_semantics<subcore_parallel>], iteration_bounds = array<i64: 2, 16>, scalar_prefetch = 0 : i64, scratch_operands = 11 : i64, tpu.core_type = #tpu.core_type<sc_vector_subcore>, window_params = [{transform_indices = #map}, {transform_indices = #map}, {transform_indices = #map}, {transform_indices = #map}, {transform_indices = #map}, {transform_indices = #map}]} {
    "tpu.region"() ({
      %run_scoped3A = tpu.sem_alloc : memref<!tpu.dma_semaphore, #tpu.memory_space<semaphore_mem>>
      tpu.enqueue_dma source(%arg5 : memref<128x64xf32, #tpu.memory_space<hbm>>) target(%arg10 : memref<128x64xf32, #tpu.memory_space<vmem>>) target_semaphore(%run_scoped3A : memref<!tpu.dma_semaphore, #tpu.memory_space<semaphore_mem>>)
      tpu.wait_dma2 semaphore(%run_scoped3A : memref<!tpu.dma_semaphore, #tpu.memory_space<semaphore_mem>>) src(%arg5 : memref<128x64xf32, #tpu.memory_space<hbm>>) dst(%arg10 : memref<128x64xf32, #tpu.memory_space<vmem>>)
      tpu.yield
    }) : () -> ()
    %mul3A = arith.constant 640 : i32
    %mul3A_0 = arith.muli %arg1, %mul3A : i32
    %add3A = arith.constant 0 : i32
    %add3A_1 = arith.addi %mul3A_0, %add3A : i32
    "tpu.region"() ({
      %run_scoped3A = tpu.sem_alloc : memref<!tpu.dma_semaphore, #tpu.memory_space<semaphore_mem>>
      %dma_start3A = arith.constant 0 : i32
      %dma_start3A_38 = tpu.memref_slice %arg14[%add3A_1, %dma_start3A] : memref<10240x64xf32, #tpu.memory_space<vmem_shared>> -> memref<128x64xf32, #tpu.memory_space<vmem_shared>>
      %dma_start3A_39 = arith.constant 0 : i32
      %dma_start3A_40 = tpu.memref_slice %arg14[%add3A_1, %dma_start3A_39] : memref<10240x64xf32, #tpu.memory_space<vmem_shared>> -> memref<128x64xf32, #tpu.memory_space<vmem_shared>>
      tpu.enqueue_dma source(%arg10 : memref<128x64xf32, #tpu.memory_space<vmem>>) target(%dma_start3A_40 : memref<128x64xf32, #tpu.memory_space<vmem_shared>>) target_semaphore(%run_scoped3A : memref<!tpu.dma_semaphore, #tpu.memory_space<semaphore_mem>>)
      %dma_wait3A = arith.constant 0 : i32
      %dma_wait3A_41 = tpu.memref_slice %arg14[%add3A_1, %dma_wait3A] : memref<10240x64xf32, #tpu.memory_space<vmem_shared>> -> memref<128x64xf32, #tpu.memory_space<vmem_shared>>
      %dma_wait3A_42 = arith.constant 0 : i32
      %dma_wait3A_43 = tpu.memref_slice %arg14[%add3A_1, %dma_wait3A_42] : memref<10240x64xf32, #tpu.memory_space<vmem_shared>> -> memref<128x64xf32, #tpu.memory_space<vmem_shared>>
      tpu.wait_dma2 semaphore(%run_scoped3A : memref<!tpu.dma_semaphore, #tpu.memory_space<semaphore_mem>>) src(%arg10 : memref<128x64xf32, #tpu.memory_space<vmem>>) dst(%dma_wait3A_43 : memref<128x64xf32, #tpu.memory_space<vmem_shared>>)
      tpu.yield
    }) : () -> ()
    %mul3A_2 = arith.constant 640 : i32
    %mul3A_3 = arith.muli %arg1, %mul3A_2 : i32
    %add3A_4 = arith.constant 128 : i32
    %add3A_5 = arith.addi %mul3A_3, %add3A_4 : i32
    "tpu.region"() ({
      %run_scoped3A = tpu.sem_alloc : memref<!tpu.dma_semaphore, #tpu.memory_space<semaphore_mem>>
      %dma_start3A = arith.constant 0 : i32
      %dma_start3A_38 = tpu.memref_slice %arg14[%add3A_5, %dma_start3A] : memref<10240x64xf32, #tpu.memory_space<vmem_shared>> -> memref<128x64xf32, #tpu.memory_space<vmem_shared>>
      %dma_start3A_39 = arith.constant 0 : i32
      %dma_start3A_40 = tpu.memref_slice %arg14[%add3A_5, %dma_start3A_39] : memref<10240x64xf32, #tpu.memory_space<vmem_shared>> -> memref<128x64xf32, #tpu.memory_space<vmem_shared>>
      tpu.enqueue_dma source(%arg10 : memref<128x64xf32, #tpu.memory_space<vmem>>) target(%dma_start3A_40 : memref<128x64xf32, #tpu.memory_space<vmem_shared>>) target_semaphore(%run_scoped3A : memref<!tpu.dma_semaphore, #tpu.memory_space<semaphore_mem>>)
      %dma_wait3A = arith.constant 0 : i32
      %dma_wait3A_41 = tpu.memref_slice %arg14[%add3A_5, %dma_wait3A] : memref<10240x64xf32, #tpu.memory_space<vmem_shared>> -> memref<128x64xf32, #tpu.memory_space<vmem_shared>>
      %dma_wait3A_42 = arith.constant 0 : i32
      %dma_wait3A_43 = tpu.memref_slice %arg14[%add3A_5, %dma_wait3A_42] : memref<10240x64xf32, #tpu.memory_space<vmem_shared>> -> memref<128x64xf32, #tpu.memory_space<vmem_shared>>
      tpu.wait_dma2 semaphore(%run_scoped3A : memref<!tpu.dma_semaphore, #tpu.memory_space<semaphore_mem>>) src(%arg10 : memref<128x64xf32, #tpu.memory_space<vmem>>) dst(%dma_wait3A_43 : memref<128x64xf32, #tpu.memory_space<vmem_shared>>)
      tpu.yield
    }) : () -> ()
    %mul3A_6 = arith.constant 640 : i32
    %mul3A_7 = arith.muli %arg1, %mul3A_6 : i32
    %add3A_8 = arith.constant 256 : i32
    %add3A_9 = arith.addi %mul3A_7, %add3A_8 : i32
    "tpu.region"() ({
      %run_scoped3A = tpu.sem_alloc : memref<!tpu.dma_semaphore, #tpu.memory_space<semaphore_mem>>
      %dma_start3A = arith.constant 0 : i32
      %dma_start3A_38 = tpu.memref_slice %arg14[%add3A_9, %dma_start3A] : memref<10240x64xf32, #tpu.memory_space<vmem_shared>> -> memref<128x64xf32, #tpu.memory_space<vmem_shared>>
      %dma_start3A_39 = arith.constant 0 : i32
      %dma_start3A_40 = tpu.memref_slice %arg14[%add3A_9, %dma_start3A_39] : memref<10240x64xf32, #tpu.memory_space<vmem_shared>> -> memref<128x64xf32, #tpu.memory_space<vmem_shared>>
      tpu.enqueue_dma source(%arg10 : memref<128x64xf32, #tpu.memory_space<vmem>>) target(%dma_start3A_40 : memref<128x64xf32, #tpu.memory_space<vmem_shared>>) target_semaphore(%run_scoped3A : memref<!tpu.dma_semaphore, #tpu.memory_space<semaphore_mem>>)
      %dma_wait3A = arith.constant 0 : i32
      %dma_wait3A_41 = tpu.memref_slice %arg14[%add3A_9, %dma_wait3A] : memref<10240x64xf32, #tpu.memory_space<vmem_shared>> -> memref<128x64xf32, #tpu.memory_space<vmem_shared>>
      %dma_wait3A_42 = arith.constant 0 : i32
      %dma_wait3A_43 = tpu.memref_slice %arg14[%add3A_9, %dma_wait3A_42] : memref<10240x64xf32, #tpu.memory_space<vmem_shared>> -> memref<128x64xf32, #tpu.memory_space<vmem_shared>>
      tpu.wait_dma2 semaphore(%run_scoped3A : memref<!tpu.dma_semaphore, #tpu.memory_space<semaphore_mem>>) src(%arg10 : memref<128x64xf32, #tpu.memory_space<vmem>>) dst(%dma_wait3A_43 : memref<128x64xf32, #tpu.memory_space<vmem_shared>>)
      tpu.yield
    }) : () -> ()
    %mul3A_10 = arith.constant 640 : i32
    %mul3A_11 = arith.muli %arg1, %mul3A_10 : i32
    %add3A_12 = arith.constant 384 : i32
    %add3A_13 = arith.addi %mul3A_11, %add3A_12 : i32
    "tpu.region"() ({
      %run_scoped3A = tpu.sem_alloc : memref<!tpu.dma_semaphore, #tpu.memory_space<semaphore_mem>>
      %dma_start3A = arith.constant 0 : i32
      %dma_start3A_38 = tpu.memref_slice %arg14[%add3A_13, %dma_start3A] : memref<10240x64xf32, #tpu.memory_space<vmem_shared>> -> memref<128x64xf32, #tpu.memory_space<vmem_shared>>
      %dma_start3A_39 = arith.constant 0 : i32
      %dma_start3A_40 = tpu.memref_slice %arg14[%add3A_13, %dma_start3A_39] : memref<10240x64xf32, #tpu.memory_space<vmem_shared>> -> memref<128x64xf32, #tpu.memory_space<vmem_shared>>
      tpu.enqueue_dma source(%arg10 : memref<128x64xf32, #tpu.memory_space<vmem>>) target(%dma_start3A_40 : memref<128x64xf32, #tpu.memory_space<vmem_shared>>) target_semaphore(%run_scoped3A : memref<!tpu.dma_semaphore, #tpu.memory_space<semaphore_mem>>)
      %dma_wait3A = arith.constant 0 : i32
      %dma_wait3A_41 = tpu.memref_slice %arg14[%add3A_13, %dma_wait3A] : memref<10240x64xf32, #tpu.memory_space<vmem_shared>> -> memref<128x64xf32, #tpu.memory_space<vmem_shared>>
      %dma_wait3A_42 = arith.constant 0 : i32
      %dma_wait3A_43 = tpu.memref_slice %arg14[%add3A_13, %dma_wait3A_42] : memref<10240x64xf32, #tpu.memory_space<vmem_shared>> -> memref<128x64xf32, #tpu.memory_space<vmem_shared>>
      tpu.wait_dma2 semaphore(%run_scoped3A : memref<!tpu.dma_semaphore, #tpu.memory_space<semaphore_mem>>) src(%arg10 : memref<128x64xf32, #tpu.memory_space<vmem>>) dst(%dma_wait3A_43 : memref<128x64xf32, #tpu.memory_space<vmem_shared>>)
      tpu.yield
    }) : () -> ()
    %mul3A_14 = arith.constant 640 : i32
    %mul3A_15 = arith.muli %arg1, %mul3A_14 : i32
    %add3A_16 = arith.constant 512 : i32
    %add3A_17 = arith.addi %mul3A_15, %add3A_16 : i32
    "tpu.region"() ({
      %run_scoped3A = tpu.sem_alloc : memref<!tpu.dma_semaphore, #tpu.memory_space<semaphore_mem>>
      %dma_start3A = arith.constant 0 : i32
      %dma_start3A_38 = tpu.memref_slice %arg14[%add3A_17, %dma_start3A] : memref<10240x64xf32, #tpu.memory_space<vmem_shared>> -> memref<128x64xf32, #tpu.memory_space<vmem_shared>>
      %dma_start3A_39 = arith.constant 0 : i32
      %dma_start3A_40 = tpu.memref_slice %arg14[%add3A_17, %dma_start3A_39] : memref<10240x64xf32, #tpu.memory_space<vmem_shared>> -> memref<128x64xf32, #tpu.memory_space<vmem_shared>>
      tpu.enqueue_dma source(%arg10 : memref<128x64xf32, #tpu.memory_space<vmem>>) target(%dma_start3A_40 : memref<128x64xf32, #tpu.memory_space<vmem_shared>>) target_semaphore(%run_scoped3A : memref<!tpu.dma_semaphore, #tpu.memory_space<semaphore_mem>>)
      %dma_wait3A = arith.constant 0 : i32
      %dma_wait3A_41 = tpu.memref_slice %arg14[%add3A_17, %dma_wait3A] : memref<10240x64xf32, #tpu.memory_space<vmem_shared>> -> memref<128x64xf32, #tpu.memory_space<vmem_shared>>
      %dma_wait3A_42 = arith.constant 0 : i32
      %dma_wait3A_43 = tpu.memref_slice %arg14[%add3A_17, %dma_wait3A_42] : memref<10240x64xf32, #tpu.memory_space<vmem_shared>> -> memref<128x64xf32, #tpu.memory_space<vmem_shared>>
      tpu.wait_dma2 semaphore(%run_scoped3A : memref<!tpu.dma_semaphore, #tpu.memory_space<semaphore_mem>>) src(%arg10 : memref<128x64xf32, #tpu.memory_space<vmem>>) dst(%dma_wait3A_43 : memref<128x64xf32, #tpu.memory_space<vmem_shared>>)
      tpu.yield
    }) : () -> ()
    %barrier3A = arith.constant 0 : index
    tpu.barrier barrier_id(%barrier3A)
    %mul3A_18 = arith.constant 16 : i32
    %mul3A_19 = arith.muli %arg0, %mul3A_18 : i32
    %add3A_20 = arith.addi %mul3A_19, %arg1 : i32
    %mul3A_21 = arith.constant 40 : i32
    %mul3A_22 = arith.muli %add3A_20, %mul3A_21 : i32
    %scan3A = arith.constant 0 : i32
    %scan3A_23 = arith.constant 0 : i32
    %scan3A_24 = arith.constant 10 : i32
    %scan3A_25 = arith.addi %scan3A_23, %scan3A_24 : i32
    %scan3A_26 = arith.constant 1 : i32
    scf.for %scan3A_38 = %scan3A_23 to %scan3A_25 step %scan3A_26  : i32 {
      %mul3A_39 = arith.constant 4 : i32
      %mul3A_40 = arith.muli %scan3A_38, %mul3A_39 : i32
      %add3A_41 = arith.addi %mul3A_22, %mul3A_40 : i32
      "tpu.region"() ({
        %run_scoped3A = tpu.sem_alloc : memref<!tpu.dma_semaphore, #tpu.memory_space<semaphore_mem>>
        %dma_start3A_152 = arith.constant 0 : i32
        %dma_start3A_153 = tpu.memref_slice %arg3[%add3A_41, %dma_start3A_152] : memref<1280x128xi32, #tpu.memory_space<hbm>> -> memref<4x128xi32, #tpu.memory_space<hbm>>
        %dma_start3A_154 = arith.constant 0 : i32
        %dma_start3A_155 = tpu.memref_slice %arg3[%add3A_41, %dma_start3A_154] : memref<1280x128xi32, #tpu.memory_space<hbm>> -> memref<4x128xi32, #tpu.memory_space<hbm>>
        tpu.enqueue_dma source(%dma_start3A_155 : memref<4x128xi32, #tpu.memory_space<hbm>>) target(%arg8 : memref<4x128xi32, #tpu.memory_space<vmem>>) target_semaphore(%run_scoped3A : memref<!tpu.dma_semaphore, #tpu.memory_space<semaphore_mem>>)
        %dma_wait3A_156 = arith.constant 0 : i32
        %dma_wait3A_157 = tpu.memref_slice %arg3[%add3A_41, %dma_wait3A_156] : memref<1280x128xi32, #tpu.memory_space<hbm>> -> memref<4x128xi32, #tpu.memory_space<hbm>>
        %dma_wait3A_158 = arith.constant 0 : i32
        %dma_wait3A_159 = tpu.memref_slice %arg3[%add3A_41, %dma_wait3A_158] : memref<1280x128xi32, #tpu.memory_space<hbm>> -> memref<4x128xi32, #tpu.memory_space<hbm>>
        tpu.wait_dma2 semaphore(%run_scoped3A : memref<!tpu.dma_semaphore, #tpu.memory_space<semaphore_mem>>) src(%dma_wait3A_159 : memref<4x128xi32, #tpu.memory_space<hbm>>) dst(%arg8 : memref<4x128xi32, #tpu.memory_space<vmem>>)
        tpu.yield
      }) : () -> ()
      "tpu.region"() ({
        %run_scoped3A = tpu.sem_alloc : memref<!tpu.dma_semaphore, #tpu.memory_space<semaphore_mem>>
        %dma_start3A_152 = arith.constant 0 : i32
        %dma_start3A_153 = tpu.memref_slice %arg4[%add3A_41, %dma_start3A_152] : memref<1280x128xi32, #tpu.memory_space<hbm>> -> memref<4x128xi32, #tpu.memory_space<hbm>>
        %dma_start3A_154 = arith.constant 0 : i32
        %dma_start3A_155 = tpu.memref_slice %arg4[%add3A_41, %dma_start3A_154] : memref<1280x128xi32, #tpu.memory_space<hbm>> -> memref<4x128xi32, #tpu.memory_space<hbm>>
        tpu.enqueue_dma source(%dma_start3A_155 : memref<4x128xi32, #tpu.memory_space<hbm>>) target(%arg9 : memref<4x128xi32, #tpu.memory_space<vmem>>) target_semaphore(%run_scoped3A : memref<!tpu.dma_semaphore, #tpu.memory_space<semaphore_mem>>)
        %dma_wait3A_156 = arith.constant 0 : i32
        %dma_wait3A_157 = tpu.memref_slice %arg4[%add3A_41, %dma_wait3A_156] : memref<1280x128xi32, #tpu.memory_space<hbm>> -> memref<4x128xi32, #tpu.memory_space<hbm>>
        %dma_wait3A_158 = arith.constant 0 : i32
        %dma_wait3A_159 = tpu.memref_slice %arg4[%add3A_41, %dma_wait3A_158] : memref<1280x128xi32, #tpu.memory_space<hbm>> -> memref<4x128xi32, #tpu.memory_space<hbm>>
        tpu.wait_dma2 semaphore(%run_scoped3A : memref<!tpu.dma_semaphore, #tpu.memory_space<semaphore_mem>>) src(%dma_wait3A_159 : memref<4x128xi32, #tpu.memory_space<hbm>>) dst(%arg9 : memref<4x128xi32, #tpu.memory_space<vmem>>)
        tpu.yield
      }) : () -> ()
      %dma_start3A = arith.constant 0 : i32
      %dma_start3A_42 = arith.constant 0 : i32
      %dma_start3A_43 = tpu.memref_slice %arg8[%dma_start3A, %dma_start3A_42] : memref<4x128xi32, #tpu.memory_space<vmem>> -> memref<1x128xi32, #tpu.memory_space<vmem>>
      %dma_start3A_44 = tpu.memref_squeeze %dma_start3A_43 : memref<1x128xi32, #tpu.memory_space<vmem>> -> memref<128xi32, #tpu.memory_space<vmem>>
      %dma_start3A_45 = arith.constant 0 : i32
      %dma_start3A_46 = arith.constant 0 : i32
      %dma_start3A_47 = tpu.memref_slice %arg2[%dma_start3A_45, %dma_start3A_46] : memref<10240x64xf32, #tpu.memory_space<hbm>> -> memref<10240x64xf32, #tpu.memory_space<hbm>>
      tpu.enqueue_indirect_dma source(%dma_start3A_47 : memref<10240x64xf32, #tpu.memory_space<hbm>>) target(%arg10 : memref<128x64xf32, #tpu.memory_space<vmem>>) offsets(%dma_start3A_44 : memref<128xi32, #tpu.memory_space<vmem>>) semaphore(%arg15 : memref<!tpu.dma_semaphore, #tpu.memory_space<semaphore_mem>>)
      %dma_start3A_48 = arith.constant 1 : i32
      %dma_start3A_49 = arith.constant 0 : i32
      %dma_start3A_50 = tpu.memref_slice %arg8[%dma_start3A_48, %dma_start3A_49] : memref<4x128xi32, #tpu.memory_space<vmem>> -> memref<1x128xi32, #tpu.memory_space<vmem>>
      %dma_start3A_51 = tpu.memref_squeeze %dma_start3A_50 : memref<1x128xi32, #tpu.memory_space<vmem>> -> memref<128xi32, #tpu.memory_space<vmem>>
      %dma_start3A_52 = arith.constant 0 : i32
      %dma_start3A_53 = arith.constant 0 : i32
      %dma_start3A_54 = tpu.memref_slice %arg2[%dma_start3A_52, %dma_start3A_53] : memref<10240x64xf32, #tpu.memory_space<hbm>> -> memref<10240x64xf32, #tpu.memory_space<hbm>>
      tpu.enqueue_indirect_dma source(%dma_start3A_54 : memref<10240x64xf32, #tpu.memory_space<hbm>>) target(%arg11 : memref<128x64xf32, #tpu.memory_space<vmem>>) offsets(%dma_start3A_51 : memref<128xi32, #tpu.memory_space<vmem>>) semaphore(%arg16 : memref<!tpu.dma_semaphore, #tpu.memory_space<semaphore_mem>>)
      %dma_start3A_55 = arith.constant 2 : i32
      %dma_start3A_56 = arith.constant 0 : i32
      %dma_start3A_57 = tpu.memref_slice %arg8[%dma_start3A_55, %dma_start3A_56] : memref<4x128xi32, #tpu.memory_space<vmem>> -> memref<1x128xi32, #tpu.memory_space<vmem>>
      %dma_start3A_58 = tpu.memref_squeeze %dma_start3A_57 : memref<1x128xi32, #tpu.memory_space<vmem>> -> memref<128xi32, #tpu.memory_space<vmem>>
      %dma_start3A_59 = arith.constant 0 : i32
      %dma_start3A_60 = arith.constant 0 : i32
      %dma_start3A_61 = tpu.memref_slice %arg2[%dma_start3A_59, %dma_start3A_60] : memref<10240x64xf32, #tpu.memory_space<hbm>> -> memref<10240x64xf32, #tpu.memory_space<hbm>>
      tpu.enqueue_indirect_dma source(%dma_start3A_61 : memref<10240x64xf32, #tpu.memory_space<hbm>>) target(%arg12 : memref<128x64xf32, #tpu.memory_space<vmem>>) offsets(%dma_start3A_58 : memref<128xi32, #tpu.memory_space<vmem>>) semaphore(%arg17 : memref<!tpu.dma_semaphore, #tpu.memory_space<semaphore_mem>>)
      %dma_start3A_62 = arith.constant 3 : i32
      %dma_start3A_63 = arith.constant 0 : i32
      %dma_start3A_64 = tpu.memref_slice %arg8[%dma_start3A_62, %dma_start3A_63] : memref<4x128xi32, #tpu.memory_space<vmem>> -> memref<1x128xi32, #tpu.memory_space<vmem>>
      %dma_start3A_65 = tpu.memref_squeeze %dma_start3A_64 : memref<1x128xi32, #tpu.memory_space<vmem>> -> memref<128xi32, #tpu.memory_space<vmem>>
      %dma_start3A_66 = arith.constant 0 : i32
      %dma_start3A_67 = arith.constant 0 : i32
      %dma_start3A_68 = tpu.memref_slice %arg2[%dma_start3A_66, %dma_start3A_67] : memref<10240x64xf32, #tpu.memory_space<hbm>> -> memref<10240x64xf32, #tpu.memory_space<hbm>>
      tpu.enqueue_indirect_dma source(%dma_start3A_68 : memref<10240x64xf32, #tpu.memory_space<hbm>>) target(%arg13 : memref<128x64xf32, #tpu.memory_space<vmem>>) offsets(%dma_start3A_65 : memref<128xi32, #tpu.memory_space<vmem>>) semaphore(%arg18 : memref<!tpu.dma_semaphore, #tpu.memory_space<semaphore_mem>>)
      %dma_wait3A = arith.constant 0 : i32
      %dma_wait3A_69 = arith.constant 0 : i32
      %dma_wait3A_70 = tpu.memref_slice %arg8[%dma_wait3A, %dma_wait3A_69] : memref<4x128xi32, #tpu.memory_space<vmem>> -> memref<1x128xi32, #tpu.memory_space<vmem>>
      %dma_wait3A_71 = tpu.memref_squeeze %dma_wait3A_70 : memref<1x128xi32, #tpu.memory_space<vmem>> -> memref<128xi32, #tpu.memory_space<vmem>>
      %dma_wait3A_72 = arith.constant 0 : i32
      %dma_wait3A_73 = arith.constant 0 : i32
      %dma_wait3A_74 = tpu.memref_slice %arg2[%dma_wait3A_72, %dma_wait3A_73] : memref<10240x64xf32, #tpu.memory_space<hbm>> -> memref<10240x64xf32, #tpu.memory_space<hbm>>
      tpu.wait_indirect_dma semaphore(%arg15 : memref<!tpu.dma_semaphore, #tpu.memory_space<semaphore_mem>>) src(%dma_wait3A_74 : memref<10240x64xf32, #tpu.memory_space<hbm>>) dst(%arg10 : memref<128x64xf32, #tpu.memory_space<vmem>>)
      %dma_start3A_75 = arith.constant 0 : i32
      %dma_start3A_76 = arith.constant 0 : i32
      %dma_start3A_77 = tpu.memref_slice %arg9[%dma_start3A_75, %dma_start3A_76] : memref<4x128xi32, #tpu.memory_space<vmem>> -> memref<1x128xi32, #tpu.memory_space<vmem>>
      %dma_start3A_78 = tpu.memref_squeeze %dma_start3A_77 : memref<1x128xi32, #tpu.memory_space<vmem>> -> memref<128xi32, #tpu.memory_space<vmem>>
      %dma_start3A_79 = arith.constant 0 : i32
      %dma_start3A_80 = arith.constant 0 : i32
      %dma_start3A_81 = tpu.memref_slice %arg14[%dma_start3A_79, %dma_start3A_80] : memref<10240x64xf32, #tpu.memory_space<vmem_shared>> -> memref<10240x64xf32, #tpu.memory_space<vmem_shared>>
      tpu.enqueue_indirect_dma source(%arg10 : memref<128x64xf32, #tpu.memory_space<vmem>>) target(%dma_start3A_81 : memref<10240x64xf32, #tpu.memory_space<vmem_shared>>) offsets(%dma_start3A_78 : memref<128xi32, #tpu.memory_space<vmem>>) semaphore(%arg15 : memref<!tpu.dma_semaphore, #tpu.memory_space<semaphore_mem>>) {add = true}
      %dma_wait3A_82 = arith.constant 1 : i32
      %dma_wait3A_83 = arith.constant 0 : i32
      %dma_wait3A_84 = tpu.memref_slice %arg8[%dma_wait3A_82, %dma_wait3A_83] : memref<4x128xi32, #tpu.memory_space<vmem>> -> memref<1x128xi32, #tpu.memory_space<vmem>>
      %dma_wait3A_85 = tpu.memref_squeeze %dma_wait3A_84 : memref<1x128xi32, #tpu.memory_space<vmem>> -> memref<128xi32, #tpu.memory_space<vmem>>
      %dma_wait3A_86 = arith.constant 0 : i32
      %dma_wait3A_87 = arith.constant 0 : i32
      %dma_wait3A_88 = tpu.memref_slice %arg2[%dma_wait3A_86, %dma_wait3A_87] : memref<10240x64xf32, #tpu.memory_space<hbm>> -> memref<10240x64xf32, #tpu.memory_space<hbm>>
      tpu.wait_indirect_dma semaphore(%arg16 : memref<!tpu.dma_semaphore, #tpu.memory_space<semaphore_mem>>) src(%dma_wait3A_88 : memref<10240x64xf32, #tpu.memory_space<hbm>>) dst(%arg11 : memref<128x64xf32, #tpu.memory_space<vmem>>)
      %dma_start3A_89 = arith.constant 1 : i32
      %dma_start3A_90 = arith.constant 0 : i32
      %dma_start3A_91 = tpu.memref_slice %arg9[%dma_start3A_89, %dma_start3A_90] : memref<4x128xi32, #tpu.memory_space<vmem>> -> memref<1x128xi32, #tpu.memory_space<vmem>>
      %dma_start3A_92 = tpu.memref_squeeze %dma_start3A_91 : memref<1x128xi32, #tpu.memory_space<vmem>> -> memref<128xi32, #tpu.memory_space<vmem>>
      %dma_start3A_93 = arith.constant 0 : i32
      %dma_start3A_94 = arith.constant 0 : i32
      %dma_start3A_95 = tpu.memref_slice %arg14[%dma_start3A_93, %dma_start3A_94] : memref<10240x64xf32, #tpu.memory_space<vmem_shared>> -> memref<10240x64xf32, #tpu.memory_space<vmem_shared>>
      tpu.enqueue_indirect_dma source(%arg11 : memref<128x64xf32, #tpu.memory_space<vmem>>) target(%dma_start3A_95 : memref<10240x64xf32, #tpu.memory_space<vmem_shared>>) offsets(%dma_start3A_92 : memref<128xi32, #tpu.memory_space<vmem>>) semaphore(%arg16 : memref<!tpu.dma_semaphore, #tpu.memory_space<semaphore_mem>>) {add = true}
      %dma_wait3A_96 = arith.constant 2 : i32
      %dma_wait3A_97 = arith.constant 0 : i32
      %dma_wait3A_98 = tpu.memref_slice %arg8[%dma_wait3A_96, %dma_wait3A_97] : memref<4x128xi32, #tpu.memory_space<vmem>> -> memref<1x128xi32, #tpu.memory_space<vmem>>
      %dma_wait3A_99 = tpu.memref_squeeze %dma_wait3A_98 : memref<1x128xi32, #tpu.memory_space<vmem>> -> memref<128xi32, #tpu.memory_space<vmem>>
      %dma_wait3A_100 = arith.constant 0 : i32
      %dma_wait3A_101 = arith.constant 0 : i32
      %dma_wait3A_102 = tpu.memref_slice %arg2[%dma_wait3A_100, %dma_wait3A_101] : memref<10240x64xf32, #tpu.memory_space<hbm>> -> memref<10240x64xf32, #tpu.memory_space<hbm>>
      tpu.wait_indirect_dma semaphore(%arg17 : memref<!tpu.dma_semaphore, #tpu.memory_space<semaphore_mem>>) src(%dma_wait3A_102 : memref<10240x64xf32, #tpu.memory_space<hbm>>) dst(%arg12 : memref<128x64xf32, #tpu.memory_space<vmem>>)
      %dma_start3A_103 = arith.constant 2 : i32
      %dma_start3A_104 = arith.constant 0 : i32
      %dma_start3A_105 = tpu.memref_slice %arg9[%dma_start3A_103, %dma_start3A_104] : memref<4x128xi32, #tpu.memory_space<vmem>> -> memref<1x128xi32, #tpu.memory_space<vmem>>
      %dma_start3A_106 = tpu.memref_squeeze %dma_start3A_105 : memref<1x128xi32, #tpu.memory_space<vmem>> -> memref<128xi32, #tpu.memory_space<vmem>>
      %dma_start3A_107 = arith.constant 0 : i32
      %dma_start3A_108 = arith.constant 0 : i32
      %dma_start3A_109 = tpu.memref_slice %arg14[%dma_start3A_107, %dma_start3A_108] : memref<10240x64xf32, #tpu.memory_space<vmem_shared>> -> memref<10240x64xf32, #tpu.memory_space<vmem_shared>>
      tpu.enqueue_indirect_dma source(%arg12 : memref<128x64xf32, #tpu.memory_space<vmem>>) target(%dma_start3A_109 : memref<10240x64xf32, #tpu.memory_space<vmem_shared>>) offsets(%dma_start3A_106 : memref<128xi32, #tpu.memory_space<vmem>>) semaphore(%arg17 : memref<!tpu.dma_semaphore, #tpu.memory_space<semaphore_mem>>) {add = true}
      %dma_wait3A_110 = arith.constant 3 : i32
      %dma_wait3A_111 = arith.constant 0 : i32
      %dma_wait3A_112 = tpu.memref_slice %arg8[%dma_wait3A_110, %dma_wait3A_111] : memref<4x128xi32, #tpu.memory_space<vmem>> -> memref<1x128xi32, #tpu.memory_space<vmem>>
      %dma_wait3A_113 = tpu.memref_squeeze %dma_wait3A_112 : memref<1x128xi32, #tpu.memory_space<vmem>> -> memref<128xi32, #tpu.memory_space<vmem>>
      %dma_wait3A_114 = arith.constant 0 : i32
      %dma_wait3A_115 = arith.constant 0 : i32
      %dma_wait3A_116 = tpu.memref_slice %arg2[%dma_wait3A_114, %dma_wait3A_115] : memref<10240x64xf32, #tpu.memory_space<hbm>> -> memref<10240x64xf32, #tpu.memory_space<hbm>>
      tpu.wait_indirect_dma semaphore(%arg18 : memref<!tpu.dma_semaphore, #tpu.memory_space<semaphore_mem>>) src(%dma_wait3A_116 : memref<10240x64xf32, #tpu.memory_space<hbm>>) dst(%arg13 : memref<128x64xf32, #tpu.memory_space<vmem>>)
      %dma_start3A_117 = arith.constant 3 : i32
      %dma_start3A_118 = arith.constant 0 : i32
      %dma_start3A_119 = tpu.memref_slice %arg9[%dma_start3A_117, %dma_start3A_118] : memref<4x128xi32, #tpu.memory_space<vmem>> -> memref<1x128xi32, #tpu.memory_space<vmem>>
      %dma_start3A_120 = tpu.memref_squeeze %dma_start3A_119 : memref<1x128xi32, #tpu.memory_space<vmem>> -> memref<128xi32, #tpu.memory_space<vmem>>
      %dma_start3A_121 = arith.constant 0 : i32
      %dma_start3A_122 = arith.constant 0 : i32
      %dma_start3A_123 = tpu.memref_slice %arg14[%dma_start3A_121, %dma_start3A_122] : memref<10240x64xf32, #tpu.memory_space<vmem_shared>> -> memref<10240x64xf32, #tpu.memory_space<vmem_shared>>
      tpu.enqueue_indirect_dma source(%arg13 : memref<128x64xf32, #tpu.memory_space<vmem>>) target(%dma_start3A_123 : memref<10240x64xf32, #tpu.memory_space<vmem_shared>>) offsets(%dma_start3A_120 : memref<128xi32, #tpu.memory_space<vmem>>) semaphore(%arg18 : memref<!tpu.dma_semaphore, #tpu.memory_space<semaphore_mem>>) {add = true}
      %dma_wait3A_124 = arith.constant 0 : i32
      %dma_wait3A_125 = arith.constant 0 : i32
      %dma_wait3A_126 = tpu.memref_slice %arg9[%dma_wait3A_124, %dma_wait3A_125] : memref<4x128xi32, #tpu.memory_space<vmem>> -> memref<1x128xi32, #tpu.memory_space<vmem>>
      %dma_wait3A_127 = tpu.memref_squeeze %dma_wait3A_126 : memref<1x128xi32, #tpu.memory_space<vmem>> -> memref<128xi32, #tpu.memory_space<vmem>>
      %dma_wait3A_128 = arith.constant 0 : i32
      %dma_wait3A_129 = arith.constant 0 : i32
      %dma_wait3A_130 = tpu.memref_slice %arg14[%dma_wait3A_128, %dma_wait3A_129] : memref<10240x64xf32, #tpu.memory_space<vmem_shared>> -> memref<10240x64xf32, #tpu.memory_space<vmem_shared>>
      tpu.wait_indirect_dma semaphore(%arg15 : memref<!tpu.dma_semaphore, #tpu.memory_space<semaphore_mem>>) src(%arg10 : memref<128x64xf32, #tpu.memory_space<vmem>>) dst(%dma_wait3A_130 : memref<10240x64xf32, #tpu.memory_space<vmem_shared>>)
      %dma_wait3A_131 = arith.constant 1 : i32
      %dma_wait3A_132 = arith.constant 0 : i32
      %dma_wait3A_133 = tpu.memref_slice %arg9[%dma_wait3A_131, %dma_wait3A_132] : memref<4x128xi32, #tpu.memory_space<vmem>> -> memref<1x128xi32, #tpu.memory_space<vmem>>
      %dma_wait3A_134 = tpu.memref_squeeze %dma_wait3A_133 : memref<1x128xi32, #tpu.memory_space<vmem>> -> memref<128xi32, #tpu.memory_space<vmem>>
      %dma_wait3A_135 = arith.constant 0 : i32
      %dma_wait3A_136 = arith.constant 0 : i32
      %dma_wait3A_137 = tpu.memref_slice %arg14[%dma_wait3A_135, %dma_wait3A_136] : memref<10240x64xf32, #tpu.memory_space<vmem_shared>> -> memref<10240x64xf32, #tpu.memory_space<vmem_shared>>
      tpu.wait_indirect_dma semaphore(%arg16 : memref<!tpu.dma_semaphore, #tpu.memory_space<semaphore_mem>>) src(%arg11 : memref<128x64xf32, #tpu.memory_space<vmem>>) dst(%dma_wait3A_137 : memref<10240x64xf32, #tpu.memory_space<vmem_shared>>)
      %dma_wait3A_138 = arith.constant 2 : i32
      %dma_wait3A_139 = arith.constant 0 : i32
      %dma_wait3A_140 = tpu.memref_slice %arg9[%dma_wait3A_138, %dma_wait3A_139] : memref<4x128xi32, #tpu.memory_space<vmem>> -> memref<1x128xi32, #tpu.memory_space<vmem>>
      %dma_wait3A_141 = tpu.memref_squeeze %dma_wait3A_140 : memref<1x128xi32, #tpu.memory_space<vmem>> -> memref<128xi32, #tpu.memory_space<vmem>>
      %dma_wait3A_142 = arith.constant 0 : i32
      %dma_wait3A_143 = arith.constant 0 : i32
      %dma_wait3A_144 = tpu.memref_slice %arg14[%dma_wait3A_142, %dma_wait3A_143] : memref<10240x64xf32, #tpu.memory_space<vmem_shared>> -> memref<10240x64xf32, #tpu.memory_space<vmem_shared>>
      tpu.wait_indirect_dma semaphore(%arg17 : memref<!tpu.dma_semaphore, #tpu.memory_space<semaphore_mem>>) src(%arg12 : memref<128x64xf32, #tpu.memory_space<vmem>>) dst(%dma_wait3A_144 : memref<10240x64xf32, #tpu.memory_space<vmem_shared>>)
      %dma_wait3A_145 = arith.constant 3 : i32
      %dma_wait3A_146 = arith.constant 0 : i32
      %dma_wait3A_147 = tpu.memref_slice %arg9[%dma_wait3A_145, %dma_wait3A_146] : memref<4x128xi32, #tpu.memory_space<vmem>> -> memref<1x128xi32, #tpu.memory_space<vmem>>
      %dma_wait3A_148 = tpu.memref_squeeze %dma_wait3A_147 : memref<1x128xi32, #tpu.memory_space<vmem>> -> memref<128xi32, #tpu.memory_space<vmem>>
      %dma_wait3A_149 = arith.constant 0 : i32
      %dma_wait3A_150 = arith.constant 0 : i32
      %dma_wait3A_151 = tpu.memref_slice %arg14[%dma_wait3A_149, %dma_wait3A_150] : memref<10240x64xf32, #tpu.memory_space<vmem_shared>> -> memref<10240x64xf32, #tpu.memory_space<vmem_shared>>
      tpu.wait_indirect_dma semaphore(%arg18 : memref<!tpu.dma_semaphore, #tpu.memory_space<semaphore_mem>>) src(%arg13 : memref<128x64xf32, #tpu.memory_space<vmem>>) dst(%dma_wait3A_151 : memref<10240x64xf32, #tpu.memory_space<vmem_shared>>)
    }
    %scan3A_27 = arith.constant 10 : i32
    %barrier3A_28 = arith.constant 0 : index
    tpu.barrier barrier_id(%barrier3A_28)
    %mul3A_29 = arith.constant 640 : i32
    %mul3A_30 = arith.muli %arg1, %mul3A_29 : i32
    %eq3A = arith.constant 0 : i32
    %eq3A_31 = arith.cmpi eq, %arg0, %eq3A : i32
    %convert_element_type3A = arith.extui %eq3A_31 : i1 to i32
    %cond3A = arith.constant 0 : i32
    %cond3A_32 = arith.cmpi ne, %convert_element_type3A, %cond3A : i32
    scf.if %cond3A_32 {
      "tpu.region"() ({
        %run_scoped3A = tpu.sem_alloc : memref<!tpu.dma_semaphore, #tpu.memory_space<semaphore_mem>>
        %dma_start3A = arith.constant 0 : i32
        %dma_start3A_38 = tpu.memref_slice %arg6[%mul3A_30, %dma_start3A] : memref<10240x64xf32, #tpu.memory_space<hbm>> -> memref<640x64xf32, #tpu.memory_space<hbm>>
        %dma_start3A_39 = arith.constant 0 : i32
        %dma_start3A_40 = tpu.memref_slice %arg14[%mul3A_30, %dma_start3A_39] : memref<10240x64xf32, #tpu.memory_space<vmem_shared>> -> memref<640x64xf32, #tpu.memory_space<vmem_shared>>
        tpu.enqueue_dma source(%dma_start3A_40 : memref<640x64xf32, #tpu.memory_space<vmem_shared>>) target(%dma_start3A_38 : memref<640x64xf32, #tpu.memory_space<hbm>>) target_semaphore(%run_scoped3A : memref<!tpu.dma_semaphore, #tpu.memory_space<semaphore_mem>>)
        %dma_wait3A = arith.constant 0 : i32
        %dma_wait3A_41 = tpu.memref_slice %arg6[%mul3A_30, %dma_wait3A] : memref<10240x64xf32, #tpu.memory_space<hbm>> -> memref<640x64xf32, #tpu.memory_space<hbm>>
        %dma_wait3A_42 = arith.constant 0 : i32
        %dma_wait3A_43 = tpu.memref_slice %arg14[%mul3A_30, %dma_wait3A_42] : memref<10240x64xf32, #tpu.memory_space<vmem_shared>> -> memref<640x64xf32, #tpu.memory_space<vmem_shared>>
        tpu.wait_dma2 semaphore(%run_scoped3A : memref<!tpu.dma_semaphore, #tpu.memory_space<semaphore_mem>>) src(%dma_wait3A_43 : memref<640x64xf32, #tpu.memory_space<vmem_shared>>) dst(%dma_wait3A_41 : memref<640x64xf32, #tpu.memory_space<hbm>>)
        tpu.yield
      }) : () -> ()
    } else {
    }
    %eq3A_33 = arith.constant 1 : i32
    %eq3A_34 = arith.cmpi eq, %arg0, %eq3A_33 : i32
    %convert_element_type3A_35 = arith.extui %eq3A_34 : i1 to i32
    %cond3A_36 = arith.constant 0 : i32
    %cond3A_37 = arith.cmpi ne, %convert_element_type3A_35, %cond3A_36 : i32
    scf.if %cond3A_37 {
      "tpu.region"() ({
        %run_scoped3A = tpu.sem_alloc : memref<!tpu.dma_semaphore, #tpu.memory_space<semaphore_mem>>
        %dma_start3A = arith.constant 0 : i32
        %dma_start3A_38 = tpu.memref_slice %arg7[%mul3A_30, %dma_start3A] : memref<10240x64xf32, #tpu.memory_space<hbm>> -> memref<640x64xf32, #tpu.memory_space<hbm>>
        %dma_start3A_39 = arith.constant 0 : i32
        %dma_start3A_40 = tpu.memref_slice %arg14[%mul3A_30, %dma_start3A_39] : memref<10240x64xf32, #tpu.memory_space<vmem_shared>> -> memref<640x64xf32, #tpu.memory_space<vmem_shared>>
        tpu.enqueue_dma source(%dma_start3A_40 : memref<640x64xf32, #tpu.memory_space<vmem_shared>>) target(%dma_start3A_38 : memref<640x64xf32, #tpu.memory_space<hbm>>) target_semaphore(%run_scoped3A : memref<!tpu.dma_semaphore, #tpu.memory_space<semaphore_mem>>)
        %dma_wait3A = arith.constant 0 : i32
        %dma_wait3A_41 = tpu.memref_slice %arg7[%mul3A_30, %dma_wait3A] : memref<10240x64xf32, #tpu.memory_space<hbm>> -> memref<640x64xf32, #tpu.memory_space<hbm>>
        %dma_wait3A_42 = arith.constant 0 : i32
        %dma_wait3A_43 = tpu.memref_slice %arg14[%mul3A_30, %dma_wait3A_42] : memref<10240x64xf32, #tpu.memory_space<vmem_shared>> -> memref<640x64xf32, #tpu.memory_space<vmem_shared>>
        tpu.wait_dma2 semaphore(%run_scoped3A : memref<!tpu.dma_semaphore, #tpu.memory_space<semaphore_mem>>) src(%dma_wait3A_43 : memref<640x64xf32, #tpu.memory_space<vmem_shared>>) dst(%dma_wait3A_41 : memref<640x64xf32, #tpu.memory_space<hbm>>)
        tpu.yield
      }) : () -> ()
    } else {
    }
    return
  }
}

module attributes {stable_mosaic.version = 14 : i64} {
  func.func @_tc_pre_body(%arg0: i32, %arg1: memref<256x16xf32, #tpu.memory_space<vmem>>, %arg2: memref<256x16xf32, #tpu.memory_space<vmem>>, %arg3: memref<256x256xf32, #tpu.memory_space<vmem>>, %arg4: memref<256x1xf32, #tpu.memory_space<vmem>>, %arg5: memref<256x16xf32, #tpu.memory_space<vmem>>, %arg6: memref<256x128xf32, #tpu.memory_space<vmem>>, %arg7: memref<256x128xf32, #tpu.memory_space<vmem>>) attributes {dimension_semantics = [#tpu.dimension_semantics<arbitrary>], iteration_bounds = array<i64: 40>, scalar_prefetch = 0 : i64, scratch_operands = 0 : i64, tpu.core_type = #tpu.core_type<tc>, window_params = [{transform_indices = @transform_0, window_bounds = array<i64: 256, 16>}, {transform_indices = @transform_1, window_bounds = array<i64: 256, 16>}, {transform_indices = @transform_2, window_bounds = array<i64: 256, 256>}, {transform_indices = @transform_3, window_bounds = array<i64: 256, 1>}, {transform_indices = @transform_4, window_bounds = array<i64: 256, 16>}, {transform_indices = @transform_5, window_bounds = array<i64: 256, 128>}, {transform_indices = @transform_6, window_bounds = array<i64: 256, 128>}]} {
    %get3A = arith.constant 0 : index
    %get3A_0 = arith.constant 0 : index
    %get3A_1 = vector.load %arg1[%get3A, %get3A_0] : memref<256x16xf32, #tpu.memory_space<vmem>>, vector<256x1xf32>
    %get3A_2 = arith.constant 0 : index
    %get3A_3 = arith.constant 0 : index
    %get3A_4 = vector.load %arg2[%get3A_2, %get3A_3] : memref<256x16xf32, #tpu.memory_space<vmem>>, vector<256x1xf32>
    %add3A = arith.addf %get3A_1, %get3A_4 : vector<256x1xf32>
    %add3A_5 = arith.constant 1.000000e+00 : f32
    %add3A_6 = vector.broadcast %add3A_5 : f32 to vector<256x1xf32>
    %add3A_7 = arith.addf %add3A, %add3A_6 : vector<256x1xf32>
    %rsqrt3A = math.rsqrt %add3A_7 : vector<256x1xf32>
    %swap3A = arith.constant 0 : index
    %swap3A_8 = arith.constant 0 : index
    %swap3A_9 = vector.load %arg4[%swap3A, %swap3A_8] : memref<256x1xf32, #tpu.memory_space<vmem>>, vector<256x1xf32>
    tpu.vector_store %arg4[%swap3A, %swap3A_8], %rsqrt3A {strides = array<i32>} : memref<256x1xf32, #tpu.memory_space<vmem>>, vector<256x1xf32>,
    %jit3A = arith.constant 0 : i32
    %convert_element_type3A = arith.sitofp %jit3A : i32 to f32
    %pad3A = vector.broadcast %convert_element_type3A : f32 to vector<256x15xf32>
    %pad3A_10 = tpu.concatenate %rsqrt3A, %pad3A in 1 : vector<256x1xf32>, vector<256x15xf32> -> vector<256x16xf32>
    %swap3A_11 = arith.constant 0 : index
    %swap3A_12 = arith.constant 0 : index
    %swap3A_13 = vector.load %arg5[%swap3A_11, %swap3A_12] : memref<256x16xf32, #tpu.memory_space<vmem>>, vector<256x16xf32>
    tpu.vector_store %arg5[%swap3A_11, %swap3A_12], %pad3A_10 {strides = array<i32>} : memref<256x16xf32, #tpu.memory_space<vmem>>, vector<256x16xf32>,
    %get3A_14 = arith.constant 0 : index
    %get3A_15 = arith.constant 0 : index
    %get3A_16 = vector.load %arg3[%get3A_14, %get3A_15] : memref<256x256xf32, #tpu.memory_space<vmem>>, vector<256x256xf32>
    %mul3A = vector.broadcast %rsqrt3A : vector<256x1xf32> to vector<256x256xf32>
    %mul3A_17 = arith.mulf %get3A_16, %mul3A : vector<256x256xf32>
    %slice3A = vector.extract_strided_slice %mul3A_17 {offsets = [0, 0], sizes = [256, 128], strides = [1, 1]} : vector<256x256xf32> to vector<256x128xf32>
    %swap3A_18 = arith.constant 0 : index
    %swap3A_19 = arith.constant 0 : index
    %swap3A_20 = vector.load %arg6[%swap3A_18, %swap3A_19] : memref<256x128xf32, #tpu.memory_space<vmem>>, vector<256x128xf32>
    tpu.vector_store %arg6[%swap3A_18, %swap3A_19], %slice3A {strides = array<i32>} : memref<256x128xf32, #tpu.memory_space<vmem>>, vector<256x128xf32>,
    %slice3A_21 = vector.extract_strided_slice %mul3A_17 {offsets = [0, 128], sizes = [256, 128], strides = [1, 1]} : vector<256x256xf32> to vector<256x128xf32>
    %swap3A_22 = arith.constant 0 : index
    %swap3A_23 = arith.constant 0 : index
    %swap3A_24 = vector.load %arg7[%swap3A_22, %swap3A_23] : memref<256x128xf32, #tpu.memory_space<vmem>>, vector<256x128xf32>
    tpu.vector_store %arg7[%swap3A_22, %swap3A_23], %slice3A_21 {strides = array<i32>} : memref<256x128xf32, #tpu.memory_space<vmem>>, vector<256x128xf32>,
    return
  }
  func.func @transform_0(%arg0: i32) -> (i32, i32) {
    %c0_i32 = arith.constant 0 : i32
    %c0_i32_0 = arith.constant 0 : i32
    return %arg0, %c0_i32 : i32, i32
  }
  func.func @transform_1(%arg0: i32) -> (i32, i32) {
    %c0_i32 = arith.constant 0 : i32
    %c0_i32_0 = arith.constant 0 : i32
    return %arg0, %c0_i32 : i32, i32
  }
  func.func @transform_2(%arg0: i32) -> (i32, i32) {
    %c0_i32 = arith.constant 0 : i32
    %c0_i32_0 = arith.constant 0 : i32
    return %arg0, %c0_i32 : i32, i32
  }
  func.func @transform_3(%arg0: i32) -> (i32, i32) {
    %c0_i32 = arith.constant 0 : i32
    %c0_i32_0 = arith.constant 0 : i32
    return %arg0, %c0_i32 : i32, i32
  }
  func.func @transform_4(%arg0: i32) -> (i32, i32) {
    %c0_i32 = arith.constant 0 : i32
    %c0_i32_0 = arith.constant 0 : i32
    return %arg0, %c0_i32 : i32, i32
  }
  func.func @transform_5(%arg0: i32) -> (i32, i32) {
    %c0_i32 = arith.constant 0 : i32
    %c0_i32_0 = arith.constant 0 : i32
    return %arg0, %c0_i32 : i32, i32
  }
  func.func @transform_6(%arg0: i32) -> (i32, i32) {
    %c0_i32 = arith.constant 0 : i32
    %c0_i32_0 = arith.constant 0 : i32
    return %arg0, %c0_i32 : i32, i32
  }
}

module attributes {stable_mosaic.version = 14 : i64} {
  func.func @_tc_mlp_body(%arg0: i32, %arg1: memref<256x128xf32, #tpu.memory_space<vmem>>, %arg2: memref<256x128xf32, #tpu.memory_space<vmem>>, %arg3: memref<256x256xf32, #tpu.memory_space<vmem>>, %arg4: memref<256x1xf32, #tpu.memory_space<vmem>>, %arg5: memref<256x16xf32, #tpu.memory_space<vmem>>, %arg6: memref<256x512xf32, #tpu.memory_space<vmem>>, %arg7: memref<1x512xf32, #tpu.memory_space<vmem>>, %arg8: memref<512x64xf32, #tpu.memory_space<vmem>>, %arg9: memref<1x64xf32, #tpu.memory_space<vmem>>, %arg10: memref<256x64xf32, #tpu.memory_space<vmem>>, %arg11: memref<256x64xf32, #tpu.memory_space<vmem>>) attributes {dimension_semantics = [#tpu.dimension_semantics<arbitrary>], iteration_bounds = array<i64: 40>, scalar_prefetch = 0 : i64, scratch_operands = 0 : i64, tpu.core_type = #tpu.core_type<tc>, window_params = [{transform_indices = @transform_0, window_bounds = array<i64: 256, 128>}, {transform_indices = @transform_1, window_bounds = array<i64: 256, 128>}, {transform_indices = @transform_2, window_bounds = array<i64: 256, 256>}, {transform_indices = @transform_3, window_bounds = array<i64: 256, 1>}, {transform_indices = @transform_4, window_bounds = array<i64: 256, 16>}, {pipeline_mode = #tpu.pipeline_mode<synchronous>, transform_indices = @transform_5, window_bounds = array<i64: 256, 512>}, {pipeline_mode = #tpu.pipeline_mode<synchronous>, transform_indices = @transform_6, window_bounds = array<i64: 1, 512>}, {pipeline_mode = #tpu.pipeline_mode<synchronous>, transform_indices = @transform_7, window_bounds = array<i64: 512, 64>}, {pipeline_mode = #tpu.pipeline_mode<synchronous>, transform_indices = @transform_8, window_bounds = array<i64: 1, 64>}, {transform_indices = @transform_9, window_bounds = array<i64: 256, 64>}, {transform_indices = @transform_10, window_bounds = array<i64: 256, 64>}]} {
    %get3A = arith.constant 0 : index
    %get3A_0 = arith.constant 0 : index
    %get3A_1 = vector.load %arg4[%get3A, %get3A_0] : memref<256x1xf32, #tpu.memory_space<vmem>>, vector<256x1xf32>
    %mul3A = arith.mulf %get3A_1, %get3A_1 : vector<256x1xf32>
    %get3A_2 = arith.constant 0 : index
    %get3A_3 = arith.constant 0 : index
    %get3A_4 = vector.load %arg1[%get3A_2, %get3A_3] : memref<256x128xf32, #tpu.memory_space<vmem>>, vector<256x128xf32>
    %get3A_5 = arith.constant 0 : index
    %get3A_6 = arith.constant 0 : index
    %get3A_7 = vector.load %arg2[%get3A_5, %get3A_6] : memref<256x128xf32, #tpu.memory_space<vmem>>, vector<256x128xf32>
    %concatenate3A = tpu.concatenate %get3A_4, %get3A_7 in 1 : vector<256x128xf32>, vector<256x128xf32> -> vector<256x256xf32>
    %mul3A_8 = vector.broadcast %get3A_1 : vector<256x1xf32> to vector<256x256xf32>
    %mul3A_9 = arith.mulf %concatenate3A, %mul3A_8 : vector<256x256xf32>
    %get3A_10 = arith.constant 0 : index
    %get3A_11 = arith.constant 0 : index
    %get3A_12 = vector.load %arg3[%get3A_10, %get3A_11] : memref<256x256xf32, #tpu.memory_space<vmem>>, vector<256x256xf32>
    %mul3A_13 = vector.broadcast %mul3A : vector<256x1xf32> to vector<256x256xf32>
    %mul3A_14 = arith.mulf %get3A_12, %mul3A_13 : vector<256x256xf32>
    %add3A = arith.addf %mul3A_9, %mul3A_14 : vector<256x256xf32>
    %get3A_15 = arith.constant 0 : index
    %get3A_16 = arith.constant 0 : index
    %get3A_17 = vector.load %arg5[%get3A_15, %get3A_16] : memref<256x16xf32, #tpu.memory_space<vmem>>, vector<256x1xf32>
    %mul3A_18 = arith.mulf %get3A_1, %get3A_17 : vector<256x1xf32>
    %add3A_19 = arith.addf %mul3A_18, %mul3A : vector<256x1xf32>
    %get3A_20 = arith.constant 0 : index
    %get3A_21 = arith.constant 0 : index
    %get3A_22 = vector.load %arg6[%get3A_20, %get3A_21] : memref<256x512xf32, #tpu.memory_space<vmem>>, vector<256x512xf32>
    %dot_general3A = arith.constant dense<0.000000e+00> : vector<256x512xf32>
    %dot_general3A_23 = tpu.matmul %add3A, %get3A_22, %dot_general3A {dimension_numbers = #tpu.dot_dimension_numbers<[1], [0], [0], [1], [0, 0, 1, 1], [], []>, transpose_lhs_hint = false} : vector<256x256xf32>, vector<256x512xf32>, vector<256x512xf32> -> vector<256x512xf32>
    %get3A_24 = arith.constant 0 : index
    %get3A_25 = arith.constant 0 : index
    %get3A_26 = vector.load %arg7[%get3A_24, %get3A_25] : memref<1x512xf32, #tpu.memory_space<vmem>>, vector<1x512xf32>
    %mul3A_27 = vector.broadcast %add3A_19 : vector<256x1xf32> to vector<256x512xf32>
    %mul3A_28 = vector.broadcast %get3A_26 : vector<1x512xf32> to vector<256x512xf32>
    %mul3A_29 = arith.mulf %mul3A_27, %mul3A_28 : vector<256x512xf32>
    %add3A_30 = arith.addf %dot_general3A_23, %mul3A_29 : vector<256x512xf32>
    %max3A = arith.constant 0.000000e+00 : f32
    %max3A_31 = vector.broadcast %max3A : f32 to vector<256x512xf32>
    %max3A_32 = arith.maximumf %add3A_30, %max3A_31 : vector<256x512xf32>
    %get3A_33 = arith.constant 0 : index
    %get3A_34 = arith.constant 0 : index
    %get3A_35 = vector.load %arg8[%get3A_33, %get3A_34] : memref<512x64xf32, #tpu.memory_space<vmem>>, vector<512x64xf32>
    %dot_general3A_36 = arith.constant dense<0.000000e+00> : vector<256x64xf32>
    %dot_general3A_37 = tpu.matmul %max3A_32, %get3A_35, %dot_general3A_36 {dimension_numbers = #tpu.dot_dimension_numbers<[1], [0], [0], [1], [0, 0, 1, 1], [], []>, transpose_lhs_hint = false} : vector<256x512xf32>, vector<512x64xf32>, vector<256x64xf32> -> vector<256x64xf32>
    %mul3A_38 = vector.broadcast %get3A_1 : vector<256x1xf32> to vector<256x64xf32>
    %mul3A_39 = arith.mulf %dot_general3A_37, %mul3A_38 : vector<256x64xf32>
    %swap3A = arith.constant 0 : index
    %swap3A_40 = arith.constant 0 : index
    %swap3A_41 = vector.load %arg10[%swap3A, %swap3A_40] : memref<256x64xf32, #tpu.memory_space<vmem>>, vector<256x64xf32>
    tpu.vector_store %arg10[%swap3A, %swap3A_40], %mul3A_39 {strides = array<i32>} : memref<256x64xf32, #tpu.memory_space<vmem>>, vector<256x64xf32>,
    %mul3A_42 = vector.broadcast %mul3A : vector<256x1xf32> to vector<256x64xf32>
    %mul3A_43 = arith.mulf %dot_general3A_37, %mul3A_42 : vector<256x64xf32>
    %get3A_44 = arith.constant 0 : index
    %get3A_45 = arith.constant 0 : index
    %get3A_46 = vector.load %arg9[%get3A_44, %get3A_45] : memref<1x64xf32, #tpu.memory_space<vmem>>, vector<1x64xf32>
    %mul3A_47 = vector.broadcast %add3A_19 : vector<256x1xf32> to vector<256x64xf32>
    %mul3A_48 = vector.broadcast %get3A_46 : vector<1x64xf32> to vector<256x64xf32>
    %mul3A_49 = arith.mulf %mul3A_47, %mul3A_48 : vector<256x64xf32>
    %add3A_50 = arith.addf %mul3A_43, %mul3A_49 : vector<256x64xf32>
    %swap3A_51 = arith.constant 0 : index
    %swap3A_52 = arith.constant 0 : index
    %swap3A_53 = vector.load %arg11[%swap3A_51, %swap3A_52] : memref<256x64xf32, #tpu.memory_space<vmem>>, vector<256x64xf32>
    tpu.vector_store %arg11[%swap3A_51, %swap3A_52], %add3A_50 {strides = array<i32>} : memref<256x64xf32, #tpu.memory_space<vmem>>, vector<256x64xf32>,
    return
  }
  func.func @transform_0(%arg0: i32) -> (i32, i32) {
    %c0_i32 = arith.constant 0 : i32
    %c0_i32_0 = arith.constant 0 : i32
    return %arg0, %c0_i32 : i32, i32
  }
  func.func @transform_1(%arg0: i32) -> (i32, i32) {
    %c0_i32 = arith.constant 0 : i32
    %c0_i32_0 = arith.constant 0 : i32
    return %arg0, %c0_i32 : i32, i32
  }
  func.func @transform_2(%arg0: i32) -> (i32, i32) {
    %c0_i32 = arith.constant 0 : i32
    %c0_i32_0 = arith.constant 0 : i32
    return %arg0, %c0_i32 : i32, i32
  }
  func.func @transform_3(%arg0: i32) -> (i32, i32) {
    %c0_i32 = arith.constant 0 : i32
    %c0_i32_0 = arith.constant 0 : i32
    return %arg0, %c0_i32 : i32, i32
  }
  func.func @transform_4(%arg0: i32) -> (i32, i32) {
    %c0_i32 = arith.constant 0 : i32
    %c0_i32_0 = arith.constant 0 : i32
    return %arg0, %c0_i32 : i32, i32
  }
  func.func @transform_5(%arg0: i32) -> (i32, i32) {
    %c0_i32 = arith.constant 0 : i32
    %c0_i32_0 = arith.constant 0 : i32
    %c0_i32_1 = arith.constant 0 : i32
    return %c0_i32, %c0_i32_0 : i32, i32
  }
  func.func @transform_6(%arg0: i32) -> (i32, i32) {
    %c0_i32 = arith.constant 0 : i32
    %c0_i32_0 = arith.constant 0 : i32
    %c0_i32_1 = arith.constant 0 : i32
    return %c0_i32, %c0_i32_0 : i32, i32
  }
  func.func @transform_7(%arg0: i32) -> (i32, i32) {
    %c0_i32 = arith.constant 0 : i32
    %c0_i32_0 = arith.constant 0 : i32
    %c0_i32_1 = arith.constant 0 : i32
    return %c0_i32, %c0_i32_0 : i32, i32
  }
  func.func @transform_8(%arg0: i32) -> (i32, i32) {
    %c0_i32 = arith.constant 0 : i32
    %c0_i32_0 = arith.constant 0 : i32
    %c0_i32_1 = arith.constant 0 : i32
    return %c0_i32, %c0_i32_0 : i32, i32
  }
  func.func @transform_9(%arg0: i32) -> (i32, i32) {
    %c0_i32 = arith.constant 0 : i32
    %c0_i32_0 = arith.constant 0 : i32
    return %arg0, %c0_i32 : i32, i32
  }
  func.func @transform_10(%arg0: i32) -> (i32, i32) {
    %c0_i32 = arith.constant 0 : i32
    %c0_i32_0 = arith.constant 0 : i32
    return %arg0, %c0_i32 : i32, i32
  }
}

module attributes {stable_mosaic.version = 14 : i64} {
  func.func @_tc_post_body(%arg0: i32, %arg1: memref<256x64xf32, #tpu.memory_space<vmem>>, %arg2: memref<256x64xf32, #tpu.memory_space<vmem>>, %arg3: memref<256x64xf32, #tpu.memory_space<vmem>>, %arg4: memref<256x1xf32, #tpu.memory_space<vmem>>, %arg5: memref<256x64xf32, #tpu.memory_space<vmem>>) attributes {dimension_semantics = [#tpu.dimension_semantics<arbitrary>], iteration_bounds = array<i64: 40>, scalar_prefetch = 0 : i64, scratch_operands = 0 : i64, tpu.core_type = #tpu.core_type<tc>, window_params = [{transform_indices = @transform_0, window_bounds = array<i64: 256, 64>}, {transform_indices = @transform_1, window_bounds = array<i64: 256, 64>}, {transform_indices = @transform_2, window_bounds = array<i64: 256, 64>}, {transform_indices = @transform_3, window_bounds = array<i64: 256, 1>}, {transform_indices = @transform_4, window_bounds = array<i64: 256, 64>}]} {
    %get3A = arith.constant 0 : index
    %get3A_0 = arith.constant 0 : index
    %get3A_1 = vector.load %arg1[%get3A, %get3A_0] : memref<256x64xf32, #tpu.memory_space<vmem>>, vector<256x64xf32>
    %get3A_2 = arith.constant 0 : index
    %get3A_3 = arith.constant 0 : index
    %get3A_4 = vector.load %arg2[%get3A_2, %get3A_3] : memref<256x64xf32, #tpu.memory_space<vmem>>, vector<256x64xf32>
    %add3A = arith.addf %get3A_1, %get3A_4 : vector<256x64xf32>
    %get3A_5 = arith.constant 0 : index
    %get3A_6 = arith.constant 0 : index
    %get3A_7 = vector.load %arg4[%get3A_5, %get3A_6] : memref<256x1xf32, #tpu.memory_space<vmem>>, vector<256x1xf32>
    %mul3A = vector.broadcast %get3A_7 : vector<256x1xf32> to vector<256x64xf32>
    %mul3A_8 = arith.mulf %add3A, %mul3A : vector<256x64xf32>
    %get3A_9 = arith.constant 0 : index
    %get3A_10 = arith.constant 0 : index
    %get3A_11 = vector.load %arg3[%get3A_9, %get3A_10] : memref<256x64xf32, #tpu.memory_space<vmem>>, vector<256x64xf32>
    %add3A_12 = arith.addf %mul3A_8, %get3A_11 : vector<256x64xf32>
    %swap3A = arith.constant 0 : index
    %swap3A_13 = arith.constant 0 : index
    %swap3A_14 = vector.load %arg5[%swap3A, %swap3A_13] : memref<256x64xf32, #tpu.memory_space<vmem>>, vector<256x64xf32>
    tpu.vector_store %arg5[%swap3A, %swap3A_13], %add3A_12 {strides = array<i32>} : memref<256x64xf32, #tpu.memory_space<vmem>>, vector<256x64xf32>,
    return
  }
  func.func @transform_0(%arg0: i32) -> (i32, i32) {
    %c0_i32 = arith.constant 0 : i32
    %c0_i32_0 = arith.constant 0 : i32
    return %arg0, %c0_i32 : i32, i32
  }
  func.func @transform_1(%arg0: i32) -> (i32, i32) {
    %c0_i32 = arith.constant 0 : i32
    %c0_i32_0 = arith.constant 0 : i32
    return %arg0, %c0_i32 : i32, i32
  }
  func.func @transform_2(%arg0: i32) -> (i32, i32) {
    %c0_i32 = arith.constant 0 : i32
    %c0_i32_0 = arith.constant 0 : i32
    return %arg0, %c0_i32 : i32, i32
  }
  func.func @transform_3(%arg0: i32) -> (i32, i32) {
    %c0_i32 = arith.constant 0 : i32
    %c0_i32_0 = arith.constant 0 : i32
    return %arg0, %c0_i32 : i32, i32
  }
  func.func @transform_4(%arg0: i32) -> (i32, i32) {
    %c0_i32 = arith.constant 0 : i32
    %c0_i32_0 = arith.constant 0 : i32
    return %arg0, %c0_i32 : i32, i32
  }
}

</mosaic_0001>

<sc_bundles>
// kernel: kernel.11.cloned.1.call-start
scs
__scs_entry_jumppad:
0x0: {  	(pc) =	sbr.rel $0x88, $3  }
0x1: {  	(tag) =	ssettag $0x0;
	lr =	simm.s32 $0x1  }
0x2: {  	[smem:$0x3F9B] =	sst lr;
	_ =	strace $0xD0000000  }
0x3: {  	_ = 	snop  }
0x4: {  	_ = 	snop  }
0x5: {  	_ = 	snop  }
0x6: {  	_ = 	snop  }
0x7: {  	_ = 	snop  }
__scs_overlays_trampoline_lowered:
0x8: {  	[smem:$0x3FAA] =	sst s0  }
0x9: {  	[smem:$0x3FAB] =	sst s1  }
0xa: {  	[smem:$0x3FAC] =	sst s2  }
0xb: {  	[smem:$0x3FAD] =	sst s3  }
0xc: {  	[smem:$0x3FAE] =	sst s4  }
0xd: {  	[smem:$0x3FAF] =	sst s5  }
0xe: {  	[smem:$0x3FB0] =	sst s6  }
0xf: {  	[smem:$0x3FB1] =	sst s7  }
0x10: {  	[smem:$0x3FB2] =	sst s8  }
0x11: {  	[smem:$0x3FB3] =	sst s9;
	s0 =	simm.s32 @!p0 $0x0  }
0x12: {  	s1 =	sld [smem:$0x3F99];
	s0 =	simm.s32 @p0 $0x1  }
0x13: {  	[smem:$0x3FB4] =	sst s0;
	s0 =	simm.s32 @!p1 $0x0  }
0x14: {  	s2 =	sld [smem:$0x3F98];
	s0 =	simm.s32 @p1 $0x1  }
0x15: {  	[smem:$0x3FB5] =	sst s0;
	s0 =	simm.s32 @!p2 $0x0  }
0x16: {  	s3 =	sld [smem:$0x3FDB];
	s0 =	simm.s32 @p2 $0x1  }
0x17: {  	s4 =	simm.s32 $0x1BF5;
	[smem:$0x3FB7] =	sst s0  }
0x18: {  	s0 =	sld [smem:$0x3F9A];
	_ =	swait.ge [sflag:s4], $0x0  }
0x19: {  	s7 =	sld [smem:$0x3F9B]  }
0x1a: {  	s8 =	sadd.s32 $0xFFFFE003, lr  }
0x1b: {  	s9 =	sadd.s32 $0xFFFFFEF7, lr;
	s5 =	simm.s32 $0xFFFFFFFF;
	p2 =	slt.u32 s8, $0xFFFFF086  }
0x1c: {  	p1 =	slt.u32 s9, $0xF7A;
	s5 =	simm.s32 @!p2 $0x0  }
0x1d: {  	s5 =	simm.s32 @p1 $0x1;
	p0 =	seq.s32 s7, s2  }
0x1e: {  	s7 =	smul.u32 @!p0 $0xF7A, s2;
	p2 =	seq.s32 @!p0 s5, $0x0  }
0x1f: {  	s9 =	smul.u32 $0xF7A, s1;
	s8 =	simm.s32 @!p0 $0x1BF5;
	p2 =	por !p2, p0  }
0x20: {  	[sflag:s8] =	ssyncset.s32 @!p0 $0xFFFFF086;
	s6 =	sadd.s32 @!p0 s3, s7;
	s7 =	simm.s32 @!p0 $0x108  }
0x21: {  	s3 =	sadd.s32 s3, s9;
	s6 =	sadd.s32 @!p0 $0x88, s6;
	s7 =	simm.s32 @p2 $0x1082  }
0x22: {  	[simem:s7], [sflag:s8] =	dma.local @!p0 [hbm:s6], $0xF7A  }
0x23: {  	s9 =	sor.u32 $0xD0000000, s2;
	s6 =	simm.s32 $0x108;
	_ =	swait.ge @!p0 [sflag:s8], $0x0  }
0x24: {  	s3 =	sadd.s32 $0x88, s3;
	s6 =	simm.s32 @!p1 $0x1082;
	[sflag:s4] =	ssyncset.s32 $0xFFFFF086  }
0x25: {  	[simem:s6], [sflag:s4] =	dma.local [hbm:s3], $0xF7A  }
0x26: {  	[smem:$0x3F9B] =	sst s1;
	(tag) =	ssettag s2;
	_ =	strace s9  }
0x27: {  	s1 =	sld [smem:$0x3FAB]  }
0x28: {  	s2 =	sld [smem:$0x3FAC]  }
0x29: {  	s4 =	sld [smem:$0x3FAE]  }
0x2a: {  	p0 =	seq.s32 s5, $0x0;
	s5 =	sld [smem:$0x3FAF]  }
0x2b: {  	s6 =	sld [smem:$0x3FB0]  }
0x2c: {  	s7 =	sld [smem:$0x3FB1]  }
0x2d: {  	s3 =	simm.s32 $0x108;
	s8 =	sld [smem:$0x3FB2]  }
0x2e: {  	s3 =	simm.s32 @!p0 $0x1082;
	s9 =	sld [smem:$0x3FB3]  }
0x2f: {  	lr =	sadd.s32 s0, s3;
	s0 =	sld [smem:$0x3FAA]  }
0x30: {  	s3 =	sld [smem:$0x3FAD]  }
0x31: {  	[smem:$0x3FB6] =	sst s10  }
0x32: {  	s10 =	sld [smem:$0x3FB4];
	_ =	sdelay $0x3  }
0x33: {  	p0 =	seq.s32 s10, $0x1;
	s10 =	sld [smem:$0x3FB6];
	_ =	sdelay $0x3  }
0x34: {  	[smem:$0x3FB6] =	sst s10  }
0x35: {  	s10 =	sld [smem:$0x3FB5];
	_ =	sdelay $0x3  }
0x36: {  	p1 =	seq.s32 s10, $0x1;
	s10 =	sld [smem:$0x3FB6];
	_ =	sdelay $0x3  }
0x37: {  	[smem:$0x3FB6] =	sst s10  }
0x38: {  	s10 =	sld [smem:$0x3FB7]  }
0x39: {  	_ = 	snop;
	(pc) =	sbr.ind lr, $3  }
0x3a: {  	_ = 	snop  }
0x3b: {  	_ = 	snop  }
0x3c: {  	p2 =	seq.s32 s10, $0x1;
	s10 =	sld [smem:$0x3FB6]  }
0x3d: {  	_ =	shalt  }
0x3e: {  	_ =	shalt  }
0x3f: {  	_ =	shalt  }
0x40: {  	_ =	shalt  }
0x41: {  	_ =	shalt  }
0x42: {  	_ =	shalt  }
0x43: {  	_ =	shalt  }
0x44: {  	_ =	shalt  }
0x45: {  	_ =	shalt  }
0x46: {  	_ =	shalt  }
0x47: {  	_ =	shalt  }
0x48: {  	_ =	shalt  }
0x49: {  	_ =	shalt  }
0x4a: {  	_ =	shalt  }
0x4b: {  	_ =	shalt  }
0x4c: {  	_ =	shalt  }
0x4d: {  	_ =	shalt  }
0x4e: {  	_ =	shalt  }
0x4f: {  	_ =	shalt  }
0x50: {  	_ =	shalt  }
0x51: {  	_ =	shalt  }
0x52: {  	_ =	shalt  }
0x53: {  	_ =	shalt  }
0x54: {  	_ =	shalt  }
0x55: {  	_ =	shalt  }
0x56: {  	_ =	shalt  }
0x57: {  	_ =	shalt  }
0x58: {  	_ =	shalt  }
0x59: {  	_ =	shalt  }
0x5a: {  	_ =	shalt  }
0x5b: {  	_ =	shalt  }
0x5c: {  	_ =	shalt  }
0x5d: {  	_ =	shalt  }
0x5e: {  	_ =	shalt  }
0x5f: {  	_ =	shalt  }
0x60: {  	_ =	shalt  }
0x61: {  	_ =	shalt  }
0x62: {  	_ =	shalt  }
0x63: {  	_ =	shalt  }
0x64: {  	_ =	shalt  }
0x65: {  	_ =	shalt  }
0x66: {  	_ =	shalt  }
0x67: {  	_ =	shalt  }
0x68: {  	_ =	shalt  }
0x69: {  	_ =	shalt  }
0x6a: {  	_ =	shalt  }
0x6b: {  	_ =	shalt  }
0x6c: {  	_ =	shalt  }
0x6d: {  	_ =	shalt  }
0x6e: {  	_ =	shalt  }
0x6f: {  	_ =	shalt  }
0x70: {  	_ =	shalt  }
0x71: {  	_ =	shalt  }
0x72: {  	_ =	shalt  }
0x73: {  	_ =	shalt  }
0x74: {  	_ =	shalt  }
0x75: {  	_ =	shalt  }
0x76: {  	_ =	shalt  }
0x77: {  	_ =	shalt  }
0x78: {  	_ =	shalt  }
0x79: {  	_ =	shalt  }
0x7a: {  	_ =	shalt  }
0x7b: {  	_ =	shalt  }
0x7c: {  	_ =	shalt  }
0x7d: {  	_ =	shalt  }
0x7e: {  	_ =	shalt  }
0x7f: {  	_ =	shalt  }
0x80: {  	_ =	shalt  }
0x81: {  	_ =	shalt  }
0x82: {  	_ =	shalt  }
0x83: {  	_ =	shalt  }
0x84: {  	_ =	shalt  }
0x85: {  	_ =	shalt  }
0x86: {  	_ =	shalt  }
0x87: {  	_ =	shalt  }
.Lfunc_end0:
.L_simem_size_0:
called_computation.1_lowered:
.L_overlay_start_0:
0x88: {  	s2 =	sld [smem:$0x3FD9]  }
0x89: {  	s3 =	sld [smem:$0x3FFE];
	_ =	sdelay $0x1  }
0x8a: {  	s1 =	srdreg.scid  }
0x8b: {  	s0 =	sand.u32 $0x1, s1  }
0x8c: {  	s17 =	sshll.u32 s0, $0xA;
	s2 =	sadd.s32 s3, s2  }
0x8d: {  	s2 =	sadd.s32 s2, s17  }
0x8e: {  	[smem:$0x3FC2] =	sst s2  }
0x8f: {  	_ = 	snop  }
0x90: {  	s2 =	sld [smem:$0x3FD0];
	(tm) =	ssettm $0x1  }
0x91: {  	s18 =	sld [smem:$0x3FFB];
	_ =	sdelay $0x3  }
0x92: {  	_ =	strace s18  }
0x93: {  	s3 =	sld [smem:$0x3FFC];
	_ =	sdelay $0x3  }
0x94: {  	_ =	strace s3  }
0x95: {  	s3 =	sld [smem:$0x3FFD];
	_ =	sdelay $0x3  }
0x96: {  	_ =	strace s3  }
0x97: {  	_ =	strace $0x8FFFFFFF  }
0x98: {  	s19 =	sld [smem:$0x3FDB];
	_ =	sdelay $0x1  }
0x99: {  	s4 =	simm.s32 $_scs_section_size  }
0x9a: {  	s5 =	simm.s32 $_size__tile_overlayer_lowered;
	s6 =	simm.s32 $_tile_overlayer_lowered  }
0x9b: {  	s22 =	simm.s32 $0x1BFF;
	s21 =	sshll.u32 s6, $0x1;
	s3 =	sadd.s32 s4, s19  }
0x9c: {  	s7 =	simm.s32 $0x0;
	s20 =	sshll.u32 s5, $0x1;
	s5 =	sadd.s32 s21, s3  }
0x9d: {  	[timem:s7], [sflag:s22] =	dma.local [hbm:s5], s20  }
0x9e: {  	_ =	swait.ge [sflag:s22], s20  }
0x9f: {  	s4 =	ssub.s32 $0x0, s20;
	[sflag:s22] =	ssyncset.done $0x0  }
0xa0: {  	[sflag:s22] =	ssyncadd.s32 s4;
	_ =	sdelay $0x1  }
0xa1: {  	s23 =	simm.s32 $0x1B8B  }
0xa2: {  	_ =	swait.ge [sflag:s23], $0x1  }
0xa3: {  	[sflag:s23] =	ssyncset.done $0x0  }
0xa4: {  	s25 =	simm.s32 $0x1B8E;
	s24 =	sld [smem:$0x3FFE];
	[sflag:s23] =	ssyncadd.s32 $0xFFFFFFFF  }
0xa5: {  	s26 =	simm.s32 $execute0_lowered;
	[smem:$0x3FD2] =	sst s25  }
0xa6: {  	s5 =	sshll.u32 s26, $0x1;
	_ =	strace $0x80000049;
	[dreg:$0x1] =	wrdreg $0xFFFFFFFF  }
0xa7: {  	s28 =	simm.s32 $_size_execute0_lowered;
	s3 =	sadd.s32 s3, s5;
	[dreg:$0x0] =	wrdreg $0x0  }
0xa8: {  	s5 =	sshll.u32 s28, $0x1;
	[dreg:$0x2] =	wrdreg s3  }
0xa9: {  	[dreg:$0x3] =	wrdreg s5  }
0xaa: {  	[dreg:$0x4] =	wrdreg $0xC0  }
0xab: {  	_ =	task [dreg:s7], $0x5FFFF  }
0xac: {  	[dreg:$0x1] =	wrdreg $0xFFFFFFFF  }
0xad: {  	[dreg:$0x0] =	wrdreg $0x60  }
0xae: {  	[dreg:$0x2] =	wrdreg s24  }
0xaf: {  	[dreg:$0x3] =	wrdreg s2  }
0xb0: {  	[dreg:$0x4] =	wrdreg $0x92000  }
0xb1: {  	[dreg:$0x5] =	wrdreg $0x1D2000  }
0xb2: {  	[dreg:$0x6] =	wrdreg $0x9  }
0xb3: {  	_ =	task.clear_ibuf [dreg:s7], $0x7FFFF;
	_ =	strace $0x90000049  }
0xb4: {  	s29 =	simm.s32 $0x9;
	_ =	strace $0x8000004B  }
0xb5: {  	_ =	swait.ge [sflag:s29], $0x1  }
0xb6: {  	[sflag:s29] =	ssyncadd.s32 $0xFFFFFFFF  }
0xb7: {  	_ =	strace $0x9000004B  }
0xb8: {  	_ =	sfence  }
0xb9: {  	s30 =	sld [smem:$0x0];
	_ =	sdelay $0x2  }
0xba: {  	s31 =	sshll.u32 s1, $0xD;
	s1 =	sshrl.u32 s1, $0x2  }
0xbb: {  	s3 =	sand.u32 $0x4000, s31;
	s1 =	sadd.s32 s1, s30  }
0xbc: {  	s0 =	sor.u32 s3, s0;
	s1 =	sshll.u32 s1, $0x11  }
0xbd: {  	s0 =	sor.u32 s1, s0  }
0xbe: {  	s0 =	sadd.s32 $0x8F2B, s0  }
0xbf: {  	[sflag:s0] =	ssyncadd.remote.s32 $0x1  }
0xc0: {  	_ =	sfence.sel $0xFFFF  }
0xc1: {  	[dreg:$0x0] =	wrdreg $0xFFFFFFFF;
	(pc) =	sbr.abs _section_cstart, $3  }
0xc2: {  	[dreg:$0x1] =	wrdreg $0xFFFFFFFF  }
0xc3: {  	_ =	task.clear_ibuf [dreg:s7], $0x2FFFF;
	_ =	strace $0x9FFFFFFF  }
0xc4: {  	(tm) =	ssettm $0x7FFFFFFF  }
0xc5: {  	_ =	shalt  }
tec
execute0_lowered:
.L_overlay_start_1:
0x0: {  	(tag) =	ssettag $0x1  }
0x1: {  	s0 =	rddreg [dreg:$0x0]  }
0x2: {  	s1 =	rddreg [dreg:$0x1]  }
0x3: {  	s2 =	rddreg [dreg:$0x2]  }
0x4: {  	s3 =	rddreg [dreg:$0x3];
	s4 =	simm.s32 $0x0  }
0x5: {  	s8 =	stileid.u32;
	s11 =	srdreg.scid;
	s28 =	simm.s32 $0x200  }
0x6: {  	s29 =	simm.s32 $0x5;
	s30 =	simm.s32 $0x8200;
	s31 =	simm.s32 $0x100  }
0x7: {  	[smem:$0x7FF] =	sst s4;
	s9 =	smul.u32 $0x500, s8;
	s5 =	sadd.s32 $0x89800, s0  }
0x8: {  	s6 =	sadd.s32 $0x61800, s0;
	s7 =	sadd.s32 $0x2800, s0;
	s14 =	smul.u32 $0x14000, s8  }
0x9: {  	s10 =	sadd.s32 $0x7800, s0;
	s12 =	sadd.s32 $0x2600, s0;
	s17 =	smul.u32 $0x2800, s8  }
0xa: {  	s18 =	smul.u32 $0x280, s8;
	_ =	strace $0x8000004A;
	[dreg:$0x5] =	wrdreg s10  }
0xb: {  	s15 =	sand.u32 $0x1, s11;
	s25 =	smul.u32 $0xA000, s8;
	[dreg:$0x6] =	wrdreg s12  }
0xc: {  	s21 =	ssub.s32 $0x2, s15;
	p0 =	sne.s32 s15, $0x0;
	s16 =	sadd.s32 s9, s0  }
0xd: {  	s20 =	sshrl.u32 s14, $0x3;
	s22 =	sshrl.u32 s17, $0x3;
	s13 =	sshrl.u32 s21, $0x1  }
0xe: {  	s10 =	sadd.s32 s14, s2;
	s12 =	sadd.s32 s9, s1;
	s26 =	sadd.s32 $0x200, s18  }
0xf: {  	s1 =	sshrl.u32 s25, $0x2;
	s9 =	simm.s32 $0x4200;
	s19 =	sadd.s32 s20, s0  }
0x10: {  	s0 =	sadd.s32 s22, s0;
	s20 =	ssub.s32 s21, s13;
	s21 =	sadd.s32 $0x80, s18  }
0x11: {  	s22 =	sadd.s32 $0x100, s18;
	s8 =	sshll.u32 s26, $0x7;
	s1 =	sadd.s32 s1, s3  }
0x12: {  	s23 =	sshll.u32 s21, $0x7;
	s24 =	sshll.u32 s22, $0x7;
	s15 =	sadd.s32 s8, s2  }
0x13: {  	[dreg:$0x8] =	wrdreg s1;
	s25 =	sadd.s32 $0xDE800, s19;
	s0 =	sadd.s32 $0xD9800, s0  }
0x14: {  	s11 =	sadd.s32 s23, s2;
	s23 =	sadd.s32 $0x180, s18;
	s13 =	sadd.s32 s24, s2  }
0x15: {  	s18 =	sshll.u32 s22, $0x4;
	s24 =	sadd.s32 $0x106800, s19;
	[dreg:$0xe] =	wrdreg s25  }
0x16: {  	[dreg:$0xf] =	wrdreg s0;
	s25 =	sadd.s32 $0x5C800, s16;
	s16 =	simm.s32 $0x8A00  }
0x17: {  	s19 =	simm.s32 $0x2;
	[dreg:$0x7] =	wrdreg s11;
	s14 =	sshll.u32 s23, $0x7  }
0x18: {  	s11 =	sshll.u32 s21, $0x4;
	s21 =	sshll.u32 s23, $0x4;
	s23 =	sshll.u32 s26, $0x4  }
0x19: {  	[dreg:$0xd] =	wrdreg s24;
	s26 =	sadd.s32 s17, s3;
	s24 =	smax.u32 s20, $0x1  }
0x1a: {  	s17 =	simm.s32 $0x1;
	s20 =	simm.s32 $0x180;
	s1 =	sadd.s32 s11, s3  }
.Ltmp0:
0x1b: {  	s22 =	sadd.s32 s21, s3;
	[dreg:$0x9] =	wrdreg s1;
	(pc) =	sbr.rel .LBB2_1-.Ltmp0, $4  }
0x1c: {  	s14 =	sadd.s32 s14, s2;
	s0 =	sshrl.u32 s26, $0x3;
	[dreg:$0xb] =	wrdreg s22  }
0x1d: {  	s21 =	simm.s32 $0x4;
	s1 =	sadd.s32 s18, s3;
	[dreg:$0x10] =	wrdreg s0  }
0x1e: {  	s0 =	simm.s32 $0x80;
	[dreg:$0xa] =	wrdreg s1;
	s1 =	sadd.s32 s23, s3  }
0x1f: {  	s18 =	simm.s32 $0x3;
	s22 =	simm.s32 $0x0;
	[dreg:$0xc] =	wrdreg s1  }
.LBB2_7:
0x20: {  	s1 =	sadd.s32 s23, s25;
	[sflag:s19] =	ssyncadd.s32 $0xFFFFC000  }
0x21: {  	[tilespmem:s4], [sflag:$0x5] =	stream.linear.gather [hbm4b:s1+s4], $0x100, $0x38;
	[tilespmem:$0x1FA00] =	vst v63  }
0x22: {  	_ =	swait.ge [sflag:s29], $0x100  }
0x23: {  	[sflag:s29] =	ssyncset.done $0x0  }
0x24: {  	s23 =	sadd.s32 s23, s12;
	[sflag:s29] =	ssyncadd.s32 $0xFFFFFF00  }
0x25: {  	[tilespmem:s31], [sflag:$0x5] =	stream.linear.gather [hbm4b:s23+s4], $0x100, $0x38;
	[tilespmem:$0x1FA00] =	vst v63  }
0x26: {  	_ =	swait.ge [sflag:s29], $0x100  }
0x27: {  	[sflag:s29] =	ssyncset.done $0x0  }
0x28: {  	[sflag:s29] =	ssyncadd.s32 $0xFFFFFF00  }
0x29: {  	[tilespmem:s28], [sflag:$0x1] =	stream.indirect.gather [hbm4b:s6+s0], $0x80, s4, s0, $0xb8;
	[tilespmem:$0x1FA00] =	vst v63  }
0x2a: {  	_ = 	snop  }
0x2b: {  	[tilespmem:s9], [sflag:$0x2] =	stream.indirect.gather [hbm4b:s6+s0], $0x80, s0, s0, $0xb8;
	[tilespmem:$0x1FA00] =	vst v63  }
0x2c: {  	_ =	swait.ge [sflag:s17], $0x4000  }
0x2d: {  	[sflag:s17] =	ssyncset.done $0x0  }
0x2e: {  	[sflag:s17] =	ssyncadd.s32 $0xFFFFC000  }
0x2f: {  	[spmem:s2] =	stream.indirect.scatter.add.f32 [tilespmem:s28], [sflag:$0x1], $0x80, s31, s0, $0xb8;
	[tilespmem:$0x1FA00] =	vst v63  }
0x30: {  	_ =	swait.ge [sflag:s19], $0x4000  }
0x31: {  	[sflag:s19] =	ssyncset.done $0x0  }
0x32: {  	[sflag:s19] =	ssyncadd.s32 $0xFFFFC000  }
0x33: {  	[spmem:s2] =	stream.indirect.scatter.add.f32 [tilespmem:s9], [sflag:$0x2], $0x80, s20, s0, $0xb8;
	[tilespmem:$0x1FA00] =	vst v63  }
0x34: {  	_ =	swait.ge [sflag:s17], $0x4000  }
0x35: {  	[sflag:s17] =	ssyncset.done $0x0  }
0x36: {  	[sflag:s17] =	ssyncadd.s32 $0xFFFFC000  }
0x37: {  	_ =	swait.ge [sflag:s19], $0x4000  }
0x38: {  	[sflag:s19] =	ssyncset.done $0x0  }
0x39: {  	s26 =	stileid.u32;
	[sflag:s19] =	ssyncadd.s32 $0xFFFFC000  }
0x3a: {  	s1 =	sshll.u32 s26, $0x6;
	[bflag:$0x0] =	sbarrier.arrive $0xFFFF  }
0x3b: {  	s8 =	sshrl.u32 s10, $0x3;
	s1 =	sor.u32 $0x1C05, s1;
	s11 =	rddreg [dreg:$0xd]  }
0x3c: {  	[hbm:s11], [sflag:s1] =	dma.local [spmem:s8], $0x2800  }
0x3d: {  	_ =	swait.ge [sflag:s29], $0x2800  }
0x3e: {  	[sflag:s29] =	ssyncset.done $0x0  }
0x3f: {  	[sflag:s29] =	ssyncadd.s32 $0xFFFFD800  }
.LBB2_8:
0x40: {  	s22 =	sadd.s32 $0x1, s22  }
0x41: {  	p1 =	sne.s32 s22, s24  }
.Ltmp1:
0x42: {  	_ = 	snop;
	(pc) =	sbr.rel @!p1 .LBB2_9-.Ltmp1, $1  }
0x43: {  	_ =	sdelay $0x3  }
.LBB2_1:
0x44: {  	s1 =	rddreg [dreg:$0x5]  }
0x45: {  	[tilespmem:s28], [sflag:$0x5] =	stream.linear.gather [hbm4b:s1+s4], $0x4000, $0x38;
	[tilespmem:$0x1FA00] =	vst v63  }
0x46: {  	_ =	swait.ge [sflag:s29], $0x4000  }
0x47: {  	[sflag:s29] =	ssyncset.done $0x0  }
0x48: {  	[sflag:s29] =	ssyncadd.s32 $0xFFFFC000  }
0x49: {  	[spmem:s10] =	stream.linear.scatter [tilespmem:s28], [sflag:$0x5], $0x4000, $0x38;
	[tilespmem:$0x1FA00] =	vst v63  }
0x4a: {  	_ =	swait.ge [sflag:s29], $0x4000  }
0x4b: {  	[sflag:s29] =	ssyncset.done $0x0  }
0x4c: {  	s26 =	rddreg [dreg:$0x7];
	[sflag:s29] =	ssyncadd.s32 $0xFFFFC000  }
0x4d: {  	[spmem:s26] =	stream.linear.scatter [tilespmem:s28], [sflag:$0x5], $0x4000, $0x38;
	[tilespmem:$0x1FA00] =	vst v63  }
0x4e: {  	_ =	swait.ge [sflag:s29], $0x4000  }
0x4f: {  	[sflag:s29] =	ssyncset.done $0x0  }
0x50: {  	[sflag:s29] =	ssyncadd.s32 $0xFFFFC000  }
0x51: {  	[spmem:s13] =	stream.linear.scatter [tilespmem:s28], [sflag:$0x5], $0x4000, $0x38;
	[tilespmem:$0x1FA00] =	vst v63  }
0x52: {  	_ =	swait.ge [sflag:s29], $0x4000  }
0x53: {  	[sflag:s29] =	ssyncset.done $0x0  }
0x54: {  	[sflag:s29] =	ssyncadd.s32 $0xFFFFC000  }
0x55: {  	[spmem:s14] =	stream.linear.scatter [tilespmem:s28], [sflag:$0x5], $0x4000, $0x38;
	[tilespmem:$0x1FA00] =	vst v63  }
0x56: {  	_ =	swait.ge [sflag:s29], $0x4000  }
0x57: {  	[sflag:s29] =	ssyncset.done $0x0  }
.Ltmp2:
0x58: {  	[sflag:s29] =	ssyncadd.s32 $0xFFFFC000;
	(pc) =	sbr.rel @p0 .LBB2_5-.Ltmp2, $4  }
0x59: {  	[spmem:s15] =	stream.linear.scatter [tilespmem:s28], [sflag:$0x5], $0x4000, $0x38;
	[tilespmem:$0x1FA00] =	vst v63  }
0x5a: {  	_ =	swait.ge [sflag:s29], $0x4000  }
0x5b: {  	[sflag:s29] =	ssyncset.done $0x0  }
0x5c: {  	[sflag:s29] =	ssyncadd.s32 $0xFFFFC000  }
0x5d: {  	s1 =	simm.s32 $0x0;
	s8 =	rddreg [dreg:$0x6]  }
0x5e: {  	[tilespmem:s30], [sflag:$0x5] =	stream.linear.gather [hbm4b:s8+s1], $0x800, $0x38;
	[tilespmem:$0x1FA00] =	vst v63  }
0x5f: {  	_ =	swait.ge [sflag:s29], $0x800  }
0x60: {  	[sflag:s29] =	ssyncset.done $0x0  }
0x61: {  	s11 =	rddreg [dreg:$0x8];
	[sflag:s29] =	ssyncadd.s32 $0xFFFFF800  }
0x62: {  	[spmem:s11] =	stream.linear.scatter [tilespmem:s30], [sflag:$0x5], $0x800, $0x38;
	[tilespmem:$0x1FA00] =	vst v63  }
0x63: {  	_ =	swait.ge [sflag:s29], $0x800  }
0x64: {  	[sflag:s29] =	ssyncset.done $0x0  }
0x65: {  	s23 =	rddreg [dreg:$0x9];
	[sflag:s29] =	ssyncadd.s32 $0xFFFFF800  }
0x66: {  	[spmem:s23] =	stream.linear.scatter [tilespmem:s30], [sflag:$0x5], $0x800, $0x38;
	[tilespmem:$0x1FA00] =	vst v63  }
0x67: {  	_ =	swait.ge [sflag:s29], $0x800  }
0x68: {  	[sflag:s29] =	ssyncset.done $0x0  }
0x69: {  	s26 =	rddreg [dreg:$0xa];
	[sflag:s29] =	ssyncadd.s32 $0xFFFFF800  }
0x6a: {  	[spmem:s26] =	stream.linear.scatter [tilespmem:s30], [sflag:$0x5], $0x800, $0x38;
	[tilespmem:$0x1FA00] =	vst v63  }
0x6b: {  	_ =	swait.ge [sflag:s29], $0x800  }
0x6c: {  	[sflag:s29] =	ssyncset.done $0x0  }
0x6d: {  	s8 =	rddreg [dreg:$0xb];
	[sflag:s29] =	ssyncadd.s32 $0xFFFFF800  }
0x6e: {  	[spmem:s8] =	stream.linear.scatter [tilespmem:s30], [sflag:$0x5], $0x800, $0x38;
	[tilespmem:$0x1FA00] =	vst v63  }
0x6f: {  	_ =	swait.ge [sflag:s29], $0x800  }
0x70: {  	[sflag:s29] =	ssyncset.done $0x0  }
0x71: {  	s11 =	rddreg [dreg:$0xc];
	[sflag:s29] =	ssyncadd.s32 $0xFFFFF800  }
0x72: {  	[spmem:s11] =	stream.linear.scatter [tilespmem:s30], [sflag:$0x5], $0x800, $0x38;
	[tilespmem:$0x1FA00] =	vst v63  }
0x73: {  	_ =	swait.ge [sflag:s29], $0x800  }
0x74: {  	[sflag:s29] =	ssyncset.done $0x0  }
0x75: {  	[sflag:s29] =	ssyncadd.s32 $0xFFFFF800  }
0x76: {  	s23 =	sadd.s32 $0x0, s25;
	[bflag:$0x0] =	sbarrier.arrive $0xFFFF  }
0x77: {  	[tilespmem:s4], [sflag:$0x5] =	stream.linear.gather [hbm4b:s23+s4], $0x100, $0x38;
	[tilespmem:$0x1FA00] =	vst v63  }
0x78: {  	_ =	swait.ge [sflag:s29], $0x100  }
0x79: {  	[sflag:s29] =	ssyncset.done $0x0  }
0x7a: {  	s26 =	sadd.s32 $0x0, s12;
	[sflag:s29] =	ssyncadd.s32 $0xFFFFFF00  }
0x7b: {  	[tilespmem:s31], [sflag:$0x5] =	stream.linear.gather [hbm4b:s26+s4], $0x100, $0x38;
	[tilespmem:$0x1FA00] =	vst v63  }
0x7c: {  	_ =	swait.ge [sflag:s29], $0x100  }
0x7d: {  	[sflag:s29] =	ssyncset.done $0x0  }
0x7e: {  	[sflag:s29] =	ssyncadd.s32 $0xFFFFFF00  }
0x7f: {  	[tilespmem:s28], [sflag:$0x1] =	stream.indirect.gather [hbm4b:s5+s0], $0x80, s4, s0, $0xb8;
	[tilespmem:$0x1FA00] =	vst v63  }
0x80: {  	_ = 	snop  }
0x81: {  	[tilespmem:s30], [sflag:$0x3] =	stream.indirect.gather [hbm4b:s7+s0], $0x10, s4, s0, $0xb8;
	[tilespmem:$0x1FA00] =	vst v63  }
0x82: {  	_ = 	snop  }
0x83: {  	[tilespmem:s9], [sflag:$0x2] =	stream.indirect.gather [hbm4b:s5+s0], $0x80, s0, s0, $0xb8;
	[tilespmem:$0x1FA00] =	vst v63  }
0x84: {  	_ = 	snop  }
0x85: {  	[tilespmem:s16], [sflag:$0x4] =	stream.indirect.gather [hbm4b:s7+s0], $0x10, s0, s0, $0xb8;
	[tilespmem:$0x1FA00] =	vst v63  }
0x86: {  	_ =	swait.ge [sflag:s17], $0x4000  }
0x87: {  	[sflag:s17] =	ssyncset.done $0x0  }
0x88: {  	[sflag:s17] =	ssyncadd.s32 $0xFFFFC000  }
0x89: {  	[spmem:s2] =	stream.indirect.scatter.add.f32 [tilespmem:s28], [sflag:$0x1], $0x80, s31, s0, $0xb8;
	[tilespmem:$0x1FA00] =	vst v63  }
0x8a: {  	_ =	swait.ge [sflag:s18], $0x800  }
0x8b: {  	[sflag:s18] =	ssyncset.done $0x0  }
0x8c: {  	[sflag:s18] =	ssyncadd.s32 $0xFFFFF800  }
0x8d: {  	[spmem:s3] =	stream.indirect.scatter.add.f32 [tilespmem:s30], [sflag:$0x3], $0x10, s31, s0, $0xb8;
	[tilespmem:$0x1FA00] =	vst v63  }
0x8e: {  	_ =	swait.ge [sflag:s19], $0x4000  }
0x8f: {  	[sflag:s19] =	ssyncset.done $0x0  }
0x90: {  	[sflag:s19] =	ssyncadd.s32 $0xFFFFC000  }
0x91: {  	[spmem:s2] =	stream.indirect.scatter.add.f32 [tilespmem:s9], [sflag:$0x2], $0x80, s20, s0, $0xb8;
	[tilespmem:$0x1FA00] =	vst v63  }
0x92: {  	_ =	swait.ge [sflag:s21], $0x800  }
0x93: {  	[sflag:s21] =	ssyncset.done $0x0  }
0x94: {  	[sflag:s21] =	ssyncadd.s32 $0xFFFFF800  }
0x95: {  	[spmem:s3] =	stream.indirect.scatter.add.f32 [tilespmem:s16], [sflag:$0x4], $0x10, s20, s0, $0xb8;
	[tilespmem:$0x1FA00] =	vst v63  }
0x96: {  	_ =	swait.ge [sflag:s17], $0x4000  }
0x97: {  	[sflag:s17] =	ssyncset.done $0x0  }
0x98: {  	[sflag:s17] =	ssyncadd.s32 $0xFFFFC000  }
0x99: {  	_ =	swait.ge [sflag:s18], $0x800  }
0x9a: {  	[sflag:s18] =	ssyncset.done $0x0  }
0x9b: {  	[sflag:s18] =	ssyncadd.s32 $0xFFFFF800  }
0x9c: {  	_ =	swait.ge [sflag:s19], $0x4000  }
0x9d: {  	[sflag:s19] =	ssyncset.done $0x0  }
0x9e: {  	[sflag:s19] =	ssyncadd.s32 $0xFFFFC000  }
0x9f: {  	_ =	swait.ge [sflag:s21], $0x800  }
0xa0: {  	s23 =	simm.s32 $0x20;
	s26 =	simm.s32 $0x40;
	[sflag:s21] =	ssyncset.done $0x0  }
.LBB2_3:
0xa1: {  	s8 =	sadd.s32 s23, s25  }
0xa2: {  	[sflag:s21] =	ssyncadd.s32 $0xFFFFF800;
	s11 =	smov.u32 s26;
	s1 =	sadd.s32 $0x20, s26  }
0xa3: {  	[tilespmem:s4], [sflag:$0x5] =	stream.linear.gather [hbm4b:s8+s4], $0x100, $0x38;
	[tilespmem:$0x1FA00] =	vst v63  }
0xa4: {  	p1 =	seq.s32 s26, $0x4E0;
	_ =	swait.ge [sflag:s29], $0x100  }
0xa5: {  	[sflag:s29] =	ssyncset.done $0x0  }
0xa6: {  	s8 =	sadd.s32 s23, s12;
	s23 =	smov.u32 s11;
	[sflag:s29] =	ssyncadd.s32 $0xFFFFFF00  }
0xa7: {  	[tilespmem:s31], [sflag:$0x5] =	stream.linear.gather [hbm4b:s8+s4], $0x100, $0x38;
	[tilespmem:$0x1FA00] =	vst v63  }
0xa8: {  	_ =	swait.ge [sflag:s29], $0x100  }
0xa9: {  	[sflag:s29] =	ssyncset.done $0x0  }
0xaa: {  	[sflag:s29] =	ssyncadd.s32 $0xFFFFFF00  }
0xab: {  	[tilespmem:s28], [sflag:$0x1] =	stream.indirect.gather [hbm4b:s5+s0], $0x80, s4, s0, $0xb8;
	[tilespmem:$0x1FA00] =	vst v63  }
0xac: {  	_ = 	snop  }
0xad: {  	[tilespmem:s30], [sflag:$0x3] =	stream.indirect.gather [hbm4b:s7+s0], $0x10, s4, s0, $0xb8;
	[tilespmem:$0x1FA00] =	vst v63  }
0xae: {  	_ = 	snop  }
0xaf: {  	[tilespmem:s9], [sflag:$0x2] =	stream.indirect.gather [hbm4b:s5+s0], $0x80, s0, s0, $0xb8;
	[tilespmem:$0x1FA00] =	vst v63  }
0xb0: {  	_ = 	snop  }
0xb1: {  	[tilespmem:s16], [sflag:$0x4] =	stream.indirect.gather [hbm4b:s7+s0], $0x10, s0, s0, $0xb8;
	[tilespmem:$0x1FA00] =	vst v63  }
0xb2: {  	_ =	swait.ge [sflag:s17], $0x4000  }
0xb3: {  	[sflag:s17] =	ssyncset.done $0x0  }
0xb4: {  	[sflag:s17] =	ssyncadd.s32 $0xFFFFC000  }
0xb5: {  	[spmem:s2] =	stream.indirect.scatter.add.f32 [tilespmem:s28], [sflag:$0x1], $0x80, s31, s0, $0xb8;
	[tilespmem:$0x1FA00] =	vst v63  }
0xb6: {  	_ =	swait.ge [sflag:s18], $0x800  }
0xb7: {  	[sflag:s18] =	ssyncset.done $0x0  }
0xb8: {  	[sflag:s18] =	ssyncadd.s32 $0xFFFFF800  }
0xb9: {  	[spmem:s3] =	stream.indirect.scatter.add.f32 [tilespmem:s30], [sflag:$0x3], $0x10, s31, s0, $0xb8;
	[tilespmem:$0x1FA00] =	vst v63  }
0xba: {  	_ =	swait.ge [sflag:s19], $0x4000  }
0xbb: {  	[sflag:s19] =	ssyncset.done $0x0  }
0xbc: {  	[sflag:s19] =	ssyncadd.s32 $0xFFFFC000  }
0xbd: {  	[spmem:s2] =	stream.indirect.scatter.add.f32 [tilespmem:s9], [sflag:$0x2], $0x80, s20, s0, $0xb8;
	[tilespmem:$0x1FA00] =	vst v63  }
0xbe: {  	_ =	swait.ge [sflag:s21], $0x800  }
0xbf: {  	[sflag:s21] =	ssyncset.done $0x0  }
0xc0: {  	[sflag:s21] =	ssyncadd.s32 $0xFFFFF800  }
0xc1: {  	[spmem:s3] =	stream.indirect.scatter.add.f32 [tilespmem:s16], [sflag:$0x4], $0x10, s20, s0, $0xb8;
	[tilespmem:$0x1FA00] =	vst v63  }
0xc2: {  	_ =	swait.ge [sflag:s17], $0x4000  }
0xc3: {  	[sflag:s17] =	ssyncset.done $0x0  }
0xc4: {  	[sflag:s17] =	ssyncadd.s32 $0xFFFFC000  }
0xc5: {  	_ =	swait.ge [sflag:s18], $0x800  }
0xc6: {  	[sflag:s18] =	ssyncset.done $0x0  }
0xc7: {  	[sflag:s18] =	ssyncadd.s32 $0xFFFFF800  }
.Ltmp3:
0xc8: {  	_ =	swait.ge [sflag:s19], $0x4000;
	(pc) =	sbr.rel @!p1 .LBB2_3-.Ltmp3, $4  }
0xc9: {  	[sflag:s19] =	ssyncset.done $0x0  }
0xca: {  	[sflag:s19] =	ssyncadd.s32 $0xFFFFC000  }
0xcb: {  	_ =	swait.ge [sflag:s21], $0x800  }
0xcc: {  	s26 =	smov.u32 s1;
	[sflag:s21] =	ssyncset.done $0x0  }
0xcd: {  	s1 =	sadd.s32 s23, s25;
	[sflag:s21] =	ssyncadd.s32 $0xFFFFF800  }
0xce: {  	[tilespmem:s4], [sflag:$0x5] =	stream.linear.gather [hbm4b:s1+s4], $0x100, $0x38;
	[tilespmem:$0x1FA00] =	vst v63  }
0xcf: {  	_ =	swait.ge [sflag:s29], $0x100  }
0xd0: {  	[sflag:s29] =	ssyncset.done $0x0  }
0xd1: {  	s8 =	sadd.s32 s23, s12;
	[sflag:s29] =	ssyncadd.s32 $0xFFFFFF00  }
0xd2: {  	[tilespmem:s31], [sflag:$0x5] =	stream.linear.gather [hbm4b:s8+s4], $0x100, $0x38;
	[tilespmem:$0x1FA00] =	vst v63  }
0xd3: {  	_ =	swait.ge [sflag:s29], $0x100  }
0xd4: {  	[sflag:s29] =	ssyncset.done $0x0  }
0xd5: {  	[sflag:s29] =	ssyncadd.s32 $0xFFFFFF00  }
0xd6: {  	[tilespmem:s28], [sflag:$0x1] =	stream.indirect.gather [hbm4b:s5+s0], $0x80, s4, s0, $0xb8;
	[tilespmem:$0x1FA00] =	vst v63  }
0xd7: {  	_ = 	snop  }
0xd8: {  	[tilespmem:s30], [sflag:$0x3] =	stream.indirect.gather [hbm4b:s7+s0], $0x10, s4, s0, $0xb8;
	[tilespmem:$0x1FA00] =	vst v63  }
0xd9: {  	_ = 	snop  }
0xda: {  	[tilespmem:s9], [sflag:$0x2] =	stream.indirect.gather [hbm4b:s5+s0], $0x80, s0, s0, $0xb8;
	[tilespmem:$0x1FA00] =	vst v63  }
0xdb: {  	_ = 	snop  }
0xdc: {  	[tilespmem:s16], [sflag:$0x4] =	stream.indirect.gather [hbm4b:s7+s0], $0x10, s0, s0, $0xb8;
	[tilespmem:$0x1FA00] =	vst v63  }
0xdd: {  	_ =	swait.ge [sflag:s17], $0x4000  }
0xde: {  	[sflag:s17] =	ssyncset.done $0x0  }
0xdf: {  	[sflag:s17] =	ssyncadd.s32 $0xFFFFC000  }
0xe0: {  	[spmem:s2] =	stream.indirect.scatter.add.f32 [tilespmem:s28], [sflag:$0x1], $0x80, s31, s0, $0xb8;
	[tilespmem:$0x1FA00] =	vst v63  }
0xe1: {  	_ =	swait.ge [sflag:s18], $0x800  }
0xe2: {  	[sflag:s18] =	ssyncset.done $0x0  }
0xe3: {  	[sflag:s18] =	ssyncadd.s32 $0xFFFFF800  }
0xe4: {  	[spmem:s3] =	stream.indirect.scatter.add.f32 [tilespmem:s30], [sflag:$0x3], $0x10, s31, s0, $0xb8;
	[tilespmem:$0x1FA00] =	vst v63  }
0xe5: {  	_ =	swait.ge [sflag:s19], $0x4000  }
0xe6: {  	[sflag:s19] =	ssyncset.done $0x0  }
0xe7: {  	[sflag:s19] =	ssyncadd.s32 $0xFFFFC000  }
0xe8: {  	[spmem:s2] =	stream.indirect.scatter.add.f32 [tilespmem:s9], [sflag:$0x2], $0x80, s20, s0, $0xb8;
	[tilespmem:$0x1FA00] =	vst v63  }
0xe9: {  	_ =	swait.ge [sflag:s21], $0x800  }
0xea: {  	[sflag:s21] =	ssyncset.done $0x0  }
0xeb: {  	[sflag:s21] =	ssyncadd.s32 $0xFFFFF800  }
0xec: {  	[spmem:s3] =	stream.indirect.scatter.add.f32 [tilespmem:s16], [sflag:$0x4], $0x10, s20, s0, $0xb8;
	[tilespmem:$0x1FA00] =	vst v63  }
0xed: {  	_ =	swait.ge [sflag:s17], $0x4000  }
0xee: {  	[sflag:s17] =	ssyncset.done $0x0  }
0xef: {  	[sflag:s17] =	ssyncadd.s32 $0xFFFFC000  }
0xf0: {  	_ =	swait.ge [sflag:s18], $0x800  }
0xf1: {  	[sflag:s18] =	ssyncset.done $0x0  }
0xf2: {  	[sflag:s18] =	ssyncadd.s32 $0xFFFFF800  }
0xf3: {  	_ =	swait.ge [sflag:s19], $0x4000  }
0xf4: {  	[sflag:s19] =	ssyncset.done $0x0  }
0xf5: {  	[sflag:s19] =	ssyncadd.s32 $0xFFFFC000  }
0xf6: {  	_ =	swait.ge [sflag:s21], $0x800  }
0xf7: {  	[sflag:s21] =	ssyncset.done $0x0  }
0xf8: {  	s11 =	stileid.u32;
	[sflag:s21] =	ssyncadd.s32 $0xFFFFF800  }
0xf9: {  	s1 =	sshll.u32 s11, $0x6;
	[bflag:$0x0] =	sbarrier.arrive $0xFFFF  }
0xfa: {  	s1 =	sor.u32 $0x1C05, s1;
	s8 =	sshrl.u32 s10, $0x3;
	s11 =	rddreg [dreg:$0xe]  }
0xfb: {  	[hbm:s11], [sflag:s1] =	dma.local [spmem:s8], $0x2800  }
0xfc: {  	_ =	swait.ge [sflag:s29], $0x2800  }
0xfd: {  	[sflag:s29] =	ssyncset.done $0x0;
	s23 =	rddreg [dreg:$0xf]  }
.Ltmp4:
0xfe: {  	s26 =	rddreg [dreg:$0x10];
	[sflag:s29] =	ssyncadd.s32 $0xFFFFD800;
	(pc) =	sbr.rel .LBB2_8-.Ltmp4, $4  }
0xff: {  	[hbm:s23], [sflag:s1] =	dma.local [spmem:s26], $0x500  }
0x100: {  	_ =	swait.ge [sflag:s29], $0x500  }
0x101: {  	[sflag:s29] =	ssyncset.done $0x0  }
0x102: {  	[sflag:s29] =	ssyncadd.s32 $0xFFFFFB00  }
.LBB2_5:
0x103: {  	[bflag:$0x0] =	sbarrier.arrive $0xFFFF;
	s1 =	sadd.s32 $0x0, s25  }
0x104: {  	[tilespmem:s4], [sflag:$0x5] =	stream.linear.gather [hbm4b:s1+s4], $0x100, $0x38;
	[tilespmem:$0x1FA00] =	vst v63  }
0x105: {  	_ =	swait.ge [sflag:s29], $0x100  }
0x106: {  	[sflag:s29] =	ssyncset.done $0x0  }
0x107: {  	s26 =	sadd.s32 $0x0, s12;
	[sflag:s29] =	ssyncadd.s32 $0xFFFFFF00  }
0x108: {  	[tilespmem:s31], [sflag:$0x5] =	stream.linear.gather [hbm4b:s26+s4], $0x100, $0x38;
	[tilespmem:$0x1FA00] =	vst v63  }
0x109: {  	_ =	swait.ge [sflag:s29], $0x100  }
0x10a: {  	[sflag:s29] =	ssyncset.done $0x0  }
0x10b: {  	[sflag:s29] =	ssyncadd.s32 $0xFFFFFF00  }
0x10c: {  	[tilespmem:s28], [sflag:$0x1] =	stream.indirect.gather [hbm4b:s6+s0], $0x80, s4, s0, $0xb8;
	[tilespmem:$0x1FA00] =	vst v63  }
0x10d: {  	_ = 	snop  }
0x10e: {  	[tilespmem:s9], [sflag:$0x2] =	stream.indirect.gather [hbm4b:s6+s0], $0x80, s0, s0, $0xb8;
	[tilespmem:$0x1FA00] =	vst v63  }
0x10f: {  	_ =	swait.ge [sflag:s17], $0x4000  }
0x110: {  	[sflag:s17] =	ssyncset.done $0x0  }
0x111: {  	[sflag:s17] =	ssyncadd.s32 $0xFFFFC000  }
0x112: {  	[spmem:s2] =	stream.indirect.scatter.add.f32 [tilespmem:s28], [sflag:$0x1], $0x80, s31, s0, $0xb8;
	[tilespmem:$0x1FA00] =	vst v63  }
0x113: {  	_ =	swait.ge [sflag:s19], $0x4000  }
0x114: {  	[sflag:s19] =	ssyncset.done $0x0  }
0x115: {  	[sflag:s19] =	ssyncadd.s32 $0xFFFFC000  }
0x116: {  	[spmem:s2] =	stream.indirect.scatter.add.f32 [tilespmem:s9], [sflag:$0x2], $0x80, s20, s0, $0xb8;
	[tilespmem:$0x1FA00] =	vst v63  }
0x117: {  	_ =	swait.ge [sflag:s17], $0x4000  }
0x118: {  	[sflag:s17] =	ssyncset.done $0x0  }
0x119: {  	[sflag:s17] =	ssyncadd.s32 $0xFFFFC000  }
0x11a: {  	_ =	swait.ge [sflag:s19], $0x4000  }
0x11b: {  	s23 =	simm.s32 $0x20;
	s1 =	simm.s32 $0x40;
	[sflag:s19] =	ssyncset.done $0x0  }
.LBB2_6:
0x11c: {  	s8 =	sadd.s32 s23, s25  }
0x11d: {  	[sflag:s19] =	ssyncadd.s32 $0xFFFFC000;
	s11 =	smov.u32 s1;
	s26 =	sadd.s32 $0x20, s1  }
0x11e: {  	[tilespmem:s4], [sflag:$0x5] =	stream.linear.gather [hbm4b:s8+s4], $0x100, $0x38;
	[tilespmem:$0x1FA00] =	vst v63  }
0x11f: {  	p1 =	sne.s32 s1, $0x4E0;
	_ =	swait.ge [sflag:s29], $0x100  }
0x120: {  	[sflag:s29] =	ssyncset.done $0x0  }
0x121: {  	s1 =	sadd.s32 s23, s12;
	s23 =	smov.u32 s11;
	[sflag:s29] =	ssyncadd.s32 $0xFFFFFF00  }
0x122: {  	[tilespmem:s31], [sflag:$0x5] =	stream.linear.gather [hbm4b:s1+s4], $0x100, $0x38;
	[tilespmem:$0x1FA00] =	vst v63  }
0x123: {  	_ =	swait.ge [sflag:s29], $0x100  }
0x124: {  	[sflag:s29] =	ssyncset.done $0x0  }
0x125: {  	[sflag:s29] =	ssyncadd.s32 $0xFFFFFF00  }
0x126: {  	[tilespmem:s28], [sflag:$0x1] =	stream.indirect.gather [hbm4b:s6+s0], $0x80, s4, s0, $0xb8;
	[tilespmem:$0x1FA00] =	vst v63  }
0x127: {  	_ = 	snop  }
0x128: {  	[tilespmem:s9], [sflag:$0x2] =	stream.indirect.gather [hbm4b:s6+s0], $0x80, s0, s0, $0xb8;
	[tilespmem:$0x1FA00] =	vst v63  }
0x129: {  	_ =	swait.ge [sflag:s17], $0x4000  }
0x12a: {  	[sflag:s17] =	ssyncset.done $0x0  }
0x12b: {  	[sflag:s17] =	ssyncadd.s32 $0xFFFFC000  }
0x12c: {  	[spmem:s2] =	stream.indirect.scatter.add.f32 [tilespmem:s28], [sflag:$0x1], $0x80, s31, s0, $0xb8;
	[tilespmem:$0x1FA00] =	vst v63  }
0x12d: {  	_ =	swait.ge [sflag:s19], $0x4000  }
0x12e: {  	[sflag:s19] =	ssyncset.done $0x0  }
0x12f: {  	[sflag:s19] =	ssyncadd.s32 $0xFFFFC000  }
0x130: {  	[spmem:s2] =	stream.indirect.scatter.add.f32 [tilespmem:s9], [sflag:$0x2], $0x80, s20, s0, $0xb8;
	[tilespmem:$0x1FA00] =	vst v63  }
.Ltmp5:
0x131: {  	_ =	swait.ge [sflag:s17], $0x4000;
	(pc) =	sbr.rel @p1 .LBB2_6-.Ltmp5, $4  }
0x132: {  	[sflag:s17] =	ssyncset.done $0x0  }
0x133: {  	[sflag:s17] =	ssyncadd.s32 $0xFFFFC000  }
0x134: {  	_ =	swait.ge [sflag:s19], $0x4000  }
0x135: {  	s1 =	smov.u32 s26;
	[sflag:s19] =	ssyncset.done $0x0  }
.Ltmp6:
0x136: {  	_ = 	snop;
	(pc) =	sbr.rel .LBB2_7-.Ltmp6, $1  }
0x137: {  	_ =	sdelay $0x3  }
.LBB2_9:
0x138: {  	_ =	sfence.sel $0x180000  }
0x139: {  	[bflag:$0x0] =	sbarrier.arrive $0xFFFF  }
0x13a: {  	_ =	strace $0x9000004A  }
0x13b: {  	s0 =	stileid.u32;
	[bflag:$0x2] =	sbarrier.arrive $0xFFFF  }
0x13c: {  	p0 =	sne.s32 s0, $0x0;
	s0 =	rddreg [dreg:$0x4]  }
0x13d: {  	s0 =	sadd.s32 @!p0 $0x100000, s0  }
0x13e: {  	[sflag:s0] =	ssyncadd.tile.s32 @!p0 $0x1;
	_ =	shalt  }
.Lfunc_end2:
_tile_overlayer_lowered:
.L_overlay_start_2:
0x13f: {  	(tag) =	ssettag $0x2  }
0x140: {  	s0 =	rddreg [dreg:$0x0];
	s2 =	stileid.u32  }
0x141: {  	s1 =	rddreg [dreg:$0x1];
	p0 =	sne.s32 s2, $0x0  }
0x142: {  	s3 =	rddreg [dreg:$0x2];
	[bflag:$0x3] =	sbarrier.arrive $0xFFFF;
	s2 =	simm.s32 @!p0 $0x1C05  }
0x143: {  	[timem:s3], [sflag:s2] =	dma.local @!p0 [hbm:s0], s1  }
0x144: {  	s0 =	simm.s32 @!p0 $0x5  }
0x145: {  	_ =	swait.ge @!p0 [sflag:s0], s1  }
0x146: {  	s1 =	ssub.s32 @!p0 $0x0, s1;
	[sflag:s0] =	ssyncset.done @!p0 $0x0  }
0x147: {  	[sflag:s0] =	ssyncadd.s32 @!p0 s1  }
0x148: {  	[bflag:$0x3] =	sbarrier.arrive $0xFFFF  }
0x149: {  	_ =	shalt  }

// kernel: kernel.14.cloned.1.call-start
scs
__scs_entry_jumppad:
0x0: {  	(pc) =	sbr.rel $0x88, $3  }
0x1: {  	(tag) =	ssettag $0x0;
	lr =	simm.s32 $0x1  }
0x2: {  	[smem:$0x3F9B] =	sst lr;
	_ =	strace $0xD0000000  }
0x3: {  	_ = 	snop  }
0x4: {  	_ = 	snop  }
0x5: {  	_ = 	snop  }
0x6: {  	_ = 	snop  }
0x7: {  	_ = 	snop  }
__scs_overlays_trampoline_lowered:
0x8: {  	[smem:$0x3FAA] =	sst s0  }
0x9: {  	[smem:$0x3FAB] =	sst s1  }
0xa: {  	[smem:$0x3FAC] =	sst s2  }
0xb: {  	[smem:$0x3FAD] =	sst s3  }
0xc: {  	[smem:$0x3FAE] =	sst s4  }
0xd: {  	[smem:$0x3FAF] =	sst s5  }
0xe: {  	[smem:$0x3FB0] =	sst s6  }
0xf: {  	[smem:$0x3FB1] =	sst s7  }
0x10: {  	[smem:$0x3FB2] =	sst s8  }
0x11: {  	[smem:$0x3FB3] =	sst s9;
	s0 =	simm.s32 @!p0 $0x0  }
0x12: {  	s1 =	sld [smem:$0x3F99];
	s0 =	simm.s32 @p0 $0x1  }
0x13: {  	[smem:$0x3FB4] =	sst s0;
	s0 =	simm.s32 @!p1 $0x0  }
0x14: {  	s2 =	sld [smem:$0x3F98];
	s0 =	simm.s32 @p1 $0x1  }
0x15: {  	[smem:$0x3FB5] =	sst s0;
	s0 =	simm.s32 @!p2 $0x0  }
0x16: {  	s3 =	sld [smem:$0x3FDB];
	s0 =	simm.s32 @p2 $0x1  }
0x17: {  	s4 =	simm.s32 $0x1BF5;
	[smem:$0x3FB7] =	sst s0  }
0x18: {  	s0 =	sld [smem:$0x3F9A];
	_ =	swait.ge [sflag:s4], $0x0  }
0x19: {  	s7 =	sld [smem:$0x3F9B]  }
0x1a: {  	s8 =	sadd.s32 $0xFFFFE003, lr  }
0x1b: {  	s9 =	sadd.s32 $0xFFFFFEF7, lr;
	s5 =	simm.s32 $0xFFFFFFFF;
	p2 =	slt.u32 s8, $0xFFFFF086  }
0x1c: {  	p1 =	slt.u32 s9, $0xF7A;
	s5 =	simm.s32 @!p2 $0x0  }
0x1d: {  	s5 =	simm.s32 @p1 $0x1;
	p0 =	seq.s32 s7, s2  }
0x1e: {  	s7 =	smul.u32 @!p0 $0xF7A, s2;
	p2 =	seq.s32 @!p0 s5, $0x0  }
0x1f: {  	s9 =	smul.u32 $0xF7A, s1;
	s8 =	simm.s32 @!p0 $0x1BF5;
	p2 =	por !p2, p0  }
0x20: {  	[sflag:s8] =	ssyncset.s32 @!p0 $0xFFFFF086;
	s6 =	sadd.s32 @!p0 s3, s7;
	s7 =	simm.s32 @!p0 $0x108  }
0x21: {  	s3 =	sadd.s32 s3, s9;
	s6 =	sadd.s32 @!p0 $0x88, s6;
	s7 =	simm.s32 @p2 $0x1082  }
0x22: {  	[simem:s7], [sflag:s8] =	dma.local @!p0 [hbm:s6], $0xF7A  }
0x23: {  	s9 =	sor.u32 $0xD0000000, s2;
	s6 =	simm.s32 $0x108;
	_ =	swait.ge @!p0 [sflag:s8], $0x0  }
0x24: {  	s3 =	sadd.s32 $0x88, s3;
	s6 =	simm.s32 @!p1 $0x1082;
	[sflag:s4] =	ssyncset.s32 $0xFFFFF086  }
0x25: {  	[simem:s6], [sflag:s4] =	dma.local [hbm:s3], $0xF7A  }
0x26: {  	[smem:$0x3F9B] =	sst s1;
	(tag) =	ssettag s2;
	_ =	strace s9  }
0x27: {  	s1 =	sld [smem:$0x3FAB]  }
0x28: {  	s2 =	sld [smem:$0x3FAC]  }
0x29: {  	s4 =	sld [smem:$0x3FAE]  }
0x2a: {  	p0 =	seq.s32 s5, $0x0;
	s5 =	sld [smem:$0x3FAF]  }
0x2b: {  	s6 =	sld [smem:$0x3FB0]  }
0x2c: {  	s7 =	sld [smem:$0x3FB1]  }
0x2d: {  	s3 =	simm.s32 $0x108;
	s8 =	sld [smem:$0x3FB2]  }
0x2e: {  	s3 =	simm.s32 @!p0 $0x1082;
	s9 =	sld [smem:$0x3FB3]  }
0x2f: {  	lr =	sadd.s32 s0, s3;
	s0 =	sld [smem:$0x3FAA]  }
0x30: {  	s3 =	sld [smem:$0x3FAD]  }
0x31: {  	[smem:$0x3FB6] =	sst s10  }
0x32: {  	s10 =	sld [smem:$0x3FB4];
	_ =	sdelay $0x3  }
0x33: {  	p0 =	seq.s32 s10, $0x1;
	s10 =	sld [smem:$0x3FB6];
	_ =	sdelay $0x3  }
0x34: {  	[smem:$0x3FB6] =	sst s10  }
0x35: {  	s10 =	sld [smem:$0x3FB5];
	_ =	sdelay $0x3  }
0x36: {  	p1 =	seq.s32 s10, $0x1;
	s10 =	sld [smem:$0x3FB6];
	_ =	sdelay $0x3  }
0x37: {  	[smem:$0x3FB6] =	sst s10  }
0x38: {  	s10 =	sld [smem:$0x3FB7]  }
0x39: {  	_ = 	snop;
	(pc) =	sbr.ind lr, $3  }
0x3a: {  	_ = 	snop  }
0x3b: {  	_ = 	snop  }
0x3c: {  	p2 =	seq.s32 s10, $0x1;
	s10 =	sld [smem:$0x3FB6]  }
0x3d: {  	_ =	shalt  }
0x3e: {  	_ =	shalt  }
0x3f: {  	_ =	shalt  }
0x40: {  	_ =	shalt  }
0x41: {  	_ =	shalt  }
0x42: {  	_ =	shalt  }
0x43: {  	_ =	shalt  }
0x44: {  	_ =	shalt  }
0x45: {  	_ =	shalt  }
0x46: {  	_ =	shalt  }
0x47: {  	_ =	shalt  }
0x48: {  	_ =	shalt  }
0x49: {  	_ =	shalt  }
0x4a: {  	_ =	shalt  }
0x4b: {  	_ =	shalt  }
0x4c: {  	_ =	shalt  }
0x4d: {  	_ =	shalt  }
0x4e: {  	_ =	shalt  }
0x4f: {  	_ =	shalt  }
0x50: {  	_ =	shalt  }
0x51: {  	_ =	shalt  }
0x52: {  	_ =	shalt  }
0x53: {  	_ =	shalt  }
0x54: {  	_ =	shalt  }
0x55: {  	_ =	shalt  }
0x56: {  	_ =	shalt  }
0x57: {  	_ =	shalt  }
0x58: {  	_ =	shalt  }
0x59: {  	_ =	shalt  }
0x5a: {  	_ =	shalt  }
0x5b: {  	_ =	shalt  }
0x5c: {  	_ =	shalt  }
0x5d: {  	_ =	shalt  }
0x5e: {  	_ =	shalt  }
0x5f: {  	_ =	shalt  }
0x60: {  	_ =	shalt  }
0x61: {  	_ =	shalt  }
0x62: {  	_ =	shalt  }
0x63: {  	_ =	shalt  }
0x64: {  	_ =	shalt  }
0x65: {  	_ =	shalt  }
0x66: {  	_ =	shalt  }
0x67: {  	_ =	shalt  }
0x68: {  	_ =	shalt  }
0x69: {  	_ =	shalt  }
0x6a: {  	_ =	shalt  }
0x6b: {  	_ =	shalt  }
0x6c: {  	_ =	shalt  }
0x6d: {  	_ =	shalt  }
0x6e: {  	_ =	shalt  }
0x6f: {  	_ =	shalt  }
0x70: {  	_ =	shalt  }
0x71: {  	_ =	shalt  }
0x72: {  	_ =	shalt  }
0x73: {  	_ =	shalt  }
0x74: {  	_ =	shalt  }
0x75: {  	_ =	shalt  }
0x76: {  	_ =	shalt  }
0x77: {  	_ =	shalt  }
0x78: {  	_ =	shalt  }
0x79: {  	_ =	shalt  }
0x7a: {  	_ =	shalt  }
0x7b: {  	_ =	shalt  }
0x7c: {  	_ =	shalt  }
0x7d: {  	_ =	shalt  }
0x7e: {  	_ =	shalt  }
0x7f: {  	_ =	shalt  }
0x80: {  	_ =	shalt  }
0x81: {  	_ =	shalt  }
0x82: {  	_ =	shalt  }
0x83: {  	_ =	shalt  }
0x84: {  	_ =	shalt  }
0x85: {  	_ =	shalt  }
0x86: {  	_ =	shalt  }
0x87: {  	_ =	shalt  }
.Lfunc_end0:
.L_simem_size_0:
called_computation.2_lowered:
.L_overlay_start_0:
0x88: {  	s2 =	sld [smem:$0x3FD9]  }
0x89: {  	s3 =	sld [smem:$0x3FFE];
	_ =	sdelay $0x1  }
0x8a: {  	s1 =	srdreg.scid  }
0x8b: {  	s0 =	sand.u32 $0x1, s1  }
0x8c: {  	s17 =	sshll.u32 s0, $0xA;
	s2 =	sadd.s32 s3, s2  }
0x8d: {  	s2 =	sadd.s32 s2, s17  }
0x8e: {  	[smem:$0x3FC2] =	sst s2  }
0x8f: {  	_ = 	snop  }
0x90: {  	s2 =	sld [smem:$0x3FD0];
	(tm) =	ssettm $0x1  }
0x91: {  	s18 =	sld [smem:$0x3FFB];
	_ =	sdelay $0x3  }
0x92: {  	_ =	strace s18  }
0x93: {  	s3 =	sld [smem:$0x3FFC];
	_ =	sdelay $0x3  }
0x94: {  	_ =	strace s3  }
0x95: {  	s3 =	sld [smem:$0x3FFD];
	_ =	sdelay $0x3  }
0x96: {  	_ =	strace s3  }
0x97: {  	_ =	strace $0x8FFFFFFF  }
0x98: {  	s19 =	sld [smem:$0x3FDB];
	_ =	sdelay $0x1  }
0x99: {  	s4 =	simm.s32 $_scs_section_size  }
0x9a: {  	s5 =	simm.s32 $_size__tile_overlayer_lowered;
	s6 =	simm.s32 $_tile_overlayer_lowered  }
0x9b: {  	s22 =	simm.s32 $0x1BFF;
	s21 =	sshll.u32 s6, $0x1;
	s3 =	sadd.s32 s4, s19  }
0x9c: {  	s7 =	simm.s32 $0x0;
	s20 =	sshll.u32 s5, $0x1;
	s5 =	sadd.s32 s21, s3  }
0x9d: {  	[timem:s7], [sflag:s22] =	dma.local [hbm:s5], s20  }
0x9e: {  	_ =	swait.ge [sflag:s22], s20  }
0x9f: {  	s4 =	ssub.s32 $0x0, s20;
	[sflag:s22] =	ssyncset.done $0x0  }
0xa0: {  	[sflag:s22] =	ssyncadd.s32 s4;
	_ =	sdelay $0x1  }
0xa1: {  	s23 =	simm.s32 $0x1B8B  }
0xa2: {  	_ =	swait.ge [sflag:s23], $0x1  }
0xa3: {  	[sflag:s23] =	ssyncset.done $0x0  }
0xa4: {  	s25 =	simm.s32 $0x1B8E;
	s24 =	sld [smem:$0x3FFE];
	[sflag:s23] =	ssyncadd.s32 $0xFFFFFFFF  }
0xa5: {  	s26 =	simm.s32 $execute0_lowered;
	[smem:$0x3FD2] =	sst s25  }
0xa6: {  	s5 =	sshll.u32 s26, $0x1;
	_ =	strace $0x8000004C;
	[dreg:$0x1] =	wrdreg $0xFFFFFFFF  }
0xa7: {  	s28 =	simm.s32 $_size_execute0_lowered;
	s3 =	sadd.s32 s3, s5;
	[dreg:$0x0] =	wrdreg $0x0  }
0xa8: {  	s5 =	sshll.u32 s28, $0x1;
	[dreg:$0x2] =	wrdreg s3  }
0xa9: {  	[dreg:$0x3] =	wrdreg s5  }
0xaa: {  	[dreg:$0x4] =	wrdreg $0xC0  }
0xab: {  	_ =	task [dreg:s7], $0x5FFFF  }
0xac: {  	[dreg:$0x1] =	wrdreg $0xFFFFFFFF  }
0xad: {  	[dreg:$0x0] =	wrdreg $0x60  }
0xae: {  	[dreg:$0x2] =	wrdreg s24  }
0xaf: {  	[dreg:$0x3] =	wrdreg s2  }
0xb0: {  	[dreg:$0x4] =	wrdreg $0x84000  }
0xb1: {  	[dreg:$0x5] =	wrdreg $0x9  }
0xb2: {  	_ =	task.clear_ibuf [dreg:s7], $0x6FFFF;
	_ =	strace $0x9000004C  }
0xb3: {  	s29 =	simm.s32 $0x9;
	_ =	strace $0x8000004E  }
0xb4: {  	_ =	swait.ge [sflag:s29], $0x1  }
0xb5: {  	[sflag:s29] =	ssyncadd.s32 $0xFFFFFFFF  }
0xb6: {  	_ =	strace $0x9000004E  }
0xb7: {  	_ =	sfence  }
0xb8: {  	s30 =	sld [smem:$0x0];
	_ =	sdelay $0x2  }
0xb9: {  	s31 =	sshll.u32 s1, $0xD;
	s1 =	sshrl.u32 s1, $0x2  }
0xba: {  	s3 =	sand.u32 $0x4000, s31;
	s1 =	sadd.s32 s1, s30  }
0xbb: {  	s0 =	sor.u32 s3, s0;
	s1 =	sshll.u32 s1, $0x11  }
0xbc: {  	s0 =	sor.u32 s1, s0  }
0xbd: {  	s0 =	sadd.s32 $0x8F2B, s0  }
0xbe: {  	[sflag:s0] =	ssyncadd.remote.s32 $0x1  }
0xbf: {  	_ =	sfence.sel $0xFFFF  }
0xc0: {  	[dreg:$0x0] =	wrdreg $0xFFFFFFFF;
	(pc) =	sbr.abs _section_cstart, $3  }
0xc1: {  	[dreg:$0x1] =	wrdreg $0xFFFFFFFF  }
0xc2: {  	_ =	task.clear_ibuf [dreg:s7], $0x2FFFF;
	_ =	strace $0x9FFFFFFF  }
0xc3: {  	(tm) =	ssettm $0x7FFFFFFF  }
tec
execute0_lowered:
.L_overlay_start_1:
0x0: {  	(tag) =	ssettag $0x1  }
0x1: {  	s0 =	rddreg [dreg:$0x0]  }
0x2: {  	s1 =	rddreg [dreg:$0x1]  }
0x3: {  	s3 =	srdreg.scid;
	s2 =	rddreg [dreg:$0x2]  }
0x4: {  	s9 =	stileid.u32;
	s15 =	simm.s32 $0x400;
	s16 =	simm.s32 $0x5  }
0x5: {  	s17 =	simm.s32 $0x200;
	s18 =	simm.s32 $0x80;
	s19 =	simm.s32 $0x2400  }
0x6: {  	s20 =	simm.s32 $0x100;
	s28 =	simm.s32 $0x3;
	s6 =	smul.u32 $0x1400, s9  }
0x7: {  	s29 =	simm.s32 $0x300;
	s30 =	simm.s32 $0x4;
	s21 =	smul.u32 $0x28000, s9  }
0x8: {  	s31 =	simm.s32 $0x380;
	s5 =	sand.u32 $0x1, s3;
	s11 =	smul.u32 $0xA000, s9  }
0x9: {  	s3 =	simm.s32 $0x0;
	s22 =	sadd.s32 $0x75800, s0;
	s4 =	smul.u32 $0x14000, s5  }
0xa: {  	[smem:$0x7FF] =	sst s3;
	s8 =	ssub.s32 $0x2, s5;
	p0 =	seq.s32 s5, $0x1  }
0xb: {  	s5 =	simm.s32 $0x75C00;
	_ =	strace $0x8000004D;
	[dreg:$0x4] =	wrdreg s22  }
0xc: {  	s23 =	sshrl.u32 s8, $0x1;
	s10 =	sshrl.u32 s21, $0x2;
	s5 =	simm.s32 @!p0 $0x89C00  }
0xd: {  	s13 =	sshrl.u32 s11, $0x3;
	s21 =	simm.s32 $0x4400;
	s22 =	simm.s32 $0x180  }
0xe: {  	s6 =	sadd.s32 s6, s4;
	s4 =	sadd.s32 $0x61800, s0;
	s12 =	ssub.s32 s8, s23  }
0xf: {  	s10 =	sadd.s32 s10, s2;
	s23 =	simm.s32 $0x6400;
	s7 =	sshrl.u32 s6, $0x3  }
0x10: {  	s6 =	sadd.s32 s11, s2;
	s24 =	sadd.s32 $0x2000, s10;
	s25 =	sadd.s32 $0x4000, s10  }
0x11: {  	s26 =	sadd.s32 $0x6000, s10;
	s10 =	sadd.s32 $0x8000, s10;
	[dreg:$0x5] =	wrdreg s24  }
0x12: {  	s11 =	smax.u32 s12, $0x1;
	s14 =	sadd.s32 s7, s0;
	[dreg:$0x6] =	wrdreg s25  }
0x13: {  	[dreg:$0x7] =	wrdreg s26;
	s0 =	sadd.s32 s5, s0;
	s24 =	simm.s32 $0x1  }
0x14: {  	s25 =	simm.s32 $0x2;
	s26 =	simm.s32 $0x280;
	s12 =	sadd.s32 s0, s13  }
0x15: {  	s13 =	sadd.s32 s7, s1;
	s14 =	sadd.s32 $0x5C800, s14;
	s0 =	simm.s32 $0x0  }
.LBB2_1:
0x16: {  	s1 =	rddreg [dreg:$0x4]  }
0x17: {  	[tilespmem:s15], [sflag:$0x5] =	stream.linear.gather [hbm4b:s1+s3], $0x2000, $0x38;
	[tilespmem:$0x12400] =	vst v63  }
0x18: {  	_ =	swait.ge [sflag:s16], $0x2000  }
0x19: {  	[sflag:s16] =	ssyncset.done $0x0  }
0x1a: {  	[sflag:s16] =	ssyncadd.s32 $0xFFFFE000  }
0x1b: {  	[spmem:s6] =	stream.linear.scatter [tilespmem:s15], [sflag:$0x5], $0x2000, $0x38;
	[tilespmem:$0x12400] =	vst v63  }
0x1c: {  	_ =	swait.ge [sflag:s16], $0x2000  }
0x1d: {  	[sflag:s16] =	ssyncset.done $0x0  }
0x1e: {  	s9 =	rddreg [dreg:$0x5];
	[sflag:s16] =	ssyncadd.s32 $0xFFFFE000  }
0x1f: {  	[spmem:s9] =	stream.linear.scatter [tilespmem:s15], [sflag:$0x5], $0x2000, $0x38;
	[tilespmem:$0x12400] =	vst v63  }
0x20: {  	_ =	swait.ge [sflag:s16], $0x2000  }
0x21: {  	[sflag:s16] =	ssyncset.done $0x0  }
0x22: {  	s5 =	rddreg [dreg:$0x6];
	[sflag:s16] =	ssyncadd.s32 $0xFFFFE000  }
0x23: {  	[spmem:s5] =	stream.linear.scatter [tilespmem:s15], [sflag:$0x5], $0x2000, $0x38;
	[tilespmem:$0x12400] =	vst v63  }
0x24: {  	_ =	swait.ge [sflag:s16], $0x2000  }
0x25: {  	[sflag:s16] =	ssyncset.done $0x0  }
0x26: {  	s7 =	rddreg [dreg:$0x7];
	[sflag:s16] =	ssyncadd.s32 $0xFFFFE000  }
0x27: {  	[spmem:s7] =	stream.linear.scatter [tilespmem:s15], [sflag:$0x5], $0x2000, $0x38;
	[tilespmem:$0x12400] =	vst v63  }
0x28: {  	_ =	swait.ge [sflag:s16], $0x2000  }
0x29: {  	[sflag:s16] =	ssyncset.done $0x0  }
0x2a: {  	[sflag:s16] =	ssyncadd.s32 $0xFFFFE000  }
0x2b: {  	[spmem:s10] =	stream.linear.scatter [tilespmem:s15], [sflag:$0x5], $0x2000, $0x38;
	[tilespmem:$0x12400] =	vst v63  }
0x2c: {  	_ =	swait.ge [sflag:s16], $0x2000  }
0x2d: {  	[sflag:s16] =	ssyncset.done $0x0  }
0x2e: {  	[sflag:s16] =	ssyncadd.s32 $0xFFFFE000  }
0x2f: {  	s8 =	sadd.s32 $0x0, s14;
	[bflag:$0x0] =	sbarrier.arrive $0xFFFF  }
0x30: {  	[tilespmem:s3], [sflag:$0x5] =	stream.linear.gather [hbm4b:s8+s3], $0x200, $0x38;
	[tilespmem:$0x12400] =	vst v63  }
0x31: {  	_ =	swait.ge [sflag:s16], $0x200  }
0x32: {  	[sflag:s16] =	ssyncset.done $0x0  }
0x33: {  	s9 =	sadd.s32 $0x0, s13;
	[sflag:s16] =	ssyncadd.s32 $0xFFFFFE00  }
0x34: {  	[tilespmem:s17], [sflag:$0x5] =	stream.linear.gather [hbm4b:s9+s3], $0x200, $0x38;
	[tilespmem:$0x12400] =	vst v63  }
0x35: {  	_ =	swait.ge [sflag:s16], $0x200  }
0x36: {  	[sflag:s16] =	ssyncset.done $0x0  }
0x37: {  	[sflag:s16] =	ssyncadd.s32 $0xFFFFFE00  }
0x38: {  	[tilespmem:s15], [sflag:$0x1] =	stream.indirect.gather [hbm4b:s4+s18], $0x40, s3, s18, $0xb8;
	[tilespmem:$0x12400] =	vst v63  }
0x39: {  	_ = 	snop  }
0x3a: {  	[tilespmem:s19], [sflag:$0x2] =	stream.indirect.gather [hbm4b:s4+s18], $0x40, s18, s18, $0xb8;
	[tilespmem:$0x12400] =	vst v63  }
0x3b: {  	_ = 	snop  }
0x3c: {  	[tilespmem:s21], [sflag:$0x3] =	stream.indirect.gather [hbm4b:s4+s18], $0x40, s20, s18, $0xb8;
	[tilespmem:$0x12400] =	vst v63  }
0x3d: {  	_ = 	snop  }
0x3e: {  	[tilespmem:s23], [sflag:$0x4] =	stream.indirect.gather [hbm4b:s4+s18], $0x40, s22, s18, $0xb8;
	[tilespmem:$0x12400] =	vst v63  }
0x3f: {  	_ =	swait.ge [sflag:s24], $0x2000  }
0x40: {  	[sflag:s24] =	ssyncset.done $0x0  }
0x41: {  	[sflag:s24] =	ssyncadd.s32 $0xFFFFE000  }
0x42: {  	[spmem:s2] =	stream.indirect.scatter.add.f32 [tilespmem:s15], [sflag:$0x1], $0x40, s17, s18, $0xb8;
	[tilespmem:$0x12400] =	vst v63  }
0x43: {  	_ =	swait.ge [sflag:s25], $0x2000  }
0x44: {  	[sflag:s25] =	ssyncset.done $0x0  }
0x45: {  	[sflag:s25] =	ssyncadd.s32 $0xFFFFE000  }
0x46: {  	[spmem:s2] =	stream.indirect.scatter.add.f32 [tilespmem:s19], [sflag:$0x2], $0x40, s26, s18, $0xb8;
	[tilespmem:$0x12400] =	vst v63  }
0x47: {  	_ =	swait.ge [sflag:s28], $0x2000  }
0x48: {  	[sflag:s28] =	ssyncset.done $0x0  }
0x49: {  	[sflag:s28] =	ssyncadd.s32 $0xFFFFE000  }
0x4a: {  	[spmem:s2] =	stream.indirect.scatter.add.f32 [tilespmem:s21], [sflag:$0x3], $0x40, s29, s18, $0xb8;
	[tilespmem:$0x12400] =	vst v63  }
0x4b: {  	_ =	swait.ge [sflag:s30], $0x2000  }
0x4c: {  	[sflag:s30] =	ssyncset.done $0x0  }
0x4d: {  	[sflag:s30] =	ssyncadd.s32 $0xFFFFE000  }
0x4e: {  	[spmem:s2] =	stream.indirect.scatter.add.f32 [tilespmem:s23], [sflag:$0x4], $0x40, s31, s18, $0xb8;
	[tilespmem:$0x12400] =	vst v63  }
0x4f: {  	_ =	swait.ge [sflag:s24], $0x2000  }
0x50: {  	[sflag:s24] =	ssyncset.done $0x0  }
0x51: {  	[sflag:s24] =	ssyncadd.s32 $0xFFFFE000  }
0x52: {  	_ =	swait.ge [sflag:s25], $0x2000  }
0x53: {  	[sflag:s25] =	ssyncset.done $0x0  }
0x54: {  	[sflag:s25] =	ssyncadd.s32 $0xFFFFE000  }
0x55: {  	_ =	swait.ge [sflag:s28], $0x2000  }
0x56: {  	[sflag:s28] =	ssyncset.done $0x0  }
0x57: {  	[sflag:s28] =	ssyncadd.s32 $0xFFFFE000  }
0x58: {  	_ =	swait.ge [sflag:s30], $0x2000  }
0x59: {  	s1 =	simm.s32 $0x40;
	s5 =	simm.s32 $0x80;
	[sflag:s30] =	ssyncset.done $0x0  }
.LBB2_2:
0x5a: {  	s8 =	sadd.s32 s1, s14  }
0x5b: {  	[sflag:s30] =	ssyncadd.s32 $0xFFFFE000;
	s9 =	smov.u32 s5;
	s7 =	sadd.s32 $0x40, s5  }
0x5c: {  	[tilespmem:s3], [sflag:$0x5] =	stream.linear.gather [hbm4b:s8+s3], $0x200, $0x38;
	[tilespmem:$0x12400] =	vst v63  }
0x5d: {  	p0 =	sne.s32 s5, $0x240;
	_ =	swait.ge [sflag:s16], $0x200  }
0x5e: {  	[sflag:s16] =	ssyncset.done $0x0  }
0x5f: {  	s5 =	sadd.s32 s1, s13;
	s1 =	smov.u32 s9;
	[sflag:s16] =	ssyncadd.s32 $0xFFFFFE00  }
0x60: {  	[tilespmem:s17], [sflag:$0x5] =	stream.linear.gather [hbm4b:s5+s3], $0x200, $0x38;
	[tilespmem:$0x12400] =	vst v63  }
0x61: {  	_ =	swait.ge [sflag:s16], $0x200  }
0x62: {  	[sflag:s16] =	ssyncset.done $0x0  }
0x63: {  	[sflag:s16] =	ssyncadd.s32 $0xFFFFFE00  }
0x64: {  	[tilespmem:s15], [sflag:$0x1] =	stream.indirect.gather [hbm4b:s4+s18], $0x40, s3, s18, $0xb8;
	[tilespmem:$0x12400] =	vst v63  }
0x65: {  	_ = 	snop  }
0x66: {  	[tilespmem:s19], [sflag:$0x2] =	stream.indirect.gather [hbm4b:s4+s18], $0x40, s18, s18, $0xb8;
	[tilespmem:$0x12400] =	vst v63  }
0x67: {  	_ = 	snop  }
0x68: {  	[tilespmem:s21], [sflag:$0x3] =	stream.indirect.gather [hbm4b:s4+s18], $0x40, s20, s18, $0xb8;
	[tilespmem:$0x12400] =	vst v63  }
0x69: {  	_ = 	snop  }
0x6a: {  	[tilespmem:s23], [sflag:$0x4] =	stream.indirect.gather [hbm4b:s4+s18], $0x40, s22, s18, $0xb8;
	[tilespmem:$0x12400] =	vst v63  }
0x6b: {  	_ =	swait.ge [sflag:s24], $0x2000  }
0x6c: {  	[sflag:s24] =	ssyncset.done $0x0  }
0x6d: {  	[sflag:s24] =	ssyncadd.s32 $0xFFFFE000  }
0x6e: {  	[spmem:s2] =	stream.indirect.scatter.add.f32 [tilespmem:s15], [sflag:$0x1], $0x40, s17, s18, $0xb8;
	[tilespmem:$0x12400] =	vst v63  }
0x6f: {  	_ =	swait.ge [sflag:s25], $0x2000  }
0x70: {  	[sflag:s25] =	ssyncset.done $0x0  }
0x71: {  	[sflag:s25] =	ssyncadd.s32 $0xFFFFE000  }
0x72: {  	[spmem:s2] =	stream.indirect.scatter.add.f32 [tilespmem:s19], [sflag:$0x2], $0x40, s26, s18, $0xb8;
	[tilespmem:$0x12400] =	vst v63  }
0x73: {  	_ =	swait.ge [sflag:s28], $0x2000  }
0x74: {  	[sflag:s28] =	ssyncset.done $0x0  }
0x75: {  	[sflag:s28] =	ssyncadd.s32 $0xFFFFE000  }
0x76: {  	[spmem:s2] =	stream.indirect.scatter.add.f32 [tilespmem:s21], [sflag:$0x3], $0x40, s29, s18, $0xb8;
	[tilespmem:$0x12400] =	vst v63  }
0x77: {  	_ =	swait.ge [sflag:s30], $0x2000  }
0x78: {  	[sflag:s30] =	ssyncset.done $0x0  }
0x79: {  	[sflag:s30] =	ssyncadd.s32 $0xFFFFE000  }
0x7a: {  	[spmem:s2] =	stream.indirect.scatter.add.f32 [tilespmem:s23], [sflag:$0x4], $0x40, s31, s18, $0xb8;
	[tilespmem:$0x12400] =	vst v63  }
0x7b: {  	_ =	swait.ge [sflag:s24], $0x2000  }
0x7c: {  	[sflag:s24] =	ssyncset.done $0x0  }
0x7d: {  	[sflag:s24] =	ssyncadd.s32 $0xFFFFE000  }
0x7e: {  	_ =	swait.ge [sflag:s25], $0x2000  }
0x7f: {  	[sflag:s25] =	ssyncset.done $0x0  }
0x80: {  	[sflag:s25] =	ssyncadd.s32 $0xFFFFE000  }
.Ltmp0:
0x81: {  	_ =	swait.ge [sflag:s28], $0x2000;
	(pc) =	sbr.rel @p0 .LBB2_2-.Ltmp0, $4  }
0x82: {  	[sflag:s28] =	ssyncset.done $0x0  }
0x83: {  	[sflag:s28] =	ssyncadd.s32 $0xFFFFE000  }
0x84: {  	_ =	swait.ge [sflag:s30], $0x2000  }
0x85: {  	s5 =	smov.u32 s7;
	[sflag:s30] =	ssyncset.done $0x0  }
0x86: {  	s5 =	sadd.s32 s1, s14;
	[sflag:s30] =	ssyncadd.s32 $0xFFFFE000  }
0x87: {  	[tilespmem:s3], [sflag:$0x5] =	stream.linear.gather [hbm4b:s5+s3], $0x200, $0x38;
	[tilespmem:$0x12400] =	vst v63  }
0x88: {  	_ =	swait.ge [sflag:s16], $0x200  }
0x89: {  	[sflag:s16] =	ssyncset.done $0x0  }
0x8a: {  	s7 =	sadd.s32 s1, s13;
	[sflag:s16] =	ssyncadd.s32 $0xFFFFFE00  }
0x8b: {  	[tilespmem:s17], [sflag:$0x5] =	stream.linear.gather [hbm4b:s7+s3], $0x200, $0x38;
	[tilespmem:$0x12400] =	vst v63  }
0x8c: {  	_ =	swait.ge [sflag:s16], $0x200  }
0x8d: {  	[sflag:s16] =	ssyncset.done $0x0  }
0x8e: {  	[sflag:s16] =	ssyncadd.s32 $0xFFFFFE00  }
0x8f: {  	[tilespmem:s15], [sflag:$0x1] =	stream.indirect.gather [hbm4b:s4+s18], $0x40, s3, s18, $0xb8;
	[tilespmem:$0x12400] =	vst v63  }
0x90: {  	_ = 	snop  }
0x91: {  	[tilespmem:s19], [sflag:$0x2] =	stream.indirect.gather [hbm4b:s4+s18], $0x40, s18, s18, $0xb8;
	[tilespmem:$0x12400] =	vst v63  }
0x92: {  	_ = 	snop  }
0x93: {  	[tilespmem:s21], [sflag:$0x3] =	stream.indirect.gather [hbm4b:s4+s18], $0x40, s20, s18, $0xb8;
	[tilespmem:$0x12400] =	vst v63  }
0x94: {  	_ = 	snop  }
0x95: {  	[tilespmem:s23], [sflag:$0x4] =	stream.indirect.gather [hbm4b:s4+s18], $0x40, s22, s18, $0xb8;
	[tilespmem:$0x12400] =	vst v63  }
0x96: {  	_ =	swait.ge [sflag:s24], $0x2000  }
0x97: {  	[sflag:s24] =	ssyncset.done $0x0  }
0x98: {  	[sflag:s24] =	ssyncadd.s32 $0xFFFFE000  }
0x99: {  	[spmem:s2] =	stream.indirect.scatter.add.f32 [tilespmem:s15], [sflag:$0x1], $0x40, s17, s18, $0xb8;
	[tilespmem:$0x12400] =	vst v63  }
0x9a: {  	_ =	swait.ge [sflag:s25], $0x2000  }
0x9b: {  	[sflag:s25] =	ssyncset.done $0x0  }
0x9c: {  	[sflag:s25] =	ssyncadd.s32 $0xFFFFE000  }
0x9d: {  	[spmem:s2] =	stream.indirect.scatter.add.f32 [tilespmem:s19], [sflag:$0x2], $0x40, s26, s18, $0xb8;
	[tilespmem:$0x12400] =	vst v63  }
0x9e: {  	_ =	swait.ge [sflag:s28], $0x2000  }
0x9f: {  	[sflag:s28] =	ssyncset.done $0x0  }
0xa0: {  	[sflag:s28] =	ssyncadd.s32 $0xFFFFE000  }
0xa1: {  	[spmem:s2] =	stream.indirect.scatter.add.f32 [tilespmem:s21], [sflag:$0x3], $0x40, s29, s18, $0xb8;
	[tilespmem:$0x12400] =	vst v63  }
0xa2: {  	_ =	swait.ge [sflag:s30], $0x2000  }
0xa3: {  	[sflag:s30] =	ssyncset.done $0x0  }
0xa4: {  	[sflag:s30] =	ssyncadd.s32 $0xFFFFE000  }
0xa5: {  	[spmem:s2] =	stream.indirect.scatter.add.f32 [tilespmem:s23], [sflag:$0x4], $0x40, s31, s18, $0xb8;
	[tilespmem:$0x12400] =	vst v63  }
0xa6: {  	_ =	swait.ge [sflag:s24], $0x2000  }
0xa7: {  	[sflag:s24] =	ssyncset.done $0x0  }
0xa8: {  	[sflag:s24] =	ssyncadd.s32 $0xFFFFE000  }
0xa9: {  	_ =	swait.ge [sflag:s25], $0x2000  }
0xaa: {  	[sflag:s25] =	ssyncset.done $0x0  }
0xab: {  	[sflag:s25] =	ssyncadd.s32 $0xFFFFE000  }
0xac: {  	_ =	swait.ge [sflag:s28], $0x2000  }
0xad: {  	[sflag:s28] =	ssyncset.done $0x0  }
0xae: {  	[sflag:s28] =	ssyncadd.s32 $0xFFFFE000  }
0xaf: {  	s8 =	stileid.u32;
	_ =	swait.ge [sflag:s30], $0x2000  }
0xb0: {  	s9 =	sshrl.u32 s6, $0x3;
	s0 =	sadd.s32 $0x1, s0;
	[sflag:s30] =	ssyncset.done $0x0  }
0xb1: {  	s1 =	sshll.u32 s8, $0x6;
	p0 =	sne.s32 s0, s11;
	[sflag:s30] =	ssyncadd.s32 $0xFFFFE000  }
.Ltmp1:
0xb2: {  	s1 =	sor.u32 $0x1C05, s1;
	[bflag:$0x0] =	sbarrier.arrive $0xFFFF;
	(pc) =	sbr.rel @p0 .LBB2_1-.Ltmp1, $4  }
0xb3: {  	[hbm:s12], [sflag:s1] =	dma.local [spmem:s9], $0x1400  }
0xb4: {  	_ =	swait.ge [sflag:s16], $0x1400  }
0xb5: {  	[sflag:s16] =	ssyncset.done $0x0  }
0xb6: {  	[sflag:s16] =	ssyncadd.s32 $0xFFFFEC00  }
0xb7: {  	_ =	sfence.sel $0x180000  }
0xb8: {  	[bflag:$0x0] =	sbarrier.arrive $0xFFFF  }
0xb9: {  	_ =	strace $0x9000004D  }
0xba: {  	s0 =	stileid.u32;
	[bflag:$0x2] =	sbarrier.arrive $0xFFFF  }
0xbb: {  	p0 =	sne.s32 s0, $0x0;
	s0 =	rddreg [dreg:$0x3]  }
0xbc: {  	s0 =	sadd.s32 @!p0 $0x100000, s0  }
0xbd: {  	[sflag:s0] =	ssyncadd.tile.s32 @!p0 $0x1;
	_ =	shalt  }
.Lfunc_end2:
_tile_overlayer_lowered:
.L_overlay_start_2:
0xbe: {  	(tag) =	ssettag $0x2  }
0xbf: {  	s0 =	rddreg [dreg:$0x0];
	s2 =	stileid.u32  }
0xc0: {  	s1 =	rddreg [dreg:$0x1];
	p0 =	sne.s32 s2, $0x0  }
0xc1: {  	s3 =	rddreg [dreg:$0x2];
	[bflag:$0x3] =	sbarrier.arrive $0xFFFF;
	s2 =	simm.s32 @!p0 $0x1C05  }
0xc2: {  	[timem:s3], [sflag:s2] =	dma.local @!p0 [hbm:s0], s1  }
0xc3: {  	s0 =	simm.s32 @!p0 $0x5  }
0xc4: {  	_ =	swait.ge @!p0 [sflag:s0], s1  }
0xc5: {  	s1 =	ssub.s32 @!p0 $0x0, s1;
	[sflag:s0] =	ssyncset.done @!p0 $0x0  }
0xc6: {  	[sflag:s0] =	ssyncadd.s32 @!p0 s1  }
0xc7: {  	[bflag:$0x3] =	sbarrier.arrive $0xFFFF  }
0xc8: {  	_ =	shalt  }

// kernel: kernel.8.cloned.1.call-start
scs
__scs_entry_jumppad:
0x0: {  	(pc) =	sbr.rel $0x88, $3  }
0x1: {  	(tag) =	ssettag $0x0;
	lr =	simm.s32 $0x1  }
0x2: {  	[smem:$0x3F9B] =	sst lr;
	_ =	strace $0xD0000000  }
0x3: {  	_ = 	snop  }
0x4: {  	_ = 	snop  }
0x5: {  	_ = 	snop  }
0x6: {  	_ = 	snop  }
0x7: {  	_ = 	snop  }
__scs_overlays_trampoline_lowered:
0x8: {  	[smem:$0x3FAA] =	sst s0  }
0x9: {  	[smem:$0x3FAB] =	sst s1  }
0xa: {  	[smem:$0x3FAC] =	sst s2  }
0xb: {  	[smem:$0x3FAD] =	sst s3  }
0xc: {  	[smem:$0x3FAE] =	sst s4  }
0xd: {  	[smem:$0x3FAF] =	sst s5  }
0xe: {  	[smem:$0x3FB0] =	sst s6  }
0xf: {  	[smem:$0x3FB1] =	sst s7  }
0x10: {  	[smem:$0x3FB2] =	sst s8  }
0x11: {  	[smem:$0x3FB3] =	sst s9;
	s0 =	simm.s32 @!p0 $0x0  }
0x12: {  	s1 =	sld [smem:$0x3F99];
	s0 =	simm.s32 @p0 $0x1  }
0x13: {  	[smem:$0x3FB4] =	sst s0;
	s0 =	simm.s32 @!p1 $0x0  }
0x14: {  	s2 =	sld [smem:$0x3F98];
	s0 =	simm.s32 @p1 $0x1  }
0x15: {  	[smem:$0x3FB5] =	sst s0;
	s0 =	simm.s32 @!p2 $0x0  }
0x16: {  	s3 =	sld [smem:$0x3FDB];
	s0 =	simm.s32 @p2 $0x1  }
0x17: {  	s4 =	simm.s32 $0x1BF5;
	[smem:$0x3FB7] =	sst s0  }
0x18: {  	s0 =	sld [smem:$0x3F9A];
	_ =	swait.ge [sflag:s4], $0x0  }
0x19: {  	s7 =	sld [smem:$0x3F9B]  }
0x1a: {  	s8 =	sadd.s32 $0xFFFFE003, lr  }
0x1b: {  	s9 =	sadd.s32 $0xFFFFFEF7, lr;
	s5 =	simm.s32 $0xFFFFFFFF;
	p2 =	slt.u32 s8, $0xFFFFF086  }
0x1c: {  	p1 =	slt.u32 s9, $0xF7A;
	s5 =	simm.s32 @!p2 $0x0  }
0x1d: {  	s5 =	simm.s32 @p1 $0x1;
	p0 =	seq.s32 s7, s2  }
0x1e: {  	s7 =	smul.u32 @!p0 $0xF7A, s2;
	p2 =	seq.s32 @!p0 s5, $0x0  }
0x1f: {  	s9 =	smul.u32 $0xF7A, s1;
	s8 =	simm.s32 @!p0 $0x1BF5;
	p2 =	por !p2, p0  }
0x20: {  	[sflag:s8] =	ssyncset.s32 @!p0 $0xFFFFF086;
	s6 =	sadd.s32 @!p0 s3, s7;
	s7 =	simm.s32 @!p0 $0x108  }
0x21: {  	s3 =	sadd.s32 s3, s9;
	s6 =	sadd.s32 @!p0 $0x88, s6;
	s7 =	simm.s32 @p2 $0x1082  }
0x22: {  	[simem:s7], [sflag:s8] =	dma.local @!p0 [hbm:s6], $0xF7A  }
0x23: {  	s9 =	sor.u32 $0xD0000000, s2;
	s6 =	simm.s32 $0x108;
	_ =	swait.ge @!p0 [sflag:s8], $0x0  }
0x24: {  	s3 =	sadd.s32 $0x88, s3;
	s6 =	simm.s32 @!p1 $0x1082;
	[sflag:s4] =	ssyncset.s32 $0xFFFFF086  }
0x25: {  	[simem:s6], [sflag:s4] =	dma.local [hbm:s3], $0xF7A  }
0x26: {  	[smem:$0x3F9B] =	sst s1;
	(tag) =	ssettag s2;
	_ =	strace s9  }
0x27: {  	s1 =	sld [smem:$0x3FAB]  }
0x28: {  	s2 =	sld [smem:$0x3FAC]  }
0x29: {  	s4 =	sld [smem:$0x3FAE]  }
0x2a: {  	p0 =	seq.s32 s5, $0x0;
	s5 =	sld [smem:$0x3FAF]  }
0x2b: {  	s6 =	sld [smem:$0x3FB0]  }
0x2c: {  	s7 =	sld [smem:$0x3FB1]  }
0x2d: {  	s3 =	simm.s32 $0x108;
	s8 =	sld [smem:$0x3FB2]  }
0x2e: {  	s3 =	simm.s32 @!p0 $0x1082;
	s9 =	sld [smem:$0x3FB3]  }
0x2f: {  	lr =	sadd.s32 s0, s3;
	s0 =	sld [smem:$0x3FAA]  }
0x30: {  	s3 =	sld [smem:$0x3FAD]  }
0x31: {  	[smem:$0x3FB6] =	sst s10  }
0x32: {  	s10 =	sld [smem:$0x3FB4];
	_ =	sdelay $0x3  }
0x33: {  	p0 =	seq.s32 s10, $0x1;
	s10 =	sld [smem:$0x3FB6];
	_ =	sdelay $0x3  }
0x34: {  	[smem:$0x3FB6] =	sst s10  }
0x35: {  	s10 =	sld [smem:$0x3FB5];
	_ =	sdelay $0x3  }
0x36: {  	p1 =	seq.s32 s10, $0x1;
	s10 =	sld [smem:$0x3FB6];
	_ =	sdelay $0x3  }
0x37: {  	[smem:$0x3FB6] =	sst s10  }
0x38: {  	s10 =	sld [smem:$0x3FB7]  }
0x39: {  	_ = 	snop;
	(pc) =	sbr.ind lr, $3  }
0x3a: {  	_ = 	snop  }
0x3b: {  	_ = 	snop  }
0x3c: {  	p2 =	seq.s32 s10, $0x1;
	s10 =	sld [smem:$0x3FB6]  }
0x3d: {  	_ =	shalt  }
0x3e: {  	_ =	shalt  }
0x3f: {  	_ =	shalt  }
0x40: {  	_ =	shalt  }
0x41: {  	_ =	shalt  }
0x42: {  	_ =	shalt  }
0x43: {  	_ =	shalt  }
0x44: {  	_ =	shalt  }
0x45: {  	_ =	shalt  }
0x46: {  	_ =	shalt  }
0x47: {  	_ =	shalt  }
0x48: {  	_ =	shalt  }
0x49: {  	_ =	shalt  }
0x4a: {  	_ =	shalt  }
0x4b: {  	_ =	shalt  }
0x4c: {  	_ =	shalt  }
0x4d: {  	_ =	shalt  }
0x4e: {  	_ =	shalt  }
0x4f: {  	_ =	shalt  }
0x50: {  	_ =	shalt  }
0x51: {  	_ =	shalt  }
0x52: {  	_ =	shalt  }
0x53: {  	_ =	shalt  }
0x54: {  	_ =	shalt  }
0x55: {  	_ =	shalt  }
0x56: {  	_ =	shalt  }
0x57: {  	_ =	shalt  }
0x58: {  	_ =	shalt  }
0x59: {  	_ =	shalt  }
0x5a: {  	_ =	shalt  }
0x5b: {  	_ =	shalt  }
0x5c: {  	_ =	shalt  }
0x5d: {  	_ =	shalt  }
0x5e: {  	_ =	shalt  }
0x5f: {  	_ =	shalt  }
0x60: {  	_ =	shalt  }
0x61: {  	_ =	shalt  }
0x62: {  	_ =	shalt  }
0x63: {  	_ =	shalt  }
0x64: {  	_ =	shalt  }
0x65: {  	_ =	shalt  }
0x66: {  	_ =	shalt  }
0x67: {  	_ =	shalt  }
0x68: {  	_ =	shalt  }
0x69: {  	_ =	shalt  }
0x6a: {  	_ =	shalt  }
0x6b: {  	_ =	shalt  }
0x6c: {  	_ =	shalt  }
0x6d: {  	_ =	shalt  }
0x6e: {  	_ =	shalt  }
0x6f: {  	_ =	shalt  }
0x70: {  	_ =	shalt  }
0x71: {  	_ =	shalt  }
0x72: {  	_ =	shalt  }
0x73: {  	_ =	shalt  }
0x74: {  	_ =	shalt  }
0x75: {  	_ =	shalt  }
0x76: {  	_ =	shalt  }
0x77: {  	_ =	shalt  }
0x78: {  	_ =	shalt  }
0x79: {  	_ =	shalt  }
0x7a: {  	_ =	shalt  }
0x7b: {  	_ =	shalt  }
0x7c: {  	_ =	shalt  }
0x7d: {  	_ =	shalt  }
0x7e: {  	_ =	shalt  }
0x7f: {  	_ =	shalt  }
0x80: {  	_ =	shalt  }
0x81: {  	_ =	shalt  }
0x82: {  	_ =	shalt  }
0x83: {  	_ =	shalt  }
0x84: {  	_ =	shalt  }
0x85: {  	_ =	shalt  }
0x86: {  	_ =	shalt  }
0x87: {  	_ =	shalt  }
.Lfunc_end0:
.L_simem_size_0:
called_computation_lowered:
.L_overlay_start_0:
0x88: {  	s2 =	sld [smem:$0x3FD9]  }
0x89: {  	s3 =	sld [smem:$0x3FFE];
	_ =	sdelay $0x1  }
0x8a: {  	s1 =	srdreg.scid  }
0x8b: {  	s0 =	sand.u32 $0x1, s1  }
0x8c: {  	s17 =	sshll.u32 s0, $0xA;
	s2 =	sadd.s32 s3, s2  }
0x8d: {  	s2 =	sadd.s32 s2, s17  }
0x8e: {  	[smem:$0x3FC2] =	sst s2  }
0x8f: {  	_ = 	snop  }
0x90: {  	s2 =	sld [smem:$0x3FD0];
	(tm) =	ssettm $0x1  }
0x91: {  	s18 =	sld [smem:$0x3FFB];
	_ =	sdelay $0x3  }
0x92: {  	_ =	strace s18  }
0x93: {  	s3 =	sld [smem:$0x3FFC];
	_ =	sdelay $0x3  }
0x94: {  	_ =	strace s3  }
0x95: {  	s3 =	sld [smem:$0x3FFD];
	_ =	sdelay $0x3  }
0x96: {  	_ =	strace s3  }
0x97: {  	_ =	strace $0x8FFFFFFF  }
0x98: {  	s19 =	sld [smem:$0x3FDB];
	_ =	sdelay $0x1  }
0x99: {  	s4 =	simm.s32 $_scs_section_size  }
0x9a: {  	s5 =	simm.s32 $_size__tile_overlayer_lowered;
	s6 =	simm.s32 $_tile_overlayer_lowered  }
0x9b: {  	s22 =	simm.s32 $0x1BFF;
	s21 =	sshll.u32 s6, $0x1;
	s3 =	sadd.s32 s4, s19  }
0x9c: {  	s7 =	simm.s32 $0x0;
	s20 =	sshll.u32 s5, $0x1;
	s5 =	sadd.s32 s21, s3  }
0x9d: {  	[timem:s7], [sflag:s22] =	dma.local [hbm:s5], s20  }
0x9e: {  	_ =	swait.ge [sflag:s22], s20  }
0x9f: {  	s4 =	ssub.s32 $0x0, s20;
	[sflag:s22] =	ssyncset.done $0x0  }
0xa0: {  	[sflag:s22] =	ssyncadd.s32 s4;
	_ =	sdelay $0x1  }
0xa1: {  	s23 =	simm.s32 $0x1B8B  }
0xa2: {  	_ =	swait.ge [sflag:s23], $0x1  }
0xa3: {  	[sflag:s23] =	ssyncset.done $0x0  }
0xa4: {  	s25 =	simm.s32 $0x1B8E;
	s24 =	sld [smem:$0x3FFE];
	[sflag:s23] =	ssyncadd.s32 $0xFFFFFFFF  }
0xa5: {  	s26 =	simm.s32 $execute0_lowered;
	[smem:$0x3FD2] =	sst s25  }
0xa6: {  	s5 =	sshll.u32 s26, $0x1;
	_ =	strace $0x80000046;
	[dreg:$0x1] =	wrdreg $0xFFFFFFFF  }
0xa7: {  	s28 =	simm.s32 $_size_execute0_lowered;
	s3 =	sadd.s32 s3, s5;
	[dreg:$0x0] =	wrdreg $0x0  }
0xa8: {  	s5 =	sshll.u32 s28, $0x1;
	[dreg:$0x2] =	wrdreg s3  }
0xa9: {  	[dreg:$0x3] =	wrdreg s5  }
0xaa: {  	[dreg:$0x4] =	wrdreg $0xC0  }
0xab: {  	_ =	task [dreg:s7], $0x5FFFF  }
0xac: {  	[dreg:$0x1] =	wrdreg $0xFFFFFFFF  }
0xad: {  	[dreg:$0x0] =	wrdreg $0x60  }
0xae: {  	[dreg:$0x2] =	wrdreg s2  }
0xaf: {  	[dreg:$0x3] =	wrdreg s24  }
0xb0: {  	[dreg:$0x4] =	wrdreg $0x12000  }
0xb1: {  	[dreg:$0x5] =	wrdreg $0x9  }
0xb2: {  	_ =	task.clear_ibuf [dreg:s7], $0x6FFFF;
	_ =	strace $0x90000046  }
0xb3: {  	s29 =	simm.s32 $0x9;
	_ =	strace $0x80000048  }
0xb4: {  	_ =	swait.ge [sflag:s29], $0x1  }
0xb5: {  	[sflag:s29] =	ssyncadd.s32 $0xFFFFFFFF  }
0xb6: {  	_ =	strace $0x90000048  }
0xb7: {  	_ =	sfence  }
0xb8: {  	s30 =	sld [smem:$0x0];
	_ =	sdelay $0x2  }
0xb9: {  	s31 =	sshll.u32 s1, $0xD;
	s1 =	sshrl.u32 s1, $0x2  }
0xba: {  	s3 =	sand.u32 $0x4000, s31;
	s1 =	sadd.s32 s1, s30  }
0xbb: {  	s0 =	sor.u32 s3, s0;
	s1 =	sshll.u32 s1, $0x11  }
0xbc: {  	s0 =	sor.u32 s1, s0  }
0xbd: {  	s0 =	sadd.s32 $0x8F2B, s0  }
0xbe: {  	[sflag:s0] =	ssyncadd.remote.s32 $0x1  }
0xbf: {  	_ =	sfence.sel $0xFFFF  }
0xc0: {  	[dreg:$0x0] =	wrdreg $0xFFFFFFFF;
	(pc) =	sbr.abs _section_cstart, $3  }
0xc1: {  	[dreg:$0x1] =	wrdreg $0xFFFFFFFF  }
0xc2: {  	_ =	task.clear_ibuf [dreg:s7], $0x2FFFF;
	_ =	strace $0x9FFFFFFF  }
0xc3: {  	(tm) =	ssettm $0x7FFFFFFF  }
tec
execute0_lowered:
.L_overlay_start_1:
0x0: {  	(tag) =	ssettag $0x1  }
0x1: {  	s13 =	rddreg [dreg:$0x0]  }
0x2: {  	s12 =	rddreg [dreg:$0x1]  }
0x3: {  	s2 =	rddreg [dreg:$0x2]  }
0x4: {  	s0 =	rddreg [dreg:$0x3]  }
0x5: {  	s3 =	simm.s32 $0x0;
	s4 =	srdreg.scid;
	s1 =	stileid.u32  }
0x6: {  	s18 =	simm.s32 $0x2800;
	s19 =	simm.s32 $0x180;
	s20 =	simm.s32 $0x1  }
0x7: {  	s21 =	simm.s32 $0x2;
	s22 =	simm.s32 $0x3;
	s23 =	simm.s32 $0x4  }
0x8: {  	s25 =	simm.s32 $0x0;
	[smem:$0x7FF] =	sst s3;
	s5 =	smul.u32 $0xA000, s1  }
0x9: {  	s11 =	sand.u32 $0x1, s4;
	s4 =	sadd.s32 $0x2400, s12;
	s14 =	smul.u32 $0x2800, s1  }
0xa: {  	s17 =	smul.u32 $0x1400, s1;
	s24 =	sshll.u32 s1, $0x6;
	_ =	strace $0x80000047  }
0xb: {  	s6 =	ssub.s32 $0x2, s11;
	s16 =	smul.u32 $0x14000, s11;
	p0 =	seq.s32 s11, $0x1  }
0xc: {  	s24 =	sor.u32 $0x1C05, s24;
	s7 =	sshrl.u32 s6, $0x1;
	s8 =	sshrl.u32 s5, $0x2  }
0xd: {  	s5 =	sadd.s32 $0x2600, s12;
	s18 =	simm.s32 @!p0 $0x7800;
	s15 =	ssub.s32 s6, s7  }
0xe: {  	s10 =	sadd.s32 s8, s2;
	s6 =	sadd.s32 s14, s2;
	s14 =	sshrl.u32 s14, $0x3  }
0xf: {  	s16 =	sadd.s32 s17, s16;
	s12 =	sadd.s32 s18, s12;
	s17 =	simm.s32 $0x80  }
0x10: {  	s18 =	simm.s32 $0x100;
	s7 =	sadd.s32 $0x800, s10;
	s8 =	sadd.s32 $0x1000, s10  }
0x11: {  	s9 =	sadd.s32 $0x1800, s10;
	s10 =	sadd.s32 $0x2000, s10;
	s11 =	smax.u32 s15, $0x1  }
0x12: {  	s31 =	sshrl.u32 s16, $0x3;
	s12 =	sadd.s32 s12, s14;
	s14 =	simm.s32 $0x200  }
0x13: {  	s15 =	simm.s32 $0x5;
	s16 =	simm.s32 $0xA00;
	s13 =	sadd.s32 s31, s13  }
.LBB2_1:
0x14: {  	[tilespmem:s14], [sflag:$0x5] =	stream.linear.gather [hbm4b:s4+s3], $0x800, $0x38;
	[tilespmem:$0x3A00] =	vst v63  }
0x15: {  	_ =	swait.ge [sflag:s15], $0x800  }
0x16: {  	[sflag:s15] =	ssyncset.done $0x0  }
0x17: {  	[sflag:s15] =	ssyncadd.s32 $0xFFFFF800  }
0x18: {  	[tilespmem:s16], [sflag:$0x5] =	stream.linear.gather [hbm4b:s5+s3], $0x800, $0x38;
	[tilespmem:$0x3A00] =	vst v63  }
0x19: {  	_ =	swait.ge [sflag:s15], $0x800  }
0x1a: {  	[sflag:s15] =	ssyncset.done $0x0  }
0x1b: {  	[sflag:s15] =	ssyncadd.s32 $0xFFFFF800  }
0x1c: {  	[spmem:s6] =	stream.linear.scatter [tilespmem:s16], [sflag:$0x5], $0x800, $0x38;
	[tilespmem:$0x3A00] =	vst v63  }
0x1d: {  	_ =	swait.ge [sflag:s15], $0x800  }
0x1e: {  	[sflag:s15] =	ssyncset.done $0x0  }
0x1f: {  	[sflag:s15] =	ssyncadd.s32 $0xFFFFF800  }
0x20: {  	[spmem:s7] =	stream.linear.scatter [tilespmem:s16], [sflag:$0x5], $0x800, $0x38;
	[tilespmem:$0x3A00] =	vst v63  }
0x21: {  	_ =	swait.ge [sflag:s15], $0x800  }
0x22: {  	[sflag:s15] =	ssyncset.done $0x0  }
0x23: {  	[sflag:s15] =	ssyncadd.s32 $0xFFFFF800  }
0x24: {  	[spmem:s8] =	stream.linear.scatter [tilespmem:s16], [sflag:$0x5], $0x800, $0x38;
	[tilespmem:$0x3A00] =	vst v63  }
0x25: {  	_ =	swait.ge [sflag:s15], $0x800  }
0x26: {  	[sflag:s15] =	ssyncset.done $0x0  }
0x27: {  	[sflag:s15] =	ssyncadd.s32 $0xFFFFF800  }
0x28: {  	[spmem:s9] =	stream.linear.scatter [tilespmem:s16], [sflag:$0x5], $0x800, $0x38;
	[tilespmem:$0x3A00] =	vst v63  }
0x29: {  	_ =	swait.ge [sflag:s15], $0x800  }
0x2a: {  	[sflag:s15] =	ssyncset.done $0x0  }
0x2b: {  	[sflag:s15] =	ssyncadd.s32 $0xFFFFF800  }
0x2c: {  	[spmem:s10] =	stream.linear.scatter [tilespmem:s16], [sflag:$0x5], $0x800, $0x38;
	[tilespmem:$0x3A00] =	vst v63  }
0x2d: {  	_ =	swait.ge [sflag:s15], $0x800  }
0x2e: {  	[sflag:s15] =	ssyncset.done $0x0  }
0x2f: {  	[sflag:s15] =	ssyncadd.s32 $0xFFFFF800  }
0x30: {  	s26 =	sadd.s32 $0x0, s13;
	[bflag:$0x0] =	sbarrier.arrive $0xFFFF  }
0x31: {  	[tilespmem:s3], [sflag:$0x5] =	stream.linear.gather [hbm4b:s26+s3], $0x200, $0x38;
	[tilespmem:$0x3A00] =	vst v63  }
0x32: {  	_ =	swait.ge [sflag:s15], $0x200  }
0x33: {  	[sflag:s15] =	ssyncset.done $0x0  }
0x34: {  	[sflag:s15] =	ssyncadd.s32 $0xFFFFFE00  }
0x35: {  	[spmem:s2] =	stream.indirect.scatter.add.f32 [tilespmem:s14], [sflag:$0x1], $0x10, s3, s17, $0xb8;
	[tilespmem:$0x3A00] =	vst v63  }
0x36: {  	_ = 	snop  }
0x37: {  	[spmem:s2] =	stream.indirect.scatter.add.f32 [tilespmem:s14], [sflag:$0x2], $0x10, s17, s17, $0xb8;
	[tilespmem:$0x3A00] =	vst v63  }
0x38: {  	_ = 	snop  }
0x39: {  	[spmem:s2] =	stream.indirect.scatter.add.f32 [tilespmem:s14], [sflag:$0x3], $0x10, s18, s17, $0xb8;
	[tilespmem:$0x3A00] =	vst v63  }
0x3a: {  	_ = 	snop  }
0x3b: {  	[spmem:s2] =	stream.indirect.scatter.add.f32 [tilespmem:s14], [sflag:$0x4], $0x10, s19, s17, $0xb8;
	[tilespmem:$0x3A00] =	vst v63  }
0x3c: {  	_ =	swait.ge [sflag:s20], $0x800  }
0x3d: {  	[sflag:s20] =	ssyncset.done $0x0  }
0x3e: {  	[sflag:s20] =	ssyncadd.s32 $0xFFFFF800  }
0x3f: {  	_ =	swait.ge [sflag:s21], $0x800  }
0x40: {  	[sflag:s21] =	ssyncset.done $0x0  }
0x41: {  	[sflag:s21] =	ssyncadd.s32 $0xFFFFF800  }
0x42: {  	_ =	swait.ge [sflag:s22], $0x800  }
0x43: {  	[sflag:s22] =	ssyncset.done $0x0  }
0x44: {  	[sflag:s22] =	ssyncadd.s32 $0xFFFFF800  }
0x45: {  	_ =	swait.ge [sflag:s23], $0x800  }
0x46: {  	s28 =	simm.s32 $0x80;
	s26 =	simm.s32 $0x40;
	[sflag:s23] =	ssyncset.done $0x0  }
.LBB2_2:
0x47: {  	s29 =	sadd.s32 s26, s13  }
0x48: {  	[sflag:s23] =	ssyncadd.s32 $0xFFFFF800;
	s26 =	smov.u32 s28;
	s30 =	sadd.s32 $0x40, s28  }
0x49: {  	[tilespmem:s3], [sflag:$0x5] =	stream.linear.gather [hbm4b:s29+s3], $0x200, $0x38;
	[tilespmem:$0x3A00] =	vst v63  }
0x4a: {  	p0 =	sne.s32 s28, $0x240;
	_ =	swait.ge [sflag:s15], $0x200  }
0x4b: {  	[sflag:s15] =	ssyncset.done $0x0  }
0x4c: {  	[sflag:s15] =	ssyncadd.s32 $0xFFFFFE00  }
0x4d: {  	[spmem:s2] =	stream.indirect.scatter.add.f32 [tilespmem:s14], [sflag:$0x1], $0x10, s3, s17, $0xb8;
	[tilespmem:$0x3A00] =	vst v63  }
0x4e: {  	_ = 	snop  }
0x4f: {  	[spmem:s2] =	stream.indirect.scatter.add.f32 [tilespmem:s14], [sflag:$0x2], $0x10, s17, s17, $0xb8;
	[tilespmem:$0x3A00] =	vst v63  }
0x50: {  	_ = 	snop  }
0x51: {  	[spmem:s2] =	stream.indirect.scatter.add.f32 [tilespmem:s14], [sflag:$0x3], $0x10, s18, s17, $0xb8;
	[tilespmem:$0x3A00] =	vst v63  }
0x52: {  	_ = 	snop  }
0x53: {  	[spmem:s2] =	stream.indirect.scatter.add.f32 [tilespmem:s14], [sflag:$0x4], $0x10, s19, s17, $0xb8;
	[tilespmem:$0x3A00] =	vst v63  }
0x54: {  	_ =	swait.ge [sflag:s20], $0x800  }
0x55: {  	[sflag:s20] =	ssyncset.done $0x0  }
0x56: {  	[sflag:s20] =	ssyncadd.s32 $0xFFFFF800  }
0x57: {  	_ =	swait.ge [sflag:s21], $0x800  }
0x58: {  	[sflag:s21] =	ssyncset.done $0x0  }
0x59: {  	[sflag:s21] =	ssyncadd.s32 $0xFFFFF800  }
.Ltmp0:
0x5a: {  	_ =	swait.ge [sflag:s22], $0x800;
	(pc) =	sbr.rel @p0 .LBB2_2-.Ltmp0, $4  }
0x5b: {  	[sflag:s22] =	ssyncset.done $0x0  }
0x5c: {  	[sflag:s22] =	ssyncadd.s32 $0xFFFFF800  }
0x5d: {  	_ =	swait.ge [sflag:s23], $0x800  }
0x5e: {  	s28 =	smov.u32 s30;
	[sflag:s23] =	ssyncset.done $0x0  }
0x5f: {  	s26 =	sadd.s32 s26, s13;
	[sflag:s23] =	ssyncadd.s32 $0xFFFFF800  }
0x60: {  	[tilespmem:s3], [sflag:$0x5] =	stream.linear.gather [hbm4b:s26+s3], $0x200, $0x38;
	[tilespmem:$0x3A00] =	vst v63  }
0x61: {  	_ =	swait.ge [sflag:s15], $0x200  }
0x62: {  	[sflag:s15] =	ssyncset.done $0x0  }
0x63: {  	[sflag:s15] =	ssyncadd.s32 $0xFFFFFE00  }
0x64: {  	[spmem:s2] =	stream.indirect.scatter.add.f32 [tilespmem:s14], [sflag:$0x1], $0x10, s3, s17, $0xb8;
	[tilespmem:$0x3A00] =	vst v63  }
0x65: {  	_ = 	snop  }
0x66: {  	[spmem:s2] =	stream.indirect.scatter.add.f32 [tilespmem:s14], [sflag:$0x2], $0x10, s17, s17, $0xb8;
	[tilespmem:$0x3A00] =	vst v63  }
0x67: {  	_ = 	snop  }
0x68: {  	[spmem:s2] =	stream.indirect.scatter.add.f32 [tilespmem:s14], [sflag:$0x3], $0x10, s18, s17, $0xb8;
	[tilespmem:$0x3A00] =	vst v63  }
0x69: {  	_ = 	snop  }
0x6a: {  	[spmem:s2] =	stream.indirect.scatter.add.f32 [tilespmem:s14], [sflag:$0x4], $0x10, s19, s17, $0xb8;
	[tilespmem:$0x3A00] =	vst v63  }
0x6b: {  	_ =	swait.ge [sflag:s20], $0x800  }
0x6c: {  	[sflag:s20] =	ssyncset.done $0x0  }
0x6d: {  	[sflag:s20] =	ssyncadd.s32 $0xFFFFF800  }
0x6e: {  	_ =	swait.ge [sflag:s21], $0x800  }
0x6f: {  	[sflag:s21] =	ssyncset.done $0x0  }
0x70: {  	[sflag:s21] =	ssyncadd.s32 $0xFFFFF800  }
0x71: {  	_ =	swait.ge [sflag:s22], $0x800  }
0x72: {  	[sflag:s22] =	ssyncset.done $0x0  }
0x73: {  	[sflag:s22] =	ssyncadd.s32 $0xFFFFF800  }
0x74: {  	_ =	swait.ge [sflag:s23], $0x800  }
0x75: {  	s25 =	sadd.s32 $0x1, s25;
	[sflag:s23] =	ssyncset.done $0x0  }
0x76: {  	p0 =	sne.s32 s25, s11;
	[sflag:s23] =	ssyncadd.s32 $0xFFFFF800  }
.Ltmp1:
0x77: {  	s31 =	sshrl.u32 s6, $0x3;
	[bflag:$0x0] =	sbarrier.arrive $0xFFFF;
	(pc) =	sbr.rel @p0 .LBB2_1-.Ltmp1, $4  }
0x78: {  	[hbm:s12], [sflag:s24] =	dma.local [spmem:s31], $0x500  }
0x79: {  	_ =	swait.ge [sflag:s15], $0x500  }
0x7a: {  	[sflag:s15] =	ssyncset.done $0x0  }
0x7b: {  	[sflag:s15] =	ssyncadd.s32 $0xFFFFFB00  }
0x7c: {  	_ =	sfence.sel $0x180000  }
0x7d: {  	[bflag:$0x0] =	sbarrier.arrive $0xFFFF  }
0x7e: {  	p0 =	sne.s32 s1, $0x0;
	_ =	strace $0x90000047  }
0x7f: {  	s0 =	sadd.s32 @!p0 $0x100000, s0;
	[bflag:$0x2] =	sbarrier.arrive $0xFFFF  }
0x80: {  	[sflag:s0] =	ssyncadd.tile.s32 @!p0 $0x1;
	_ =	shalt  }
.Lfunc_end2:
_tile_overlayer_lowered:
.L_overlay_start_2:
0x81: {  	(tag) =	ssettag $0x2  }
0x82: {  	s0 =	rddreg [dreg:$0x0];
	s2 =	stileid.u32  }
0x83: {  	s1 =	rddreg [dreg:$0x1];
	p0 =	sne.s32 s2, $0x0  }
0x84: {  	s3 =	rddreg [dreg:$0x2];
	[bflag:$0x3] =	sbarrier.arrive $0xFFFF;
	s2 =	simm.s32 @!p0 $0x1C05  }
0x85: {  	[timem:s3], [sflag:s2] =	dma.local @!p0 [hbm:s0], s1  }
0x86: {  	s0 =	simm.s32 @!p0 $0x5  }
0x87: {  	_ =	swait.ge @!p0 [sflag:s0], s1  }
0x88: {  	s1 =	ssub.s32 @!p0 $0x0, s1;
	[sflag:s0] =	ssyncset.done @!p0 $0x0  }
0x89: {  	[sflag:s0] =	ssyncadd.s32 @!p0 s1  }
0x8a: {  	[bflag:$0x3] =	sbarrier.arrive $0xFFFF  }
0x8b: {  	_ =	shalt  }

</sc_bundles>
